<compile_context>
chip_gen: v7x
topology: tpu7x:2x2x1
jax: 0.10.2.dev20260603
libtpu: 0.0.44.dev20260713+nightly
codegen_flags: <defaults>
</compile_context>

<pallas_src>
import functools
import math

import jax
import jax.numpy as jnp
from jax import lax
from jax.experimental import pallas as pl
from jax.experimental.pallas import tpu as pltpu
from jax.experimental.pallas import tpu_sc as plsc

VOCAB = 1000000
DIM = 64
LANES = 16
PW = 128
SCALE = math.sqrt(DIM)

_info = plsc.get_sparse_core_info()
_NC = _info.num_cores
_NW = _NC * _info.num_subcores

_mesh = plsc.VectorSubcoreMesh(core_axis_name="c", subcore_axis_name="s")
_params = pltpu.CompilerParams(
    use_tc_tiling_on_sc=True, needs_layout_passes=False
)

_PBK = 8192


def _pad_body(x_ref, o_ref):
    y = jnp.transpose(x_ref[...]) * jnp.float32(SCALE)
    o_ref[...] = jnp.concatenate(
        [y, jnp.zeros((_PBK, PW - DIM), jnp.float32)], axis=1
    )


_pad_tc = pl.pallas_call(
    _pad_body,
    grid=(pl.cdiv(VOCAB, _PBK),),
    in_specs=[pl.BlockSpec((DIM, _PBK), lambda i: (0, i))],
    out_specs=pl.BlockSpec((_PBK, PW), lambda i: (i, 0)),
    out_shape=jax.ShapeDtypeStruct((VOCAB, PW), jnp.float32),
)


@functools.lru_cache(maxsize=None)
def _make_lookup(BA, T):
    assert BA // 128 == _NW and BA % 128 == 0 and T % 4 == 0

    @functools.partial(
        pl.kernel,
        mesh=_mesh,
        out_type=jax.ShapeDtypeStruct((T, DIM, BA), jnp.float32),
        scratch_types=[
            pltpu.VMEM((T, 128), jnp.int32),
            pltpu.VMEM((128, PW), jnp.float32),
            pltpu.VMEM((128, PW), jnp.float32),
            pltpu.VMEM((128, PW), jnp.float32),
            pltpu.VMEM((128, PW), jnp.float32),
            pltpu.VMEM((DIM, 128), jnp.float32),
            pltpu.VMEM((DIM, 128), jnp.float32),
            pltpu.SemaphoreType.DMA,
            pltpu.SemaphoreType.DMA,
            pltpu.SemaphoreType.DMA,
            pltpu.SemaphoreType.DMA,
            pltpu.SemaphoreType.DMA,
            pltpu.SemaphoreType.DMA,
        ],
        compiler_params=_params,
    )
    def _lookup(
        idxt_hbm, p_hbm, out_hbm,
        ibig, rows0, rows1, rows2, rows3, sb0, sb1,
        gs0, gs1, gs2, gs3, ws0, ws1,
    ):
        wid = lax.axis_index("s") * _NC + lax.axis_index("c")
        b0 = pl.multiple_of(wid * 128, 128)
        iota = lax.iota(jnp.int32, LANES)
        colgs = [iota + (g * LANES) for g in range(8)]

        pltpu.sync_copy(idxt_hbm.at[:, pl.ds(b0, 128)], ibig)

        def fetch(t, rows, gs):
            pltpu.async_copy(p_hbm.at[ibig.at[t]], rows, gs)

        def gwait(rows, gs):
            pltpu.make_async_copy(p_hbm.at[pl.ds(0, 128)], rows, gs).wait()

        def put(t, sb, ws):
            pltpu.async_copy(sb, out_hbm.at[t, :, pl.ds(b0, 128)], ws)

        def wwait(sb, ws):
            pltpu.make_async_copy(
                sb, out_hbm.at[0, :, pl.ds(b0, 128)], ws
            ).wait()

        def transpose(rows, sb):
            def d_body(k, c):
                for u in range(4):
                    d = k * 4 + u
                    rowv = jnp.bitwise_and(iota + d, DIM - 1)
                    for g in range(8):
                        val = plsc.load_gather(rows, [colgs[g], rowv])
                        plsc.store_scatter(sb, [rowv, colgs[g]], val)
                return c

            lax.fori_loop(0, DIM // 4, d_body, 0)

        rbufs = [rows0, rows1, rows2, rows3]
        gsems = [gs0, gs1, gs2, gs3]
        sbufs = [sb0, sb1]
        wsems = [ws0, ws1]

        for j in range(3):
            fetch(j, rbufs[j], gsems[j])

        def body(k, carry):
            t = k * 4
            for j in range(4):
                nt = t + j + 3

                @pl.when(nt < T)
                def _(nt=nt, j=j):
                    fetch(nt, rbufs[(j + 3) % 4], gsems[(j + 3) % 4])

                if j < 2:

                    @pl.when(k > 0)
                    def _(j=j):
                        wwait(sbufs[j], wsems[j])

                else:
                    wwait(sbufs[j % 2], wsems[j % 2])
                gwait(rbufs[j], gsems[j])
                transpose(rbufs[j], sbufs[j % 2])
                put(t + j, sbufs[j % 2], wsems[j % 2])
            return carry

        lax.fori_loop(0, T // 4, body, 0)
        wwait(sb0, ws0)
        wwait(sb1, ws1)

    return _lookup


def kernel(inp, table):
    ba, t = inp.shape
    idxt = inp.T.astype(jnp.int32)
    tpad = _pad_tc(table.T)
    out3 = _make_lookup(ba, t)(idxt, tpad)
    return jnp.transpose(out3, (2, 0, 1))

# --- scband reference (transcript-rebuilt; emitter-appended) ---
"""Pipeline reference for scband-embeddings-24962349924374 (READ-ONLY COPY).

The authoritative reference and input builder live on the scoring server;
editing this copy changes nothing except your own understanding.
"""

import jax, jax.numpy as jnp
import numpy as np
import math

VOCAB = 1000000
DIM = 64

def setup_inputs(seed: int = 0) -> dict:
    key = jax.random.key(seed)
    k1, k2 = jax.random.split(key)
    inp = jax.random.randint(k1, (4096, 200), 0, VOCAB, dtype=jnp.int64) if jax.config.jax_enable_x64 else jax.random.randint(k1, (4096, 200), 0, VOCAB, dtype=jnp.int32)
    table = jax.random.normal(k2, (VOCAB, DIM), dtype=jnp.float32)
    return {"inp": inp, "table": table}

def reference(inp, table):
    emb = jnp.take(table, inp, axis=0)
    return emb * math.sqrt(emb.shape[-1])

if __name__ == "__main__":
    import jax
    _d = setup_inputs()
    print(jax.jit(kernel)(*tuple(_d.values())))

</pallas_src>

<mosaic_0001>
#map = affine_map<(d0, d1) -> (0, 0)>
#map1 = affine_map<(d0, d1) -> (0, 0, 0)>
module attributes {stable_mosaic.version = 14 : i64} {
  func.func @_lookup(%arg0: i32, %arg1: i32, %arg2: memref<200x4096xi32, #tpu.memory_space<hbm>>, %arg3: memref<1000000x128xf32, #tpu.memory_space<hbm>>, %arg4: memref<200x64x4096xf32, #tpu.memory_space<hbm>>, %arg5: memref<200x128xi32, #tpu.memory_space<vmem>>, %arg6: memref<128x128xf32, #tpu.memory_space<vmem>>, %arg7: memref<128x128xf32, #tpu.memory_space<vmem>>, %arg8: memref<128x128xf32, #tpu.memory_space<vmem>>, %arg9: memref<128x128xf32, #tpu.memory_space<vmem>>, %arg10: memref<64x128xf32, #tpu.memory_space<vmem>>, %arg11: memref<64x128xf32, #tpu.memory_space<vmem>>, %arg12: memref<!tpu.dma_semaphore, #tpu.memory_space<semaphore_mem>>, %arg13: memref<!tpu.dma_semaphore, #tpu.memory_space<semaphore_mem>>, %arg14: memref<!tpu.dma_semaphore, #tpu.memory_space<semaphore_mem>>, %arg15: memref<!tpu.dma_semaphore, #tpu.memory_space<semaphore_mem>>, %arg16: memref<!tpu.dma_semaphore, #tpu.memory_space<semaphore_mem>>, %arg17: memref<!tpu.dma_semaphore, #tpu.memory_space<semaphore_mem>>) attributes {dimension_semantics = [#tpu.dimension_semantics<core_parallel>, #tpu.dimension_semantics<subcore_parallel>], iteration_bounds = array<i64: 2, 16>, scalar_prefetch = 0 : i64, scratch_operands = 13 : i64, tpu.core_type = #tpu.core_type<sc_vector_subcore>, window_params = [{transform_indices = #map}, {transform_indices = #map}, {transform_indices = #map1}]} {
    %mul3A = arith.constant 2 : i32
    %mul3A_0 = arith.muli %arg1, %mul3A : i32
    %add3A = arith.addi %mul3A_0, %arg0 : i32
    %mul3A_1 = arith.constant 128 : i32
    %mul3A_2 = arith.muli %add3A, %mul3A_1 : i32
    %multiple_of3A = tpu.assume_multiple %mul3A_2, 128 : i32
    %iota3A = tpu.iota {dimensions = array<i32: 0>} : vector<16xi32>
    %add3A_3 = arith.constant 0 : i32
    %add3A_4 = vector.broadcast %add3A_3 : i32 to vector<16xi32>
    %add3A_5 = arith.addi %iota3A, %add3A_4 : vector<16xi32>
    %add3A_6 = arith.constant 16 : i32
    %add3A_7 = vector.broadcast %add3A_6 : i32 to vector<16xi32>
    %add3A_8 = arith.addi %iota3A, %add3A_7 : vector<16xi32>
    %add3A_9 = arith.constant 32 : i32
    %add3A_10 = vector.broadcast %add3A_9 : i32 to vector<16xi32>
    %add3A_11 = arith.addi %iota3A, %add3A_10 : vector<16xi32>
    %add3A_12 = arith.constant 48 : i32
    %add3A_13 = vector.broadcast %add3A_12 : i32 to vector<16xi32>
    %add3A_14 = arith.addi %iota3A, %add3A_13 : vector<16xi32>
    %add3A_15 = arith.constant 64 : i32
    %add3A_16 = vector.broadcast %add3A_15 : i32 to vector<16xi32>
    %add3A_17 = arith.addi %iota3A, %add3A_16 : vector<16xi32>
    %add3A_18 = arith.constant 80 : i32
    %add3A_19 = vector.broadcast %add3A_18 : i32 to vector<16xi32>
    %add3A_20 = arith.addi %iota3A, %add3A_19 : vector<16xi32>
    %add3A_21 = arith.constant 96 : i32
    %add3A_22 = vector.broadcast %add3A_21 : i32 to vector<16xi32>
    %add3A_23 = arith.addi %iota3A, %add3A_22 : vector<16xi32>
    %add3A_24 = arith.constant 112 : i32
    %add3A_25 = vector.broadcast %add3A_24 : i32 to vector<16xi32>
    %add3A_26 = arith.addi %iota3A, %add3A_25 : vector<16xi32>
    "tpu.region"() ({
      %run_scoped3A = tpu.sem_alloc : memref<!tpu.dma_semaphore, #tpu.memory_space<semaphore_mem>>
      %dma_start3A_65 = arith.constant 0 : i32
      %dma_start3A_66 = tpu.memref_slice %arg2[%dma_start3A_65, %multiple_of3A] : memref<200x4096xi32, #tpu.memory_space<hbm>> -> memref<200x128xi32, #tpu.memory_space<hbm>>
      %dma_start3A_67 = arith.constant 0 : i32
      %dma_start3A_68 = tpu.memref_slice %arg2[%dma_start3A_67, %multiple_of3A] : memref<200x4096xi32, #tpu.memory_space<hbm>> -> memref<200x128xi32, #tpu.memory_space<hbm>>
      tpu.enqueue_dma source(%dma_start3A_68 : memref<200x128xi32, #tpu.memory_space<hbm>>) target(%arg5 : memref<200x128xi32, #tpu.memory_space<vmem>>) target_semaphore(%run_scoped3A : memref<!tpu.dma_semaphore, #tpu.memory_space<semaphore_mem>>)
      %dma_wait3A_69 = arith.constant 0 : i32
      %dma_wait3A_70 = tpu.memref_slice %arg2[%dma_wait3A_69, %multiple_of3A] : memref<200x4096xi32, #tpu.memory_space<hbm>> -> memref<200x128xi32, #tpu.memory_space<hbm>>
      %dma_wait3A_71 = arith.constant 0 : i32
      %dma_wait3A_72 = tpu.memref_slice %arg2[%dma_wait3A_71, %multiple_of3A] : memref<200x4096xi32, #tpu.memory_space<hbm>> -> memref<200x128xi32, #tpu.memory_space<hbm>>
      tpu.wait_dma2 semaphore(%run_scoped3A : memref<!tpu.dma_semaphore, #tpu.memory_space<semaphore_mem>>) src(%dma_wait3A_72 : memref<200x128xi32, #tpu.memory_space<hbm>>) dst(%arg5 : memref<200x128xi32, #tpu.memory_space<vmem>>)
      tpu.yield
    }) : () -> ()
    %dma_start3A = arith.constant 0 : i32
    %dma_start3A_27 = arith.constant 0 : i32
    %dma_start3A_28 = tpu.memref_slice %arg5[%dma_start3A, %dma_start3A_27] : memref<200x128xi32, #tpu.memory_space<vmem>> -> memref<1x128xi32, #tpu.memory_space<vmem>>
    %dma_start3A_29 = tpu.memref_squeeze %dma_start3A_28 : memref<1x128xi32, #tpu.memory_space<vmem>> -> memref<128xi32, #tpu.memory_space<vmem>>
    %dma_start3A_30 = arith.constant 0 : i32
    %dma_start3A_31 = arith.constant 0 : i32
    %dma_start3A_32 = tpu.memref_slice %arg3[%dma_start3A_30, %dma_start3A_31] : memref<1000000x128xf32, #tpu.memory_space<hbm>> -> memref<1000000x128xf32, #tpu.memory_space<hbm>>
    tpu.enqueue_indirect_dma source(%dma_start3A_32 : memref<1000000x128xf32, #tpu.memory_space<hbm>>) target(%arg6 : memref<128x128xf32, #tpu.memory_space<vmem>>) offsets(%dma_start3A_29 : memref<128xi32, #tpu.memory_space<vmem>>) semaphore(%arg12 : memref<!tpu.dma_semaphore, #tpu.memory_space<semaphore_mem>>)
    %dma_start3A_33 = arith.constant 1 : i32
    %dma_start3A_34 = arith.constant 0 : i32
    %dma_start3A_35 = tpu.memref_slice %arg5[%dma_start3A_33, %dma_start3A_34] : memref<200x128xi32, #tpu.memory_space<vmem>> -> memref<1x128xi32, #tpu.memory_space<vmem>>
    %dma_start3A_36 = tpu.memref_squeeze %dma_start3A_35 : memref<1x128xi32, #tpu.memory_space<vmem>> -> memref<128xi32, #tpu.memory_space<vmem>>
    %dma_start3A_37 = arith.constant 0 : i32
    %dma_start3A_38 = arith.constant 0 : i32
    %dma_start3A_39 = tpu.memref_slice %arg3[%dma_start3A_37, %dma_start3A_38] : memref<1000000x128xf32, #tpu.memory_space<hbm>> -> memref<1000000x128xf32, #tpu.memory_space<hbm>>
    tpu.enqueue_indirect_dma source(%dma_start3A_39 : memref<1000000x128xf32, #tpu.memory_space<hbm>>) target(%arg7 : memref<128x128xf32, #tpu.memory_space<vmem>>) offsets(%dma_start3A_36 : memref<128xi32, #tpu.memory_space<vmem>>) semaphore(%arg13 : memref<!tpu.dma_semaphore, #tpu.memory_space<semaphore_mem>>)
    %dma_start3A_40 = arith.constant 2 : i32
    %dma_start3A_41 = arith.constant 0 : i32
    %dma_start3A_42 = tpu.memref_slice %arg5[%dma_start3A_40, %dma_start3A_41] : memref<200x128xi32, #tpu.memory_space<vmem>> -> memref<1x128xi32, #tpu.memory_space<vmem>>
    %dma_start3A_43 = tpu.memref_squeeze %dma_start3A_42 : memref<1x128xi32, #tpu.memory_space<vmem>> -> memref<128xi32, #tpu.memory_space<vmem>>
    %dma_start3A_44 = arith.constant 0 : i32
    %dma_start3A_45 = arith.constant 0 : i32
    %dma_start3A_46 = tpu.memref_slice %arg3[%dma_start3A_44, %dma_start3A_45] : memref<1000000x128xf32, #tpu.memory_space<hbm>> -> memref<1000000x128xf32, #tpu.memory_space<hbm>>
    tpu.enqueue_indirect_dma source(%dma_start3A_46 : memref<1000000x128xf32, #tpu.memory_space<hbm>>) target(%arg8 : memref<128x128xf32, #tpu.memory_space<vmem>>) offsets(%dma_start3A_43 : memref<128xi32, #tpu.memory_space<vmem>>) semaphore(%arg14 : memref<!tpu.dma_semaphore, #tpu.memory_space<semaphore_mem>>)
    %scan3A = arith.constant 0 : i32
    %scan3A_47 = arith.constant 0 : i32
    %scan3A_48 = arith.constant 50 : i32
    %scan3A_49 = arith.addi %scan3A_47, %scan3A_48 : i32
    %scan3A_50 = arith.constant 1 : i32
    scf.for %scan3A_65 = %scan3A_47 to %scan3A_49 step %scan3A_50  : i32 {
      %mul3A_66 = arith.constant 4 : i32
      %mul3A_67 = arith.muli %scan3A_65, %mul3A_66 : i32
      %add3A_68 = arith.constant 0 : i32
      %add3A_69 = arith.addi %mul3A_67, %add3A_68 : i32
      %add3A_70 = arith.constant 3 : i32
      %add3A_71 = arith.addi %add3A_69, %add3A_70 : i32
      %lt3A = arith.constant 200 : i32
      %lt3A_72 = arith.cmpi slt, %add3A_71, %lt3A : i32
      %convert_element_type3A = arith.extui %lt3A_72 : i1 to i32
      %cond3A = arith.constant 0 : i32
      %cond3A_73 = arith.cmpi ne, %convert_element_type3A, %cond3A : i32
      scf.if %cond3A_73 {
        %dma_start3A_204 = arith.constant 0 : i32
        %dma_start3A_205 = tpu.memref_slice %arg5[%add3A_71, %dma_start3A_204] : memref<200x128xi32, #tpu.memory_space<vmem>> -> memref<1x128xi32, #tpu.memory_space<vmem>>
        %dma_start3A_206 = tpu.memref_squeeze %dma_start3A_205 : memref<1x128xi32, #tpu.memory_space<vmem>> -> memref<128xi32, #tpu.memory_space<vmem>>
        %dma_start3A_207 = arith.constant 0 : i32
        %dma_start3A_208 = arith.constant 0 : i32
        %dma_start3A_209 = tpu.memref_slice %arg3[%dma_start3A_207, %dma_start3A_208] : memref<1000000x128xf32, #tpu.memory_space<hbm>> -> memref<1000000x128xf32, #tpu.memory_space<hbm>>
        tpu.enqueue_indirect_dma source(%dma_start3A_209 : memref<1000000x128xf32, #tpu.memory_space<hbm>>) target(%arg9 : memref<128x128xf32, #tpu.memory_space<vmem>>) offsets(%dma_start3A_206 : memref<128xi32, #tpu.memory_space<vmem>>) semaphore(%arg15 : memref<!tpu.dma_semaphore, #tpu.memory_space<semaphore_mem>>)
      } else {
      }
      %gt3A = arith.constant 0 : i32
      %gt3A_74 = arith.cmpi sgt, %scan3A_65, %gt3A : i32
      %convert_element_type3A_75 = arith.extui %gt3A_74 : i1 to i32
      %cond3A_76 = arith.constant 0 : i32
      %cond3A_77 = arith.cmpi ne, %convert_element_type3A_75, %cond3A_76 : i32
      scf.if %cond3A_77 {
        %dma_wait3A_204 = arith.constant 0 : i32
        %dma_wait3A_205 = arith.constant 0 : i32
        %dma_wait3A_206 = tpu.memref_slice %arg4[%dma_wait3A_204, %dma_wait3A_205, %multiple_of3A] : memref<200x64x4096xf32, #tpu.memory_space<hbm>> -> memref<1x64x128xf32, #tpu.memory_space<hbm>>
        %dma_wait3A_207 = tpu.memref_squeeze %dma_wait3A_206 : memref<1x64x128xf32, #tpu.memory_space<hbm>> -> memref<64x128xf32, #tpu.memory_space<hbm>>
        %dma_wait3A_208 = arith.constant 0 : i32
        %dma_wait3A_209 = tpu.memref_slice %arg4[%dma_wait3A_204, %dma_wait3A_208, %multiple_of3A] : memref<200x64x4096xf32, #tpu.memory_space<hbm>> -> memref<1x64x128xf32, #tpu.memory_space<hbm>>
        %dma_wait3A_210 = tpu.memref_squeeze %dma_wait3A_209 : memref<1x64x128xf32, #tpu.memory_space<hbm>> -> memref<64x128xf32, #tpu.memory_space<hbm>>
        tpu.wait_dma2 semaphore(%arg16 : memref<!tpu.dma_semaphore, #tpu.memory_space<semaphore_mem>>) src(%arg10 : memref<64x128xf32, #tpu.memory_space<vmem>>) dst(%dma_wait3A_210 : memref<64x128xf32, #tpu.memory_space<hbm>>)
      } else {
      }
      %dma_wait3A_78 = arith.constant 0 : i32
      %dma_wait3A_79 = arith.constant 0 : i32
      %dma_wait3A_80 = tpu.memref_slice %arg3[%dma_wait3A_78, %dma_wait3A_79] : memref<1000000x128xf32, #tpu.memory_space<hbm>> -> memref<128x128xf32, #tpu.memory_space<hbm>>
      %dma_wait3A_81 = arith.constant 0 : i32
      %dma_wait3A_82 = arith.constant 0 : i32
      %dma_wait3A_83 = tpu.memref_slice %arg3[%dma_wait3A_81, %dma_wait3A_82] : memref<1000000x128xf32, #tpu.memory_space<hbm>> -> memref<128x128xf32, #tpu.memory_space<hbm>>
      tpu.wait_dma2 semaphore(%arg12 : memref<!tpu.dma_semaphore, #tpu.memory_space<semaphore_mem>>) src(%dma_wait3A_83 : memref<128x128xf32, #tpu.memory_space<hbm>>) dst(%arg6 : memref<128x128xf32, #tpu.memory_space<vmem>>)
      %scan3A_84 = arith.constant 0 : i32
      %scan3A_85 = arith.constant 0 : i32
      %scan3A_86 = arith.constant 16 : i32
      %scan3A_87 = arith.addi %scan3A_85, %scan3A_86 : i32
      %scan3A_88 = arith.constant 1 : i32
      scf.for %scan3A_204 = %scan3A_85 to %scan3A_87 step %scan3A_88  : i32 {
        %mul3A_205 = arith.constant 4 : i32
        %mul3A_206 = arith.muli %scan3A_204, %mul3A_205 : i32
        %add3A_207 = arith.constant 0 : i32
        %add3A_208 = arith.addi %mul3A_206, %add3A_207 : i32
        %add3A_209 = vector.broadcast %add3A_208 : i32 to vector<16xi32>
        %add3A_210 = arith.addi %iota3A, %add3A_209 : vector<16xi32>
        %and3A = arith.constant 63 : i32
        %and3A_211 = vector.broadcast %and3A : i32 to vector<16xi32>
        %and3A_212 = arith.andi %add3A_210, %and3A_211 : vector<16xi32>
        %gather3A = tpu.vector_load_idx %arg6[%add3A_5, %and3A_212] : memref<128x128xf32, #tpu.memory_space<vmem>>[vector<16xi32>, vector<16xi32>], vector<16xf32>,
        tpu.vector_store_idx %arg10[%and3A_212, %add3A_5], %gather3A : memref<64x128xf32, #tpu.memory_space<vmem>>[vector<16xi32>, vector<16xi32>], vector<16xf32>,
        %gather3A_213 = tpu.vector_load_idx %arg6[%add3A_8, %and3A_212] : memref<128x128xf32, #tpu.memory_space<vmem>>[vector<16xi32>, vector<16xi32>], vector<16xf32>,
        tpu.vector_store_idx %arg10[%and3A_212, %add3A_8], %gather3A_213 : memref<64x128xf32, #tpu.memory_space<vmem>>[vector<16xi32>, vector<16xi32>], vector<16xf32>,
        %gather3A_214 = tpu.vector_load_idx %arg6[%add3A_11, %and3A_212] : memref<128x128xf32, #tpu.memory_space<vmem>>[vector<16xi32>, vector<16xi32>], vector<16xf32>,
        tpu.vector_store_idx %arg10[%and3A_212, %add3A_11], %gather3A_214 : memref<64x128xf32, #tpu.memory_space<vmem>>[vector<16xi32>, vector<16xi32>], vector<16xf32>,
        %gather3A_215 = tpu.vector_load_idx %arg6[%add3A_14, %and3A_212] : memref<128x128xf32, #tpu.memory_space<vmem>>[vector<16xi32>, vector<16xi32>], vector<16xf32>,
        tpu.vector_store_idx %arg10[%and3A_212, %add3A_14], %gather3A_215 : memref<64x128xf32, #tpu.memory_space<vmem>>[vector<16xi32>, vector<16xi32>], vector<16xf32>,
        %gather3A_216 = tpu.vector_load_idx %arg6[%add3A_17, %and3A_212] : memref<128x128xf32, #tpu.memory_space<vmem>>[vector<16xi32>, vector<16xi32>], vector<16xf32>,
        tpu.vector_store_idx %arg10[%and3A_212, %add3A_17], %gather3A_216 : memref<64x128xf32, #tpu.memory_space<vmem>>[vector<16xi32>, vector<16xi32>], vector<16xf32>,
        %gather3A_217 = tpu.vector_load_idx %arg6[%add3A_20, %and3A_212] : memref<128x128xf32, #tpu.memory_space<vmem>>[vector<16xi32>, vector<16xi32>], vector<16xf32>,
        tpu.vector_store_idx %arg10[%and3A_212, %add3A_20], %gather3A_217 : memref<64x128xf32, #tpu.memory_space<vmem>>[vector<16xi32>, vector<16xi32>], vector<16xf32>,
        %gather3A_218 = tpu.vector_load_idx %arg6[%add3A_23, %and3A_212] : memref<128x128xf32, #tpu.memory_space<vmem>>[vector<16xi32>, vector<16xi32>], vector<16xf32>,
        tpu.vector_store_idx %arg10[%and3A_212, %add3A_23], %gather3A_218 : memref<64x128xf32, #tpu.memory_space<vmem>>[vector<16xi32>, vector<16xi32>], vector<16xf32>,
        %gather3A_219 = tpu.vector_load_idx %arg6[%add3A_26, %and3A_212] : memref<128x128xf32, #tpu.memory_space<vmem>>[vector<16xi32>, vector<16xi32>], vector<16xf32>,
        tpu.vector_store_idx %arg10[%and3A_212, %add3A_26], %gather3A_219 : memref<64x128xf32, #tpu.memory_space<vmem>>[vector<16xi32>, vector<16xi32>], vector<16xf32>,
        %mul3A_220 = arith.constant 4 : i32
        %mul3A_221 = arith.muli %scan3A_204, %mul3A_220 : i32
        %add3A_222 = arith.constant 1 : i32
        %add3A_223 = arith.addi %mul3A_221, %add3A_222 : i32
        %add3A_224 = vector.broadcast %add3A_223 : i32 to vector<16xi32>
        %add3A_225 = arith.addi %iota3A, %add3A_224 : vector<16xi32>
        %and3A_226 = arith.constant 63 : i32
        %and3A_227 = vector.broadcast %and3A_226 : i32 to vector<16xi32>
        %and3A_228 = arith.andi %add3A_225, %and3A_227 : vector<16xi32>
        %gather3A_229 = tpu.vector_load_idx %arg6[%add3A_5, %and3A_228] : memref<128x128xf32, #tpu.memory_space<vmem>>[vector<16xi32>, vector<16xi32>], vector<16xf32>,
        tpu.vector_store_idx %arg10[%and3A_228, %add3A_5], %gather3A_229 : memref<64x128xf32, #tpu.memory_space<vmem>>[vector<16xi32>, vector<16xi32>], vector<16xf32>,
        %gather3A_230 = tpu.vector_load_idx %arg6[%add3A_8, %and3A_228] : memref<128x128xf32, #tpu.memory_space<vmem>>[vector<16xi32>, vector<16xi32>], vector<16xf32>,
        tpu.vector_store_idx %arg10[%and3A_228, %add3A_8], %gather3A_230 : memref<64x128xf32, #tpu.memory_space<vmem>>[vector<16xi32>, vector<16xi32>], vector<16xf32>,
        %gather3A_231 = tpu.vector_load_idx %arg6[%add3A_11, %and3A_228] : memref<128x128xf32, #tpu.memory_space<vmem>>[vector<16xi32>, vector<16xi32>], vector<16xf32>,
        tpu.vector_store_idx %arg10[%and3A_228, %add3A_11], %gather3A_231 : memref<64x128xf32, #tpu.memory_space<vmem>>[vector<16xi32>, vector<16xi32>], vector<16xf32>,
        %gather3A_232 = tpu.vector_load_idx %arg6[%add3A_14, %and3A_228] : memref<128x128xf32, #tpu.memory_space<vmem>>[vector<16xi32>, vector<16xi32>], vector<16xf32>,
        tpu.vector_store_idx %arg10[%and3A_228, %add3A_14], %gather3A_232 : memref<64x128xf32, #tpu.memory_space<vmem>>[vector<16xi32>, vector<16xi32>], vector<16xf32>,
        %gather3A_233 = tpu.vector_load_idx %arg6[%add3A_17, %and3A_228] : memref<128x128xf32, #tpu.memory_space<vmem>>[vector<16xi32>, vector<16xi32>], vector<16xf32>,
        tpu.vector_store_idx %arg10[%and3A_228, %add3A_17], %gather3A_233 : memref<64x128xf32, #tpu.memory_space<vmem>>[vector<16xi32>, vector<16xi32>], vector<16xf32>,
        %gather3A_234 = tpu.vector_load_idx %arg6[%add3A_20, %and3A_228] : memref<128x128xf32, #tpu.memory_space<vmem>>[vector<16xi32>, vector<16xi32>], vector<16xf32>,
        tpu.vector_store_idx %arg10[%and3A_228, %add3A_20], %gather3A_234 : memref<64x128xf32, #tpu.memory_space<vmem>>[vector<16xi32>, vector<16xi32>], vector<16xf32>,
        %gather3A_235 = tpu.vector_load_idx %arg6[%add3A_23, %and3A_228] : memref<128x128xf32, #tpu.memory_space<vmem>>[vector<16xi32>, vector<16xi32>], vector<16xf32>,
        tpu.vector_store_idx %arg10[%and3A_228, %add3A_23], %gather3A_235 : memref<64x128xf32, #tpu.memory_space<vmem>>[vector<16xi32>, vector<16xi32>], vector<16xf32>,
        %gather3A_236 = tpu.vector_load_idx %arg6[%add3A_26, %and3A_228] : memref<128x128xf32, #tpu.memory_space<vmem>>[vector<16xi32>, vector<16xi32>], vector<16xf32>,
        tpu.vector_store_idx %arg10[%and3A_228, %add3A_26], %gather3A_236 : memref<64x128xf32, #tpu.memory_space<vmem>>[vector<16xi32>, vector<16xi32>], vector<16xf32>,
        %mul3A_237 = arith.constant 4 : i32
        %mul3A_238 = arith.muli %scan3A_204, %mul3A_237 : i32
        %add3A_239 = arith.constant 2 : i32
        %add3A_240 = arith.addi %mul3A_238, %add3A_239 : i32
        %add3A_241 = vector.broadcast %add3A_240 : i32 to vector<16xi32>
        %add3A_242 = arith.addi %iota3A, %add3A_241 : vector<16xi32>
        %and3A_243 = arith.constant 63 : i32
        %and3A_244 = vector.broadcast %and3A_243 : i32 to vector<16xi32>
        %and3A_245 = arith.andi %add3A_242, %and3A_244 : vector<16xi32>
        %gather3A_246 = tpu.vector_load_idx %arg6[%add3A_5, %and3A_245] : memref<128x128xf32, #tpu.memory_space<vmem>>[vector<16xi32>, vector<16xi32>], vector<16xf32>,
        tpu.vector_store_idx %arg10[%and3A_245, %add3A_5], %gather3A_246 : memref<64x128xf32, #tpu.memory_space<vmem>>[vector<16xi32>, vector<16xi32>], vector<16xf32>,
        %gather3A_247 = tpu.vector_load_idx %arg6[%add3A_8, %and3A_245] : memref<128x128xf32, #tpu.memory_space<vmem>>[vector<16xi32>, vector<16xi32>], vector<16xf32>,
        tpu.vector_store_idx %arg10[%and3A_245, %add3A_8], %gather3A_247 : memref<64x128xf32, #tpu.memory_space<vmem>>[vector<16xi32>, vector<16xi32>], vector<16xf32>,
        %gather3A_248 = tpu.vector_load_idx %arg6[%add3A_11, %and3A_245] : memref<128x128xf32, #tpu.memory_space<vmem>>[vector<16xi32>, vector<16xi32>], vector<16xf32>,
        tpu.vector_store_idx %arg10[%and3A_245, %add3A_11], %gather3A_248 : memref<64x128xf32, #tpu.memory_space<vmem>>[vector<16xi32>, vector<16xi32>], vector<16xf32>,
        %gather3A_249 = tpu.vector_load_idx %arg6[%add3A_14, %and3A_245] : memref<128x128xf32, #tpu.memory_space<vmem>>[vector<16xi32>, vector<16xi32>], vector<16xf32>,
        tpu.vector_store_idx %arg10[%and3A_245, %add3A_14], %gather3A_249 : memref<64x128xf32, #tpu.memory_space<vmem>>[vector<16xi32>, vector<16xi32>], vector<16xf32>,
        %gather3A_250 = tpu.vector_load_idx %arg6[%add3A_17, %and3A_245] : memref<128x128xf32, #tpu.memory_space<vmem>>[vector<16xi32>, vector<16xi32>], vector<16xf32>,
        tpu.vector_store_idx %arg10[%and3A_245, %add3A_17], %gather3A_250 : memref<64x128xf32, #tpu.memory_space<vmem>>[vector<16xi32>, vector<16xi32>], vector<16xf32>,
        %gather3A_251 = tpu.vector_load_idx %arg6[%add3A_20, %and3A_245] : memref<128x128xf32, #tpu.memory_space<vmem>>[vector<16xi32>, vector<16xi32>], vector<16xf32>,
        tpu.vector_store_idx %arg10[%and3A_245, %add3A_20], %gather3A_251 : memref<64x128xf32, #tpu.memory_space<vmem>>[vector<16xi32>, vector<16xi32>], vector<16xf32>,
        %gather3A_252 = tpu.vector_load_idx %arg6[%add3A_23, %and3A_245] : memref<128x128xf32, #tpu.memory_space<vmem>>[vector<16xi32>, vector<16xi32>], vector<16xf32>,
        tpu.vector_store_idx %arg10[%and3A_245, %add3A_23], %gather3A_252 : memref<64x128xf32, #tpu.memory_space<vmem>>[vector<16xi32>, vector<16xi32>], vector<16xf32>,
        %gather3A_253 = tpu.vector_load_idx %arg6[%add3A_26, %and3A_245] : memref<128x128xf32, #tpu.memory_space<vmem>>[vector<16xi32>, vector<16xi32>], vector<16xf32>,
        tpu.vector_store_idx %arg10[%and3A_245, %add3A_26], %gather3A_253 : memref<64x128xf32, #tpu.memory_space<vmem>>[vector<16xi32>, vector<16xi32>], vector<16xf32>,
        %mul3A_254 = arith.constant 4 : i32
        %mul3A_255 = arith.muli %scan3A_204, %mul3A_254 : i32
        %add3A_256 = arith.constant 3 : i32
        %add3A_257 = arith.addi %mul3A_255, %add3A_256 : i32
        %add3A_258 = vector.broadcast %add3A_257 : i32 to vector<16xi32>
        %add3A_259 = arith.addi %iota3A, %add3A_258 : vector<16xi32>
        %and3A_260 = arith.constant 63 : i32
        %and3A_261 = vector.broadcast %and3A_260 : i32 to vector<16xi32>
        %and3A_262 = arith.andi %add3A_259, %and3A_261 : vector<16xi32>
        %gather3A_263 = tpu.vector_load_idx %arg6[%add3A_5, %and3A_262] : memref<128x128xf32, #tpu.memory_space<vmem>>[vector<16xi32>, vector<16xi32>], vector<16xf32>,
        tpu.vector_store_idx %arg10[%and3A_262, %add3A_5], %gather3A_263 : memref<64x128xf32, #tpu.memory_space<vmem>>[vector<16xi32>, vector<16xi32>], vector<16xf32>,
        %gather3A_264 = tpu.vector_load_idx %arg6[%add3A_8, %and3A_262] : memref<128x128xf32, #tpu.memory_space<vmem>>[vector<16xi32>, vector<16xi32>], vector<16xf32>,
        tpu.vector_store_idx %arg10[%and3A_262, %add3A_8], %gather3A_264 : memref<64x128xf32, #tpu.memory_space<vmem>>[vector<16xi32>, vector<16xi32>], vector<16xf32>,
        %gather3A_265 = tpu.vector_load_idx %arg6[%add3A_11, %and3A_262] : memref<128x128xf32, #tpu.memory_space<vmem>>[vector<16xi32>, vector<16xi32>], vector<16xf32>,
        tpu.vector_store_idx %arg10[%and3A_262, %add3A_11], %gather3A_265 : memref<64x128xf32, #tpu.memory_space<vmem>>[vector<16xi32>, vector<16xi32>], vector<16xf32>,
        %gather3A_266 = tpu.vector_load_idx %arg6[%add3A_14, %and3A_262] : memref<128x128xf32, #tpu.memory_space<vmem>>[vector<16xi32>, vector<16xi32>], vector<16xf32>,
        tpu.vector_store_idx %arg10[%and3A_262, %add3A_14], %gather3A_266 : memref<64x128xf32, #tpu.memory_space<vmem>>[vector<16xi32>, vector<16xi32>], vector<16xf32>,
        %gather3A_267 = tpu.vector_load_idx %arg6[%add3A_17, %and3A_262] : memref<128x128xf32, #tpu.memory_space<vmem>>[vector<16xi32>, vector<16xi32>], vector<16xf32>,
        tpu.vector_store_idx %arg10[%and3A_262, %add3A_17], %gather3A_267 : memref<64x128xf32, #tpu.memory_space<vmem>>[vector<16xi32>, vector<16xi32>], vector<16xf32>,
        %gather3A_268 = tpu.vector_load_idx %arg6[%add3A_20, %and3A_262] : memref<128x128xf32, #tpu.memory_space<vmem>>[vector<16xi32>, vector<16xi32>], vector<16xf32>,
        tpu.vector_store_idx %arg10[%and3A_262, %add3A_20], %gather3A_268 : memref<64x128xf32, #tpu.memory_space<vmem>>[vector<16xi32>, vector<16xi32>], vector<16xf32>,
        %gather3A_269 = tpu.vector_load_idx %arg6[%add3A_23, %and3A_262] : memref<128x128xf32, #tpu.memory_space<vmem>>[vector<16xi32>, vector<16xi32>], vector<16xf32>,
        tpu.vector_store_idx %arg10[%and3A_262, %add3A_23], %gather3A_269 : memref<64x128xf32, #tpu.memory_space<vmem>>[vector<16xi32>, vector<16xi32>], vector<16xf32>,
        %gather3A_270 = tpu.vector_load_idx %arg6[%add3A_26, %and3A_262] : memref<128x128xf32, #tpu.memory_space<vmem>>[vector<16xi32>, vector<16xi32>], vector<16xf32>,
        tpu.vector_store_idx %arg10[%and3A_262, %add3A_26], %gather3A_270 : memref<64x128xf32, #tpu.memory_space<vmem>>[vector<16xi32>, vector<16xi32>], vector<16xf32>,
      }
      %scan3A_89 = arith.constant 16 : i32
      %add3A_90 = arith.constant 0 : i32
      %add3A_91 = arith.addi %mul3A_67, %add3A_90 : i32
      %dma_start3A_92 = arith.constant 0 : i32
      %dma_start3A_93 = tpu.memref_slice %arg4[%add3A_91, %dma_start3A_92, %multiple_of3A] : memref<200x64x4096xf32, #tpu.memory_space<hbm>> -> memref<1x64x128xf32, #tpu.memory_space<hbm>>
      %dma_start3A_94 = tpu.memref_squeeze %dma_start3A_93 : memref<1x64x128xf32, #tpu.memory_space<hbm>> -> memref<64x128xf32, #tpu.memory_space<hbm>>
      %dma_start3A_95 = arith.constant 0 : i32
      %dma_start3A_96 = tpu.memref_slice %arg4[%add3A_91, %dma_start3A_95, %multiple_of3A] : memref<200x64x4096xf32, #tpu.memory_space<hbm>> -> memref<1x64x128xf32, #tpu.memory_space<hbm>>
      %dma_start3A_97 = tpu.memref_squeeze %dma_start3A_96 : memref<1x64x128xf32, #tpu.memory_space<hbm>> -> memref<64x128xf32, #tpu.memory_space<hbm>>
      tpu.enqueue_dma source(%arg10 : memref<64x128xf32, #tpu.memory_space<vmem>>) target(%dma_start3A_97 : memref<64x128xf32, #tpu.memory_space<hbm>>) target_semaphore(%arg16 : memref<!tpu.dma_semaphore, #tpu.memory_space<semaphore_mem>>)
      %add3A_98 = arith.constant 1 : i32
      %add3A_99 = arith.addi %mul3A_67, %add3A_98 : i32
      %add3A_100 = arith.constant 3 : i32
      %add3A_101 = arith.addi %add3A_99, %add3A_100 : i32
      %lt3A_102 = arith.constant 200 : i32
      %lt3A_103 = arith.cmpi slt, %add3A_101, %lt3A_102 : i32
      %convert_element_type3A_104 = arith.extui %lt3A_103 : i1 to i32
      %cond3A_105 = arith.constant 0 : i32
      %cond3A_106 = arith.cmpi ne, %convert_element_type3A_104, %cond3A_105 : i32
      scf.if %cond3A_106 {
        %dma_start3A_204 = arith.constant 0 : i32
        %dma_start3A_205 = tpu.memref_slice %arg5[%add3A_101, %dma_start3A_204] : memref<200x128xi32, #tpu.memory_space<vmem>> -> memref<1x128xi32, #tpu.memory_space<vmem>>
        %dma_start3A_206 = tpu.memref_squeeze %dma_start3A_205 : memref<1x128xi32, #tpu.memory_space<vmem>> -> memref<128xi32, #tpu.memory_space<vmem>>
        %dma_start3A_207 = arith.constant 0 : i32
        %dma_start3A_208 = arith.constant 0 : i32
        %dma_start3A_209 = tpu.memref_slice %arg3[%dma_start3A_207, %dma_start3A_208] : memref<1000000x128xf32, #tpu.memory_space<hbm>> -> memref<1000000x128xf32, #tpu.memory_space<hbm>>
        tpu.enqueue_indirect_dma source(%dma_start3A_209 : memref<1000000x128xf32, #tpu.memory_space<hbm>>) target(%arg6 : memref<128x128xf32, #tpu.memory_space<vmem>>) offsets(%dma_start3A_206 : memref<128xi32, #tpu.memory_space<vmem>>) semaphore(%arg12 : memref<!tpu.dma_semaphore, #tpu.memory_space<semaphore_mem>>)
      } else {
      }
      %gt3A_107 = arith.constant 0 : i32
      %gt3A_108 = arith.cmpi sgt, %scan3A_65, %gt3A_107 : i32
      %convert_element_type3A_109 = arith.extui %gt3A_108 : i1 to i32
      %cond3A_110 = arith.constant 0 : i32
      %cond3A_111 = arith.cmpi ne, %convert_element_type3A_109, %cond3A_110 : i32
      scf.if %cond3A_111 {
        %dma_wait3A_204 = arith.constant 0 : i32
        %dma_wait3A_205 = arith.constant 0 : i32
        %dma_wait3A_206 = tpu.memref_slice %arg4[%dma_wait3A_204, %dma_wait3A_205, %multiple_of3A] : memref<200x64x4096xf32, #tpu.memory_space<hbm>> -> memref<1x64x128xf32, #tpu.memory_space<hbm>>
        %dma_wait3A_207 = tpu.memref_squeeze %dma_wait3A_206 : memref<1x64x128xf32, #tpu.memory_space<hbm>> -> memref<64x128xf32, #tpu.memory_space<hbm>>
        %dma_wait3A_208 = arith.constant 0 : i32
        %dma_wait3A_209 = tpu.memref_slice %arg4[%dma_wait3A_204, %dma_wait3A_208, %multiple_of3A] : memref<200x64x4096xf32, #tpu.memory_space<hbm>> -> memref<1x64x128xf32, #tpu.memory_space<hbm>>
        %dma_wait3A_210 = tpu.memref_squeeze %dma_wait3A_209 : memref<1x64x128xf32, #tpu.memory_space<hbm>> -> memref<64x128xf32, #tpu.memory_space<hbm>>
        tpu.wait_dma2 semaphore(%arg17 : memref<!tpu.dma_semaphore, #tpu.memory_space<semaphore_mem>>) src(%arg11 : memref<64x128xf32, #tpu.memory_space<vmem>>) dst(%dma_wait3A_210 : memref<64x128xf32, #tpu.memory_space<hbm>>)
      } else {
      }
      %dma_wait3A_112 = arith.constant 0 : i32
      %dma_wait3A_113 = arith.constant 0 : i32
      %dma_wait3A_114 = tpu.memref_slice %arg3[%dma_wait3A_112, %dma_wait3A_113] : memref<1000000x128xf32, #tpu.memory_space<hbm>> -> memref<128x128xf32, #tpu.memory_space<hbm>>
      %dma_wait3A_115 = arith.constant 0 : i32
      %dma_wait3A_116 = arith.constant 0 : i32
      %dma_wait3A_117 = tpu.memref_slice %arg3[%dma_wait3A_115, %dma_wait3A_116] : memref<1000000x128xf32, #tpu.memory_space<hbm>> -> memref<128x128xf32, #tpu.memory_space<hbm>>
      tpu.wait_dma2 semaphore(%arg13 : memref<!tpu.dma_semaphore, #tpu.memory_space<semaphore_mem>>) src(%dma_wait3A_117 : memref<128x128xf32, #tpu.memory_space<hbm>>) dst(%arg7 : memref<128x128xf32, #tpu.memory_space<vmem>>)
      %scan3A_118 = arith.constant 0 : i32
      %scan3A_119 = arith.constant 0 : i32
      %scan3A_120 = arith.constant 16 : i32
      %scan3A_121 = arith.addi %scan3A_119, %scan3A_120 : i32
      %scan3A_122 = arith.constant 1 : i32
      scf.for %scan3A_204 = %scan3A_119 to %scan3A_121 step %scan3A_122  : i32 {
        %mul3A_205 = arith.constant 4 : i32
        %mul3A_206 = arith.muli %scan3A_204, %mul3A_205 : i32
        %add3A_207 = arith.constant 0 : i32
        %add3A_208 = arith.addi %mul3A_206, %add3A_207 : i32
        %add3A_209 = vector.broadcast %add3A_208 : i32 to vector<16xi32>
        %add3A_210 = arith.addi %iota3A, %add3A_209 : vector<16xi32>
        %and3A = arith.constant 63 : i32
        %and3A_211 = vector.broadcast %and3A : i32 to vector<16xi32>
        %and3A_212 = arith.andi %add3A_210, %and3A_211 : vector<16xi32>
        %gather3A = tpu.vector_load_idx %arg7[%add3A_5, %and3A_212] : memref<128x128xf32, #tpu.memory_space<vmem>>[vector<16xi32>, vector<16xi32>], vector<16xf32>,
        tpu.vector_store_idx %arg11[%and3A_212, %add3A_5], %gather3A : memref<64x128xf32, #tpu.memory_space<vmem>>[vector<16xi32>, vector<16xi32>], vector<16xf32>,
        %gather3A_213 = tpu.vector_load_idx %arg7[%add3A_8, %and3A_212] : memref<128x128xf32, #tpu.memory_space<vmem>>[vector<16xi32>, vector<16xi32>], vector<16xf32>,
        tpu.vector_store_idx %arg11[%and3A_212, %add3A_8], %gather3A_213 : memref<64x128xf32, #tpu.memory_space<vmem>>[vector<16xi32>, vector<16xi32>], vector<16xf32>,
        %gather3A_214 = tpu.vector_load_idx %arg7[%add3A_11, %and3A_212] : memref<128x128xf32, #tpu.memory_space<vmem>>[vector<16xi32>, vector<16xi32>], vector<16xf32>,
        tpu.vector_store_idx %arg11[%and3A_212, %add3A_11], %gather3A_214 : memref<64x128xf32, #tpu.memory_space<vmem>>[vector<16xi32>, vector<16xi32>], vector<16xf32>,
        %gather3A_215 = tpu.vector_load_idx %arg7[%add3A_14, %and3A_212] : memref<128x128xf32, #tpu.memory_space<vmem>>[vector<16xi32>, vector<16xi32>], vector<16xf32>,
        tpu.vector_store_idx %arg11[%and3A_212, %add3A_14], %gather3A_215 : memref<64x128xf32, #tpu.memory_space<vmem>>[vector<16xi32>, vector<16xi32>], vector<16xf32>,
        %gather3A_216 = tpu.vector_load_idx %arg7[%add3A_17, %and3A_212] : memref<128x128xf32, #tpu.memory_space<vmem>>[vector<16xi32>, vector<16xi32>], vector<16xf32>,
        tpu.vector_store_idx %arg11[%and3A_212, %add3A_17], %gather3A_216 : memref<64x128xf32, #tpu.memory_space<vmem>>[vector<16xi32>, vector<16xi32>], vector<16xf32>,
        %gather3A_217 = tpu.vector_load_idx %arg7[%add3A_20, %and3A_212] : memref<128x128xf32, #tpu.memory_space<vmem>>[vector<16xi32>, vector<16xi32>], vector<16xf32>,
        tpu.vector_store_idx %arg11[%and3A_212, %add3A_20], %gather3A_217 : memref<64x128xf32, #tpu.memory_space<vmem>>[vector<16xi32>, vector<16xi32>], vector<16xf32>,
        %gather3A_218 = tpu.vector_load_idx %arg7[%add3A_23, %and3A_212] : memref<128x128xf32, #tpu.memory_space<vmem>>[vector<16xi32>, vector<16xi32>], vector<16xf32>,
        tpu.vector_store_idx %arg11[%and3A_212, %add3A_23], %gather3A_218 : memref<64x128xf32, #tpu.memory_space<vmem>>[vector<16xi32>, vector<16xi32>], vector<16xf32>,
        %gather3A_219 = tpu.vector_load_idx %arg7[%add3A_26, %and3A_212] : memref<128x128xf32, #tpu.memory_space<vmem>>[vector<16xi32>, vector<16xi32>], vector<16xf32>,
        tpu.vector_store_idx %arg11[%and3A_212, %add3A_26], %gather3A_219 : memref<64x128xf32, #tpu.memory_space<vmem>>[vector<16xi32>, vector<16xi32>], vector<16xf32>,
        %mul3A_220 = arith.constant 4 : i32
        %mul3A_221 = arith.muli %scan3A_204, %mul3A_220 : i32
        %add3A_222 = arith.constant 1 : i32
        %add3A_223 = arith.addi %mul3A_221, %add3A_222 : i32
        %add3A_224 = vector.broadcast %add3A_223 : i32 to vector<16xi32>
        %add3A_225 = arith.addi %iota3A, %add3A_224 : vector<16xi32>
        %and3A_226 = arith.constant 63 : i32
        %and3A_227 = vector.broadcast %and3A_226 : i32 to vector<16xi32>
        %and3A_228 = arith.andi %add3A_225, %and3A_227 : vector<16xi32>
        %gather3A_229 = tpu.vector_load_idx %arg7[%add3A_5, %and3A_228] : memref<128x128xf32, #tpu.memory_space<vmem>>[vector<16xi32>, vector<16xi32>], vector<16xf32>,
        tpu.vector_store_idx %arg11[%and3A_228, %add3A_5], %gather3A_229 : memref<64x128xf32, #tpu.memory_space<vmem>>[vector<16xi32>, vector<16xi32>], vector<16xf32>,
        %gather3A_230 = tpu.vector_load_idx %arg7[%add3A_8, %and3A_228] : memref<128x128xf32, #tpu.memory_space<vmem>>[vector<16xi32>, vector<16xi32>], vector<16xf32>,
        tpu.vector_store_idx %arg11[%and3A_228, %add3A_8], %gather3A_230 : memref<64x128xf32, #tpu.memory_space<vmem>>[vector<16xi32>, vector<16xi32>], vector<16xf32>,
        %gather3A_231 = tpu.vector_load_idx %arg7[%add3A_11, %and3A_228] : memref<128x128xf32, #tpu.memory_space<vmem>>[vector<16xi32>, vector<16xi32>], vector<16xf32>,
        tpu.vector_store_idx %arg11[%and3A_228, %add3A_11], %gather3A_231 : memref<64x128xf32, #tpu.memory_space<vmem>>[vector<16xi32>, vector<16xi32>], vector<16xf32>,
        %gather3A_232 = tpu.vector_load_idx %arg7[%add3A_14, %and3A_228] : memref<128x128xf32, #tpu.memory_space<vmem>>[vector<16xi32>, vector<16xi32>], vector<16xf32>,
        tpu.vector_store_idx %arg11[%and3A_228, %add3A_14], %gather3A_232 : memref<64x128xf32, #tpu.memory_space<vmem>>[vector<16xi32>, vector<16xi32>], vector<16xf32>,
        %gather3A_233 = tpu.vector_load_idx %arg7[%add3A_17, %and3A_228] : memref<128x128xf32, #tpu.memory_space<vmem>>[vector<16xi32>, vector<16xi32>], vector<16xf32>,
        tpu.vector_store_idx %arg11[%and3A_228, %add3A_17], %gather3A_233 : memref<64x128xf32, #tpu.memory_space<vmem>>[vector<16xi32>, vector<16xi32>], vector<16xf32>,
        %gather3A_234 = tpu.vector_load_idx %arg7[%add3A_20, %and3A_228] : memref<128x128xf32, #tpu.memory_space<vmem>>[vector<16xi32>, vector<16xi32>], vector<16xf32>,
        tpu.vector_store_idx %arg11[%and3A_228, %add3A_20], %gather3A_234 : memref<64x128xf32, #tpu.memory_space<vmem>>[vector<16xi32>, vector<16xi32>], vector<16xf32>,
        %gather3A_235 = tpu.vector_load_idx %arg7[%add3A_23, %and3A_228] : memref<128x128xf32, #tpu.memory_space<vmem>>[vector<16xi32>, vector<16xi32>], vector<16xf32>,
        tpu.vector_store_idx %arg11[%and3A_228, %add3A_23], %gather3A_235 : memref<64x128xf32, #tpu.memory_space<vmem>>[vector<16xi32>, vector<16xi32>], vector<16xf32>,
        %gather3A_236 = tpu.vector_load_idx %arg7[%add3A_26, %and3A_228] : memref<128x128xf32, #tpu.memory_space<vmem>>[vector<16xi32>, vector<16xi32>], vector<16xf32>,
        tpu.vector_store_idx %arg11[%and3A_228, %add3A_26], %gather3A_236 : memref<64x128xf32, #tpu.memory_space<vmem>>[vector<16xi32>, vector<16xi32>], vector<16xf32>,
        %mul3A_237 = arith.constant 4 : i32
        %mul3A_238 = arith.muli %scan3A_204, %mul3A_237 : i32
        %add3A_239 = arith.constant 2 : i32
        %add3A_240 = arith.addi %mul3A_238, %add3A_239 : i32
        %add3A_241 = vector.broadcast %add3A_240 : i32 to vector<16xi32>
        %add3A_242 = arith.addi %iota3A, %add3A_241 : vector<16xi32>
        %and3A_243 = arith.constant 63 : i32
        %and3A_244 = vector.broadcast %and3A_243 : i32 to vector<16xi32>
        %and3A_245 = arith.andi %add3A_242, %and3A_244 : vector<16xi32>
        %gather3A_246 = tpu.vector_load_idx %arg7[%add3A_5, %and3A_245] : memref<128x128xf32, #tpu.memory_space<vmem>>[vector<16xi32>, vector<16xi32>], vector<16xf32>,
        tpu.vector_store_idx %arg11[%and3A_245, %add3A_5], %gather3A_246 : memref<64x128xf32, #tpu.memory_space<vmem>>[vector<16xi32>, vector<16xi32>], vector<16xf32>,
        %gather3A_247 = tpu.vector_load_idx %arg7[%add3A_8, %and3A_245] : memref<128x128xf32, #tpu.memory_space<vmem>>[vector<16xi32>, vector<16xi32>], vector<16xf32>,
        tpu.vector_store_idx %arg11[%and3A_245, %add3A_8], %gather3A_247 : memref<64x128xf32, #tpu.memory_space<vmem>>[vector<16xi32>, vector<16xi32>], vector<16xf32>,
        %gather3A_248 = tpu.vector_load_idx %arg7[%add3A_11, %and3A_245] : memref<128x128xf32, #tpu.memory_space<vmem>>[vector<16xi32>, vector<16xi32>], vector<16xf32>,
        tpu.vector_store_idx %arg11[%and3A_245, %add3A_11], %gather3A_248 : memref<64x128xf32, #tpu.memory_space<vmem>>[vector<16xi32>, vector<16xi32>], vector<16xf32>,
        %gather3A_249 = tpu.vector_load_idx %arg7[%add3A_14, %and3A_245] : memref<128x128xf32, #tpu.memory_space<vmem>>[vector<16xi32>, vector<16xi32>], vector<16xf32>,
        tpu.vector_store_idx %arg11[%and3A_245, %add3A_14], %gather3A_249 : memref<64x128xf32, #tpu.memory_space<vmem>>[vector<16xi32>, vector<16xi32>], vector<16xf32>,
        %gather3A_250 = tpu.vector_load_idx %arg7[%add3A_17, %and3A_245] : memref<128x128xf32, #tpu.memory_space<vmem>>[vector<16xi32>, vector<16xi32>], vector<16xf32>,
        tpu.vector_store_idx %arg11[%and3A_245, %add3A_17], %gather3A_250 : memref<64x128xf32, #tpu.memory_space<vmem>>[vector<16xi32>, vector<16xi32>], vector<16xf32>,
        %gather3A_251 = tpu.vector_load_idx %arg7[%add3A_20, %and3A_245] : memref<128x128xf32, #tpu.memory_space<vmem>>[vector<16xi32>, vector<16xi32>], vector<16xf32>,
        tpu.vector_store_idx %arg11[%and3A_245, %add3A_20], %gather3A_251 : memref<64x128xf32, #tpu.memory_space<vmem>>[vector<16xi32>, vector<16xi32>], vector<16xf32>,
        %gather3A_252 = tpu.vector_load_idx %arg7[%add3A_23, %and3A_245] : memref<128x128xf32, #tpu.memory_space<vmem>>[vector<16xi32>, vector<16xi32>], vector<16xf32>,
        tpu.vector_store_idx %arg11[%and3A_245, %add3A_23], %gather3A_252 : memref<64x128xf32, #tpu.memory_space<vmem>>[vector<16xi32>, vector<16xi32>], vector<16xf32>,
        %gather3A_253 = tpu.vector_load_idx %arg7[%add3A_26, %and3A_245] : memref<128x128xf32, #tpu.memory_space<vmem>>[vector<16xi32>, vector<16xi32>], vector<16xf32>,
        tpu.vector_store_idx %arg11[%and3A_245, %add3A_26], %gather3A_253 : memref<64x128xf32, #tpu.memory_space<vmem>>[vector<16xi32>, vector<16xi32>], vector<16xf32>,
        %mul3A_254 = arith.constant 4 : i32
        %mul3A_255 = arith.muli %scan3A_204, %mul3A_254 : i32
        %add3A_256 = arith.constant 3 : i32
        %add3A_257 = arith.addi %mul3A_255, %add3A_256 : i32
        %add3A_258 = vector.broadcast %add3A_257 : i32 to vector<16xi32>
        %add3A_259 = arith.addi %iota3A, %add3A_258 : vector<16xi32>
        %and3A_260 = arith.constant 63 : i32
        %and3A_261 = vector.broadcast %and3A_260 : i32 to vector<16xi32>
        %and3A_262 = arith.andi %add3A_259, %and3A_261 : vector<16xi32>
        %gather3A_263 = tpu.vector_load_idx %arg7[%add3A_5, %and3A_262] : memref<128x128xf32, #tpu.memory_space<vmem>>[vector<16xi32>, vector<16xi32>], vector<16xf32>,
        tpu.vector_store_idx %arg11[%and3A_262, %add3A_5], %gather3A_263 : memref<64x128xf32, #tpu.memory_space<vmem>>[vector<16xi32>, vector<16xi32>], vector<16xf32>,
        %gather3A_264 = tpu.vector_load_idx %arg7[%add3A_8, %and3A_262] : memref<128x128xf32, #tpu.memory_space<vmem>>[vector<16xi32>, vector<16xi32>], vector<16xf32>,
        tpu.vector_store_idx %arg11[%and3A_262, %add3A_8], %gather3A_264 : memref<64x128xf32, #tpu.memory_space<vmem>>[vector<16xi32>, vector<16xi32>], vector<16xf32>,
        %gather3A_265 = tpu.vector_load_idx %arg7[%add3A_11, %and3A_262] : memref<128x128xf32, #tpu.memory_space<vmem>>[vector<16xi32>, vector<16xi32>], vector<16xf32>,
        tpu.vector_store_idx %arg11[%and3A_262, %add3A_11], %gather3A_265 : memref<64x128xf32, #tpu.memory_space<vmem>>[vector<16xi32>, vector<16xi32>], vector<16xf32>,
        %gather3A_266 = tpu.vector_load_idx %arg7[%add3A_14, %and3A_262] : memref<128x128xf32, #tpu.memory_space<vmem>>[vector<16xi32>, vector<16xi32>], vector<16xf32>,
        tpu.vector_store_idx %arg11[%and3A_262, %add3A_14], %gather3A_266 : memref<64x128xf32, #tpu.memory_space<vmem>>[vector<16xi32>, vector<16xi32>], vector<16xf32>,
        %gather3A_267 = tpu.vector_load_idx %arg7[%add3A_17, %and3A_262] : memref<128x128xf32, #tpu.memory_space<vmem>>[vector<16xi32>, vector<16xi32>], vector<16xf32>,
        tpu.vector_store_idx %arg11[%and3A_262, %add3A_17], %gather3A_267 : memref<64x128xf32, #tpu.memory_space<vmem>>[vector<16xi32>, vector<16xi32>], vector<16xf32>,
        %gather3A_268 = tpu.vector_load_idx %arg7[%add3A_20, %and3A_262] : memref<128x128xf32, #tpu.memory_space<vmem>>[vector<16xi32>, vector<16xi32>], vector<16xf32>,
        tpu.vector_store_idx %arg11[%and3A_262, %add3A_20], %gather3A_268 : memref<64x128xf32, #tpu.memory_space<vmem>>[vector<16xi32>, vector<16xi32>], vector<16xf32>,
        %gather3A_269 = tpu.vector_load_idx %arg7[%add3A_23, %and3A_262] : memref<128x128xf32, #tpu.memory_space<vmem>>[vector<16xi32>, vector<16xi32>], vector<16xf32>,
        tpu.vector_store_idx %arg11[%and3A_262, %add3A_23], %gather3A_269 : memref<64x128xf32, #tpu.memory_space<vmem>>[vector<16xi32>, vector<16xi32>], vector<16xf32>,
        %gather3A_270 = tpu.vector_load_idx %arg7[%add3A_26, %and3A_262] : memref<128x128xf32, #tpu.memory_space<vmem>>[vector<16xi32>, vector<16xi32>], vector<16xf32>,
        tpu.vector_store_idx %arg11[%and3A_262, %add3A_26], %gather3A_270 : memref<64x128xf32, #tpu.memory_space<vmem>>[vector<16xi32>, vector<16xi32>], vector<16xf32>,
      }
      %scan3A_123 = arith.constant 16 : i32
      %add3A_124 = arith.constant 1 : i32
      %add3A_125 = arith.addi %mul3A_67, %add3A_124 : i32
      %dma_start3A_126 = arith.constant 0 : i32
      %dma_start3A_127 = tpu.memref_slice %arg4[%add3A_125, %dma_start3A_126, %multiple_of3A] : memref<200x64x4096xf32, #tpu.memory_space<hbm>> -> memref<1x64x128xf32, #tpu.memory_space<hbm>>
      %dma_start3A_128 = tpu.memref_squeeze %dma_start3A_127 : memref<1x64x128xf32, #tpu.memory_space<hbm>> -> memref<64x128xf32, #tpu.memory_space<hbm>>
      %dma_start3A_129 = arith.constant 0 : i32
      %dma_start3A_130 = tpu.memref_slice %arg4[%add3A_125, %dma_start3A_129, %multiple_of3A] : memref<200x64x4096xf32, #tpu.memory_space<hbm>> -> memref<1x64x128xf32, #tpu.memory_space<hbm>>
      %dma_start3A_131 = tpu.memref_squeeze %dma_start3A_130 : memref<1x64x128xf32, #tpu.memory_space<hbm>> -> memref<64x128xf32, #tpu.memory_space<hbm>>
      tpu.enqueue_dma source(%arg11 : memref<64x128xf32, #tpu.memory_space<vmem>>) target(%dma_start3A_131 : memref<64x128xf32, #tpu.memory_space<hbm>>) target_semaphore(%arg17 : memref<!tpu.dma_semaphore, #tpu.memory_space<semaphore_mem>>)
      %add3A_132 = arith.constant 2 : i32
      %add3A_133 = arith.addi %mul3A_67, %add3A_132 : i32
      %add3A_134 = arith.constant 3 : i32
      %add3A_135 = arith.addi %add3A_133, %add3A_134 : i32
      %lt3A_136 = arith.constant 200 : i32
      %lt3A_137 = arith.cmpi slt, %add3A_135, %lt3A_136 : i32
      %convert_element_type3A_138 = arith.extui %lt3A_137 : i1 to i32
      %cond3A_139 = arith.constant 0 : i32
      %cond3A_140 = arith.cmpi ne, %convert_element_type3A_138, %cond3A_139 : i32
      scf.if %cond3A_140 {
        %dma_start3A_204 = arith.constant 0 : i32
        %dma_start3A_205 = tpu.memref_slice %arg5[%add3A_135, %dma_start3A_204] : memref<200x128xi32, #tpu.memory_space<vmem>> -> memref<1x128xi32, #tpu.memory_space<vmem>>
        %dma_start3A_206 = tpu.memref_squeeze %dma_start3A_205 : memref<1x128xi32, #tpu.memory_space<vmem>> -> memref<128xi32, #tpu.memory_space<vmem>>
        %dma_start3A_207 = arith.constant 0 : i32
        %dma_start3A_208 = arith.constant 0 : i32
        %dma_start3A_209 = tpu.memref_slice %arg3[%dma_start3A_207, %dma_start3A_208] : memref<1000000x128xf32, #tpu.memory_space<hbm>> -> memref<1000000x128xf32, #tpu.memory_space<hbm>>
        tpu.enqueue_indirect_dma source(%dma_start3A_209 : memref<1000000x128xf32, #tpu.memory_space<hbm>>) target(%arg7 : memref<128x128xf32, #tpu.memory_space<vmem>>) offsets(%dma_start3A_206 : memref<128xi32, #tpu.memory_space<vmem>>) semaphore(%arg13 : memref<!tpu.dma_semaphore, #tpu.memory_space<semaphore_mem>>)
      } else {
      }
      %dma_wait3A_141 = arith.constant 0 : i32
      %dma_wait3A_142 = arith.constant 0 : i32
      %dma_wait3A_143 = tpu.memref_slice %arg4[%dma_wait3A_141, %dma_wait3A_142, %multiple_of3A] : memref<200x64x4096xf32, #tpu.memory_space<hbm>> -> memref<1x64x128xf32, #tpu.memory_space<hbm>>
      %dma_wait3A_144 = tpu.memref_squeeze %dma_wait3A_143 : memref<1x64x128xf32, #tpu.memory_space<hbm>> -> memref<64x128xf32, #tpu.memory_space<hbm>>
      %dma_wait3A_145 = arith.constant 0 : i32
      %dma_wait3A_146 = tpu.memref_slice %arg4[%dma_wait3A_141, %dma_wait3A_145, %multiple_of3A] : memref<200x64x4096xf32, #tpu.memory_space<hbm>> -> memref<1x64x128xf32, #tpu.memory_space<hbm>>
      %dma_wait3A_147 = tpu.memref_squeeze %dma_wait3A_146 : memref<1x64x128xf32, #tpu.memory_space<hbm>> -> memref<64x128xf32, #tpu.memory_space<hbm>>
      tpu.wait_dma2 semaphore(%arg16 : memref<!tpu.dma_semaphore, #tpu.memory_space<semaphore_mem>>) src(%arg10 : memref<64x128xf32, #tpu.memory_space<vmem>>) dst(%dma_wait3A_147 : memref<64x128xf32, #tpu.memory_space<hbm>>)
      %dma_wait3A_148 = arith.constant 0 : i32
      %dma_wait3A_149 = arith.constant 0 : i32
      %dma_wait3A_150 = tpu.memref_slice %arg3[%dma_wait3A_148, %dma_wait3A_149] : memref<1000000x128xf32, #tpu.memory_space<hbm>> -> memref<128x128xf32, #tpu.memory_space<hbm>>
      %dma_wait3A_151 = arith.constant 0 : i32
      %dma_wait3A_152 = arith.constant 0 : i32
      %dma_wait3A_153 = tpu.memref_slice %arg3[%dma_wait3A_151, %dma_wait3A_152] : memref<1000000x128xf32, #tpu.memory_space<hbm>> -> memref<128x128xf32, #tpu.memory_space<hbm>>
      tpu.wait_dma2 semaphore(%arg14 : memref<!tpu.dma_semaphore, #tpu.memory_space<semaphore_mem>>) src(%dma_wait3A_153 : memref<128x128xf32, #tpu.memory_space<hbm>>) dst(%arg8 : memref<128x128xf32, #tpu.memory_space<vmem>>)
      %scan3A_154 = arith.constant 0 : i32
      %scan3A_155 = arith.constant 0 : i32
      %scan3A_156 = arith.constant 16 : i32
      %scan3A_157 = arith.addi %scan3A_155, %scan3A_156 : i32
      %scan3A_158 = arith.constant 1 : i32
      scf.for %scan3A_204 = %scan3A_155 to %scan3A_157 step %scan3A_158  : i32 {
        %mul3A_205 = arith.constant 4 : i32
        %mul3A_206 = arith.muli %scan3A_204, %mul3A_205 : i32
        %add3A_207 = arith.constant 0 : i32
        %add3A_208 = arith.addi %mul3A_206, %add3A_207 : i32
        %add3A_209 = vector.broadcast %add3A_208 : i32 to vector<16xi32>
        %add3A_210 = arith.addi %iota3A, %add3A_209 : vector<16xi32>
        %and3A = arith.constant 63 : i32
        %and3A_211 = vector.broadcast %and3A : i32 to vector<16xi32>
        %and3A_212 = arith.andi %add3A_210, %and3A_211 : vector<16xi32>
        %gather3A = tpu.vector_load_idx %arg8[%add3A_5, %and3A_212] : memref<128x128xf32, #tpu.memory_space<vmem>>[vector<16xi32>, vector<16xi32>], vector<16xf32>,
        tpu.vector_store_idx %arg10[%and3A_212, %add3A_5], %gather3A : memref<64x128xf32, #tpu.memory_space<vmem>>[vector<16xi32>, vector<16xi32>], vector<16xf32>,
        %gather3A_213 = tpu.vector_load_idx %arg8[%add3A_8, %and3A_212] : memref<128x128xf32, #tpu.memory_space<vmem>>[vector<16xi32>, vector<16xi32>], vector<16xf32>,
        tpu.vector_store_idx %arg10[%and3A_212, %add3A_8], %gather3A_213 : memref<64x128xf32, #tpu.memory_space<vmem>>[vector<16xi32>, vector<16xi32>], vector<16xf32>,
        %gather3A_214 = tpu.vector_load_idx %arg8[%add3A_11, %and3A_212] : memref<128x128xf32, #tpu.memory_space<vmem>>[vector<16xi32>, vector<16xi32>], vector<16xf32>,
        tpu.vector_store_idx %arg10[%and3A_212, %add3A_11], %gather3A_214 : memref<64x128xf32, #tpu.memory_space<vmem>>[vector<16xi32>, vector<16xi32>], vector<16xf32>,
        %gather3A_215 = tpu.vector_load_idx %arg8[%add3A_14, %and3A_212] : memref<128x128xf32, #tpu.memory_space<vmem>>[vector<16xi32>, vector<16xi32>], vector<16xf32>,
        tpu.vector_store_idx %arg10[%and3A_212, %add3A_14], %gather3A_215 : memref<64x128xf32, #tpu.memory_space<vmem>>[vector<16xi32>, vector<16xi32>], vector<16xf32>,
        %gather3A_216 = tpu.vector_load_idx %arg8[%add3A_17, %and3A_212] : memref<128x128xf32, #tpu.memory_space<vmem>>[vector<16xi32>, vector<16xi32>], vector<16xf32>,
        tpu.vector_store_idx %arg10[%and3A_212, %add3A_17], %gather3A_216 : memref<64x128xf32, #tpu.memory_space<vmem>>[vector<16xi32>, vector<16xi32>], vector<16xf32>,
        %gather3A_217 = tpu.vector_load_idx %arg8[%add3A_20, %and3A_212] : memref<128x128xf32, #tpu.memory_space<vmem>>[vector<16xi32>, vector<16xi32>], vector<16xf32>,
        tpu.vector_store_idx %arg10[%and3A_212, %add3A_20], %gather3A_217 : memref<64x128xf32, #tpu.memory_space<vmem>>[vector<16xi32>, vector<16xi32>], vector<16xf32>,
        %gather3A_218 = tpu.vector_load_idx %arg8[%add3A_23, %and3A_212] : memref<128x128xf32, #tpu.memory_space<vmem>>[vector<16xi32>, vector<16xi32>], vector<16xf32>,
        tpu.vector_store_idx %arg10[%and3A_212, %add3A_23], %gather3A_218 : memref<64x128xf32, #tpu.memory_space<vmem>>[vector<16xi32>, vector<16xi32>], vector<16xf32>,
        %gather3A_219 = tpu.vector_load_idx %arg8[%add3A_26, %and3A_212] : memref<128x128xf32, #tpu.memory_space<vmem>>[vector<16xi32>, vector<16xi32>], vector<16xf32>,
        tpu.vector_store_idx %arg10[%and3A_212, %add3A_26], %gather3A_219 : memref<64x128xf32, #tpu.memory_space<vmem>>[vector<16xi32>, vector<16xi32>], vector<16xf32>,
        %mul3A_220 = arith.constant 4 : i32
        %mul3A_221 = arith.muli %scan3A_204, %mul3A_220 : i32
        %add3A_222 = arith.constant 1 : i32
        %add3A_223 = arith.addi %mul3A_221, %add3A_222 : i32
        %add3A_224 = vector.broadcast %add3A_223 : i32 to vector<16xi32>
        %add3A_225 = arith.addi %iota3A, %add3A_224 : vector<16xi32>
        %and3A_226 = arith.constant 63 : i32
        %and3A_227 = vector.broadcast %and3A_226 : i32 to vector<16xi32>
        %and3A_228 = arith.andi %add3A_225, %and3A_227 : vector<16xi32>
        %gather3A_229 = tpu.vector_load_idx %arg8[%add3A_5, %and3A_228] : memref<128x128xf32, #tpu.memory_space<vmem>>[vector<16xi32>, vector<16xi32>], vector<16xf32>,
        tpu.vector_store_idx %arg10[%and3A_228, %add3A_5], %gather3A_229 : memref<64x128xf32, #tpu.memory_space<vmem>>[vector<16xi32>, vector<16xi32>], vector<16xf32>,
        %gather3A_230 = tpu.vector_load_idx %arg8[%add3A_8, %and3A_228] : memref<128x128xf32, #tpu.memory_space<vmem>>[vector<16xi32>, vector<16xi32>], vector<16xf32>,
        tpu.vector_store_idx %arg10[%and3A_228, %add3A_8], %gather3A_230 : memref<64x128xf32, #tpu.memory_space<vmem>>[vector<16xi32>, vector<16xi32>], vector<16xf32>,
        %gather3A_231 = tpu.vector_load_idx %arg8[%add3A_11, %and3A_228] : memref<128x128xf32, #tpu.memory_space<vmem>>[vector<16xi32>, vector<16xi32>], vector<16xf32>,
        tpu.vector_store_idx %arg10[%and3A_228, %add3A_11], %gather3A_231 : memref<64x128xf32, #tpu.memory_space<vmem>>[vector<16xi32>, vector<16xi32>], vector<16xf32>,
        %gather3A_232 = tpu.vector_load_idx %arg8[%add3A_14, %and3A_228] : memref<128x128xf32, #tpu.memory_space<vmem>>[vector<16xi32>, vector<16xi32>], vector<16xf32>,
        tpu.vector_store_idx %arg10[%and3A_228, %add3A_14], %gather3A_232 : memref<64x128xf32, #tpu.memory_space<vmem>>[vector<16xi32>, vector<16xi32>], vector<16xf32>,
        %gather3A_233 = tpu.vector_load_idx %arg8[%add3A_17, %and3A_228] : memref<128x128xf32, #tpu.memory_space<vmem>>[vector<16xi32>, vector<16xi32>], vector<16xf32>,
        tpu.vector_store_idx %arg10[%and3A_228, %add3A_17], %gather3A_233 : memref<64x128xf32, #tpu.memory_space<vmem>>[vector<16xi32>, vector<16xi32>], vector<16xf32>,
        %gather3A_234 = tpu.vector_load_idx %arg8[%add3A_20, %and3A_228] : memref<128x128xf32, #tpu.memory_space<vmem>>[vector<16xi32>, vector<16xi32>], vector<16xf32>,
        tpu.vector_store_idx %arg10[%and3A_228, %add3A_20], %gather3A_234 : memref<64x128xf32, #tpu.memory_space<vmem>>[vector<16xi32>, vector<16xi32>], vector<16xf32>,
        %gather3A_235 = tpu.vector_load_idx %arg8[%add3A_23, %and3A_228] : memref<128x128xf32, #tpu.memory_space<vmem>>[vector<16xi32>, vector<16xi32>], vector<16xf32>,
        tpu.vector_store_idx %arg10[%and3A_228, %add3A_23], %gather3A_235 : memref<64x128xf32, #tpu.memory_space<vmem>>[vector<16xi32>, vector<16xi32>], vector<16xf32>,
        %gather3A_236 = tpu.vector_load_idx %arg8[%add3A_26, %and3A_228] : memref<128x128xf32, #tpu.memory_space<vmem>>[vector<16xi32>, vector<16xi32>], vector<16xf32>,
        tpu.vector_store_idx %arg10[%and3A_228, %add3A_26], %gather3A_236 : memref<64x128xf32, #tpu.memory_space<vmem>>[vector<16xi32>, vector<16xi32>], vector<16xf32>,
        %mul3A_237 = arith.constant 4 : i32
        %mul3A_238 = arith.muli %scan3A_204, %mul3A_237 : i32
        %add3A_239 = arith.constant 2 : i32
        %add3A_240 = arith.addi %mul3A_238, %add3A_239 : i32
        %add3A_241 = vector.broadcast %add3A_240 : i32 to vector<16xi32>
        %add3A_242 = arith.addi %iota3A, %add3A_241 : vector<16xi32>
        %and3A_243 = arith.constant 63 : i32
        %and3A_244 = vector.broadcast %and3A_243 : i32 to vector<16xi32>
        %and3A_245 = arith.andi %add3A_242, %and3A_244 : vector<16xi32>
        %gather3A_246 = tpu.vector_load_idx %arg8[%add3A_5, %and3A_245] : memref<128x128xf32, #tpu.memory_space<vmem>>[vector<16xi32>, vector<16xi32>], vector<16xf32>,
        tpu.vector_store_idx %arg10[%and3A_245, %add3A_5], %gather3A_246 : memref<64x128xf32, #tpu.memory_space<vmem>>[vector<16xi32>, vector<16xi32>], vector<16xf32>,
        %gather3A_247 = tpu.vector_load_idx %arg8[%add3A_8, %and3A_245] : memref<128x128xf32, #tpu.memory_space<vmem>>[vector<16xi32>, vector<16xi32>], vector<16xf32>,
        tpu.vector_store_idx %arg10[%and3A_245, %add3A_8], %gather3A_247 : memref<64x128xf32, #tpu.memory_space<vmem>>[vector<16xi32>, vector<16xi32>], vector<16xf32>,
        %gather3A_248 = tpu.vector_load_idx %arg8[%add3A_11, %and3A_245] : memref<128x128xf32, #tpu.memory_space<vmem>>[vector<16xi32>, vector<16xi32>], vector<16xf32>,
        tpu.vector_store_idx %arg10[%and3A_245, %add3A_11], %gather3A_248 : memref<64x128xf32, #tpu.memory_space<vmem>>[vector<16xi32>, vector<16xi32>], vector<16xf32>,
        %gather3A_249 = tpu.vector_load_idx %arg8[%add3A_14, %and3A_245] : memref<128x128xf32, #tpu.memory_space<vmem>>[vector<16xi32>, vector<16xi32>], vector<16xf32>,
        tpu.vector_store_idx %arg10[%and3A_245, %add3A_14], %gather3A_249 : memref<64x128xf32, #tpu.memory_space<vmem>>[vector<16xi32>, vector<16xi32>], vector<16xf32>,
        %gather3A_250 = tpu.vector_load_idx %arg8[%add3A_17, %and3A_245] : memref<128x128xf32, #tpu.memory_space<vmem>>[vector<16xi32>, vector<16xi32>], vector<16xf32>,
        tpu.vector_store_idx %arg10[%and3A_245, %add3A_17], %gather3A_250 : memref<64x128xf32, #tpu.memory_space<vmem>>[vector<16xi32>, vector<16xi32>], vector<16xf32>,
        %gather3A_251 = tpu.vector_load_idx %arg8[%add3A_20, %and3A_245] : memref<128x128xf32, #tpu.memory_space<vmem>>[vector<16xi32>, vector<16xi32>], vector<16xf32>,
        tpu.vector_store_idx %arg10[%and3A_245, %add3A_20], %gather3A_251 : memref<64x128xf32, #tpu.memory_space<vmem>>[vector<16xi32>, vector<16xi32>], vector<16xf32>,
        %gather3A_252 = tpu.vector_load_idx %arg8[%add3A_23, %and3A_245] : memref<128x128xf32, #tpu.memory_space<vmem>>[vector<16xi32>, vector<16xi32>], vector<16xf32>,
        tpu.vector_store_idx %arg10[%and3A_245, %add3A_23], %gather3A_252 : memref<64x128xf32, #tpu.memory_space<vmem>>[vector<16xi32>, vector<16xi32>], vector<16xf32>,
        %gather3A_253 = tpu.vector_load_idx %arg8[%add3A_26, %and3A_245] : memref<128x128xf32, #tpu.memory_space<vmem>>[vector<16xi32>, vector<16xi32>], vector<16xf32>,
        tpu.vector_store_idx %arg10[%and3A_245, %add3A_26], %gather3A_253 : memref<64x128xf32, #tpu.memory_space<vmem>>[vector<16xi32>, vector<16xi32>], vector<16xf32>,
        %mul3A_254 = arith.constant 4 : i32
        %mul3A_255 = arith.muli %scan3A_204, %mul3A_254 : i32
        %add3A_256 = arith.constant 3 : i32
        %add3A_257 = arith.addi %mul3A_255, %add3A_256 : i32
        %add3A_258 = vector.broadcast %add3A_257 : i32 to vector<16xi32>
        %add3A_259 = arith.addi %iota3A, %add3A_258 : vector<16xi32>
        %and3A_260 = arith.constant 63 : i32
        %and3A_261 = vector.broadcast %and3A_260 : i32 to vector<16xi32>
        %and3A_262 = arith.andi %add3A_259, %and3A_261 : vector<16xi32>
        %gather3A_263 = tpu.vector_load_idx %arg8[%add3A_5, %and3A_262] : memref<128x128xf32, #tpu.memory_space<vmem>>[vector<16xi32>, vector<16xi32>], vector<16xf32>,
        tpu.vector_store_idx %arg10[%and3A_262, %add3A_5], %gather3A_263 : memref<64x128xf32, #tpu.memory_space<vmem>>[vector<16xi32>, vector<16xi32>], vector<16xf32>,
        %gather3A_264 = tpu.vector_load_idx %arg8[%add3A_8, %and3A_262] : memref<128x128xf32, #tpu.memory_space<vmem>>[vector<16xi32>, vector<16xi32>], vector<16xf32>,
        tpu.vector_store_idx %arg10[%and3A_262, %add3A_8], %gather3A_264 : memref<64x128xf32, #tpu.memory_space<vmem>>[vector<16xi32>, vector<16xi32>], vector<16xf32>,
        %gather3A_265 = tpu.vector_load_idx %arg8[%add3A_11, %and3A_262] : memref<128x128xf32, #tpu.memory_space<vmem>>[vector<16xi32>, vector<16xi32>], vector<16xf32>,
        tpu.vector_store_idx %arg10[%and3A_262, %add3A_11], %gather3A_265 : memref<64x128xf32, #tpu.memory_space<vmem>>[vector<16xi32>, vector<16xi32>], vector<16xf32>,
        %gather3A_266 = tpu.vector_load_idx %arg8[%add3A_14, %and3A_262] : memref<128x128xf32, #tpu.memory_space<vmem>>[vector<16xi32>, vector<16xi32>], vector<16xf32>,
        tpu.vector_store_idx %arg10[%and3A_262, %add3A_14], %gather3A_266 : memref<64x128xf32, #tpu.memory_space<vmem>>[vector<16xi32>, vector<16xi32>], vector<16xf32>,
        %gather3A_267 = tpu.vector_load_idx %arg8[%add3A_17, %and3A_262] : memref<128x128xf32, #tpu.memory_space<vmem>>[vector<16xi32>, vector<16xi32>], vector<16xf32>,
        tpu.vector_store_idx %arg10[%and3A_262, %add3A_17], %gather3A_267 : memref<64x128xf32, #tpu.memory_space<vmem>>[vector<16xi32>, vector<16xi32>], vector<16xf32>,
        %gather3A_268 = tpu.vector_load_idx %arg8[%add3A_20, %and3A_262] : memref<128x128xf32, #tpu.memory_space<vmem>>[vector<16xi32>, vector<16xi32>], vector<16xf32>,
        tpu.vector_store_idx %arg10[%and3A_262, %add3A_20], %gather3A_268 : memref<64x128xf32, #tpu.memory_space<vmem>>[vector<16xi32>, vector<16xi32>], vector<16xf32>,
        %gather3A_269 = tpu.vector_load_idx %arg8[%add3A_23, %and3A_262] : memref<128x128xf32, #tpu.memory_space<vmem>>[vector<16xi32>, vector<16xi32>], vector<16xf32>,
        tpu.vector_store_idx %arg10[%and3A_262, %add3A_23], %gather3A_269 : memref<64x128xf32, #tpu.memory_space<vmem>>[vector<16xi32>, vector<16xi32>], vector<16xf32>,
        %gather3A_270 = tpu.vector_load_idx %arg8[%add3A_26, %and3A_262] : memref<128x128xf32, #tpu.memory_space<vmem>>[vector<16xi32>, vector<16xi32>], vector<16xf32>,
        tpu.vector_store_idx %arg10[%and3A_262, %add3A_26], %gather3A_270 : memref<64x128xf32, #tpu.memory_space<vmem>>[vector<16xi32>, vector<16xi32>], vector<16xf32>,
      }
      %scan3A_159 = arith.constant 16 : i32
      %add3A_160 = arith.constant 2 : i32
      %add3A_161 = arith.addi %mul3A_67, %add3A_160 : i32
      %dma_start3A_162 = arith.constant 0 : i32
      %dma_start3A_163 = tpu.memref_slice %arg4[%add3A_161, %dma_start3A_162, %multiple_of3A] : memref<200x64x4096xf32, #tpu.memory_space<hbm>> -> memref<1x64x128xf32, #tpu.memory_space<hbm>>
      %dma_start3A_164 = tpu.memref_squeeze %dma_start3A_163 : memref<1x64x128xf32, #tpu.memory_space<hbm>> -> memref<64x128xf32, #tpu.memory_space<hbm>>
      %dma_start3A_165 = arith.constant 0 : i32
      %dma_start3A_166 = tpu.memref_slice %arg4[%add3A_161, %dma_start3A_165, %multiple_of3A] : memref<200x64x4096xf32, #tpu.memory_space<hbm>> -> memref<1x64x128xf32, #tpu.memory_space<hbm>>
      %dma_start3A_167 = tpu.memref_squeeze %dma_start3A_166 : memref<1x64x128xf32, #tpu.memory_space<hbm>> -> memref<64x128xf32, #tpu.memory_space<hbm>>
      tpu.enqueue_dma source(%arg10 : memref<64x128xf32, #tpu.memory_space<vmem>>) target(%dma_start3A_167 : memref<64x128xf32, #tpu.memory_space<hbm>>) target_semaphore(%arg16 : memref<!tpu.dma_semaphore, #tpu.memory_space<semaphore_mem>>)
      %add3A_168 = arith.constant 3 : i32
      %add3A_169 = arith.addi %mul3A_67, %add3A_168 : i32
      %add3A_170 = arith.constant 3 : i32
      %add3A_171 = arith.addi %add3A_169, %add3A_170 : i32
      %lt3A_172 = arith.constant 200 : i32
      %lt3A_173 = arith.cmpi slt, %add3A_171, %lt3A_172 : i32
      %convert_element_type3A_174 = arith.extui %lt3A_173 : i1 to i32
      %cond3A_175 = arith.constant 0 : i32
      %cond3A_176 = arith.cmpi ne, %convert_element_type3A_174, %cond3A_175 : i32
      scf.if %cond3A_176 {
        %dma_start3A_204 = arith.constant 0 : i32
        %dma_start3A_205 = tpu.memref_slice %arg5[%add3A_171, %dma_start3A_204] : memref<200x128xi32, #tpu.memory_space<vmem>> -> memref<1x128xi32, #tpu.memory_space<vmem>>
        %dma_start3A_206 = tpu.memref_squeeze %dma_start3A_205 : memref<1x128xi32, #tpu.memory_space<vmem>> -> memref<128xi32, #tpu.memory_space<vmem>>
        %dma_start3A_207 = arith.constant 0 : i32
        %dma_start3A_208 = arith.constant 0 : i32
        %dma_start3A_209 = tpu.memref_slice %arg3[%dma_start3A_207, %dma_start3A_208] : memref<1000000x128xf32, #tpu.memory_space<hbm>> -> memref<1000000x128xf32, #tpu.memory_space<hbm>>
        tpu.enqueue_indirect_dma source(%dma_start3A_209 : memref<1000000x128xf32, #tpu.memory_space<hbm>>) target(%arg8 : memref<128x128xf32, #tpu.memory_space<vmem>>) offsets(%dma_start3A_206 : memref<128xi32, #tpu.memory_space<vmem>>) semaphore(%arg14 : memref<!tpu.dma_semaphore, #tpu.memory_space<semaphore_mem>>)
      } else {
      }
      %dma_wait3A_177 = arith.constant 0 : i32
      %dma_wait3A_178 = arith.constant 0 : i32
      %dma_wait3A_179 = tpu.memref_slice %arg4[%dma_wait3A_177, %dma_wait3A_178, %multiple_of3A] : memref<200x64x4096xf32, #tpu.memory_space<hbm>> -> memref<1x64x128xf32, #tpu.memory_space<hbm>>
      %dma_wait3A_180 = tpu.memref_squeeze %dma_wait3A_179 : memref<1x64x128xf32, #tpu.memory_space<hbm>> -> memref<64x128xf32, #tpu.memory_space<hbm>>
      %dma_wait3A_181 = arith.constant 0 : i32
      %dma_wait3A_182 = tpu.memref_slice %arg4[%dma_wait3A_177, %dma_wait3A_181, %multiple_of3A] : memref<200x64x4096xf32, #tpu.memory_space<hbm>> -> memref<1x64x128xf32, #tpu.memory_space<hbm>>
      %dma_wait3A_183 = tpu.memref_squeeze %dma_wait3A_182 : memref<1x64x128xf32, #tpu.memory_space<hbm>> -> memref<64x128xf32, #tpu.memory_space<hbm>>
      tpu.wait_dma2 semaphore(%arg17 : memref<!tpu.dma_semaphore, #tpu.memory_space<semaphore_mem>>) src(%arg11 : memref<64x128xf32, #tpu.memory_space<vmem>>) dst(%dma_wait3A_183 : memref<64x128xf32, #tpu.memory_space<hbm>>)
      %dma_wait3A_184 = arith.constant 0 : i32
      %dma_wait3A_185 = arith.constant 0 : i32
      %dma_wait3A_186 = tpu.memref_slice %arg3[%dma_wait3A_184, %dma_wait3A_185] : memref<1000000x128xf32, #tpu.memory_space<hbm>> -> memref<128x128xf32, #tpu.memory_space<hbm>>
      %dma_wait3A_187 = arith.constant 0 : i32
      %dma_wait3A_188 = arith.constant 0 : i32
      %dma_wait3A_189 = tpu.memref_slice %arg3[%dma_wait3A_187, %dma_wait3A_188] : memref<1000000x128xf32, #tpu.memory_space<hbm>> -> memref<128x128xf32, #tpu.memory_space<hbm>>
      tpu.wait_dma2 semaphore(%arg15 : memref<!tpu.dma_semaphore, #tpu.memory_space<semaphore_mem>>) src(%dma_wait3A_189 : memref<128x128xf32, #tpu.memory_space<hbm>>) dst(%arg9 : memref<128x128xf32, #tpu.memory_space<vmem>>)
      %scan3A_190 = arith.constant 0 : i32
      %scan3A_191 = arith.constant 0 : i32
      %scan3A_192 = arith.constant 16 : i32
      %scan3A_193 = arith.addi %scan3A_191, %scan3A_192 : i32
      %scan3A_194 = arith.constant 1 : i32
      scf.for %scan3A_204 = %scan3A_191 to %scan3A_193 step %scan3A_194  : i32 {
        %mul3A_205 = arith.constant 4 : i32
        %mul3A_206 = arith.muli %scan3A_204, %mul3A_205 : i32
        %add3A_207 = arith.constant 0 : i32
        %add3A_208 = arith.addi %mul3A_206, %add3A_207 : i32
        %add3A_209 = vector.broadcast %add3A_208 : i32 to vector<16xi32>
        %add3A_210 = arith.addi %iota3A, %add3A_209 : vector<16xi32>
        %and3A = arith.constant 63 : i32
        %and3A_211 = vector.broadcast %and3A : i32 to vector<16xi32>
        %and3A_212 = arith.andi %add3A_210, %and3A_211 : vector<16xi32>
        %gather3A = tpu.vector_load_idx %arg9[%add3A_5, %and3A_212] : memref<128x128xf32, #tpu.memory_space<vmem>>[vector<16xi32>, vector<16xi32>], vector<16xf32>,
        tpu.vector_store_idx %arg11[%and3A_212, %add3A_5], %gather3A : memref<64x128xf32, #tpu.memory_space<vmem>>[vector<16xi32>, vector<16xi32>], vector<16xf32>,
        %gather3A_213 = tpu.vector_load_idx %arg9[%add3A_8, %and3A_212] : memref<128x128xf32, #tpu.memory_space<vmem>>[vector<16xi32>, vector<16xi32>], vector<16xf32>,
        tpu.vector_store_idx %arg11[%and3A_212, %add3A_8], %gather3A_213 : memref<64x128xf32, #tpu.memory_space<vmem>>[vector<16xi32>, vector<16xi32>], vector<16xf32>,
        %gather3A_214 = tpu.vector_load_idx %arg9[%add3A_11, %and3A_212] : memref<128x128xf32, #tpu.memory_space<vmem>>[vector<16xi32>, vector<16xi32>], vector<16xf32>,
        tpu.vector_store_idx %arg11[%and3A_212, %add3A_11], %gather3A_214 : memref<64x128xf32, #tpu.memory_space<vmem>>[vector<16xi32>, vector<16xi32>], vector<16xf32>,
        %gather3A_215 = tpu.vector_load_idx %arg9[%add3A_14, %and3A_212] : memref<128x128xf32, #tpu.memory_space<vmem>>[vector<16xi32>, vector<16xi32>], vector<16xf32>,
        tpu.vector_store_idx %arg11[%and3A_212, %add3A_14], %gather3A_215 : memref<64x128xf32, #tpu.memory_space<vmem>>[vector<16xi32>, vector<16xi32>], vector<16xf32>,
        %gather3A_216 = tpu.vector_load_idx %arg9[%add3A_17, %and3A_212] : memref<128x128xf32, #tpu.memory_space<vmem>>[vector<16xi32>, vector<16xi32>], vector<16xf32>,
        tpu.vector_store_idx %arg11[%and3A_212, %add3A_17], %gather3A_216 : memref<64x128xf32, #tpu.memory_space<vmem>>[vector<16xi32>, vector<16xi32>], vector<16xf32>,
        %gather3A_217 = tpu.vector_load_idx %arg9[%add3A_20, %and3A_212] : memref<128x128xf32, #tpu.memory_space<vmem>>[vector<16xi32>, vector<16xi32>], vector<16xf32>,
        tpu.vector_store_idx %arg11[%and3A_212, %add3A_20], %gather3A_217 : memref<64x128xf32, #tpu.memory_space<vmem>>[vector<16xi32>, vector<16xi32>], vector<16xf32>,
        %gather3A_218 = tpu.vector_load_idx %arg9[%add3A_23, %and3A_212] : memref<128x128xf32, #tpu.memory_space<vmem>>[vector<16xi32>, vector<16xi32>], vector<16xf32>,
        tpu.vector_store_idx %arg11[%and3A_212, %add3A_23], %gather3A_218 : memref<64x128xf32, #tpu.memory_space<vmem>>[vector<16xi32>, vector<16xi32>], vector<16xf32>,
        %gather3A_219 = tpu.vector_load_idx %arg9[%add3A_26, %and3A_212] : memref<128x128xf32, #tpu.memory_space<vmem>>[vector<16xi32>, vector<16xi32>], vector<16xf32>,
        tpu.vector_store_idx %arg11[%and3A_212, %add3A_26], %gather3A_219 : memref<64x128xf32, #tpu.memory_space<vmem>>[vector<16xi32>, vector<16xi32>], vector<16xf32>,
        %mul3A_220 = arith.constant 4 : i32
        %mul3A_221 = arith.muli %scan3A_204, %mul3A_220 : i32
        %add3A_222 = arith.constant 1 : i32
        %add3A_223 = arith.addi %mul3A_221, %add3A_222 : i32
        %add3A_224 = vector.broadcast %add3A_223 : i32 to vector<16xi32>
        %add3A_225 = arith.addi %iota3A, %add3A_224 : vector<16xi32>
        %and3A_226 = arith.constant 63 : i32
        %and3A_227 = vector.broadcast %and3A_226 : i32 to vector<16xi32>
        %and3A_228 = arith.andi %add3A_225, %and3A_227 : vector<16xi32>
        %gather3A_229 = tpu.vector_load_idx %arg9[%add3A_5, %and3A_228] : memref<128x128xf32, #tpu.memory_space<vmem>>[vector<16xi32>, vector<16xi32>], vector<16xf32>,
        tpu.vector_store_idx %arg11[%and3A_228, %add3A_5], %gather3A_229 : memref<64x128xf32, #tpu.memory_space<vmem>>[vector<16xi32>, vector<16xi32>], vector<16xf32>,
        %gather3A_230 = tpu.vector_load_idx %arg9[%add3A_8, %and3A_228] : memref<128x128xf32, #tpu.memory_space<vmem>>[vector<16xi32>, vector<16xi32>], vector<16xf32>,
        tpu.vector_store_idx %arg11[%and3A_228, %add3A_8], %gather3A_230 : memref<64x128xf32, #tpu.memory_space<vmem>>[vector<16xi32>, vector<16xi32>], vector<16xf32>,
        %gather3A_231 = tpu.vector_load_idx %arg9[%add3A_11, %and3A_228] : memref<128x128xf32, #tpu.memory_space<vmem>>[vector<16xi32>, vector<16xi32>], vector<16xf32>,
        tpu.vector_store_idx %arg11[%and3A_228, %add3A_11], %gather3A_231 : memref<64x128xf32, #tpu.memory_space<vmem>>[vector<16xi32>, vector<16xi32>], vector<16xf32>,
        %gather3A_232 = tpu.vector_load_idx %arg9[%add3A_14, %and3A_228] : memref<128x128xf32, #tpu.memory_space<vmem>>[vector<16xi32>, vector<16xi32>], vector<16xf32>,
        tpu.vector_store_idx %arg11[%and3A_228, %add3A_14], %gather3A_232 : memref<64x128xf32, #tpu.memory_space<vmem>>[vector<16xi32>, vector<16xi32>], vector<16xf32>,
        %gather3A_233 = tpu.vector_load_idx %arg9[%add3A_17, %and3A_228] : memref<128x128xf32, #tpu.memory_space<vmem>>[vector<16xi32>, vector<16xi32>], vector<16xf32>,
        tpu.vector_store_idx %arg11[%and3A_228, %add3A_17], %gather3A_233 : memref<64x128xf32, #tpu.memory_space<vmem>>[vector<16xi32>, vector<16xi32>], vector<16xf32>,
        %gather3A_234 = tpu.vector_load_idx %arg9[%add3A_20, %and3A_228] : memref<128x128xf32, #tpu.memory_space<vmem>>[vector<16xi32>, vector<16xi32>], vector<16xf32>,
        tpu.vector_store_idx %arg11[%and3A_228, %add3A_20], %gather3A_234 : memref<64x128xf32, #tpu.memory_space<vmem>>[vector<16xi32>, vector<16xi32>], vector<16xf32>,
        %gather3A_235 = tpu.vector_load_idx %arg9[%add3A_23, %and3A_228] : memref<128x128xf32, #tpu.memory_space<vmem>>[vector<16xi32>, vector<16xi32>], vector<16xf32>,
        tpu.vector_store_idx %arg11[%and3A_228, %add3A_23], %gather3A_235 : memref<64x128xf32, #tpu.memory_space<vmem>>[vector<16xi32>, vector<16xi32>], vector<16xf32>,
        %gather3A_236 = tpu.vector_load_idx %arg9[%add3A_26, %and3A_228] : memref<128x128xf32, #tpu.memory_space<vmem>>[vector<16xi32>, vector<16xi32>], vector<16xf32>,
        tpu.vector_store_idx %arg11[%and3A_228, %add3A_26], %gather3A_236 : memref<64x128xf32, #tpu.memory_space<vmem>>[vector<16xi32>, vector<16xi32>], vector<16xf32>,
        %mul3A_237 = arith.constant 4 : i32
        %mul3A_238 = arith.muli %scan3A_204, %mul3A_237 : i32
        %add3A_239 = arith.constant 2 : i32
        %add3A_240 = arith.addi %mul3A_238, %add3A_239 : i32
        %add3A_241 = vector.broadcast %add3A_240 : i32 to vector<16xi32>
        %add3A_242 = arith.addi %iota3A, %add3A_241 : vector<16xi32>
        %and3A_243 = arith.constant 63 : i32
        %and3A_244 = vector.broadcast %and3A_243 : i32 to vector<16xi32>
        %and3A_245 = arith.andi %add3A_242, %and3A_244 : vector<16xi32>
        %gather3A_246 = tpu.vector_load_idx %arg9[%add3A_5, %and3A_245] : memref<128x128xf32, #tpu.memory_space<vmem>>[vector<16xi32>, vector<16xi32>], vector<16xf32>,
        tpu.vector_store_idx %arg11[%and3A_245, %add3A_5], %gather3A_246 : memref<64x128xf32, #tpu.memory_space<vmem>>[vector<16xi32>, vector<16xi32>], vector<16xf32>,
        %gather3A_247 = tpu.vector_load_idx %arg9[%add3A_8, %and3A_245] : memref<128x128xf32, #tpu.memory_space<vmem>>[vector<16xi32>, vector<16xi32>], vector<16xf32>,
        tpu.vector_store_idx %arg11[%and3A_245, %add3A_8], %gather3A_247 : memref<64x128xf32, #tpu.memory_space<vmem>>[vector<16xi32>, vector<16xi32>], vector<16xf32>,
        %gather3A_248 = tpu.vector_load_idx %arg9[%add3A_11, %and3A_245] : memref<128x128xf32, #tpu.memory_space<vmem>>[vector<16xi32>, vector<16xi32>], vector<16xf32>,
        tpu.vector_store_idx %arg11[%and3A_245, %add3A_11], %gather3A_248 : memref<64x128xf32, #tpu.memory_space<vmem>>[vector<16xi32>, vector<16xi32>], vector<16xf32>,
        %gather3A_249 = tpu.vector_load_idx %arg9[%add3A_14, %and3A_245] : memref<128x128xf32, #tpu.memory_space<vmem>>[vector<16xi32>, vector<16xi32>], vector<16xf32>,
        tpu.vector_store_idx %arg11[%and3A_245, %add3A_14], %gather3A_249 : memref<64x128xf32, #tpu.memory_space<vmem>>[vector<16xi32>, vector<16xi32>], vector<16xf32>,
        %gather3A_250 = tpu.vector_load_idx %arg9[%add3A_17, %and3A_245] : memref<128x128xf32, #tpu.memory_space<vmem>>[vector<16xi32>, vector<16xi32>], vector<16xf32>,
        tpu.vector_store_idx %arg11[%and3A_245, %add3A_17], %gather3A_250 : memref<64x128xf32, #tpu.memory_space<vmem>>[vector<16xi32>, vector<16xi32>], vector<16xf32>,
        %gather3A_251 = tpu.vector_load_idx %arg9[%add3A_20, %and3A_245] : memref<128x128xf32, #tpu.memory_space<vmem>>[vector<16xi32>, vector<16xi32>], vector<16xf32>,
        tpu.vector_store_idx %arg11[%and3A_245, %add3A_20], %gather3A_251 : memref<64x128xf32, #tpu.memory_space<vmem>>[vector<16xi32>, vector<16xi32>], vector<16xf32>,
        %gather3A_252 = tpu.vector_load_idx %arg9[%add3A_23, %and3A_245] : memref<128x128xf32, #tpu.memory_space<vmem>>[vector<16xi32>, vector<16xi32>], vector<16xf32>,
        tpu.vector_store_idx %arg11[%and3A_245, %add3A_23], %gather3A_252 : memref<64x128xf32, #tpu.memory_space<vmem>>[vector<16xi32>, vector<16xi32>], vector<16xf32>,
        %gather3A_253 = tpu.vector_load_idx %arg9[%add3A_26, %and3A_245] : memref<128x128xf32, #tpu.memory_space<vmem>>[vector<16xi32>, vector<16xi32>], vector<16xf32>,
        tpu.vector_store_idx %arg11[%and3A_245, %add3A_26], %gather3A_253 : memref<64x128xf32, #tpu.memory_space<vmem>>[vector<16xi32>, vector<16xi32>], vector<16xf32>,
        %mul3A_254 = arith.constant 4 : i32
        %mul3A_255 = arith.muli %scan3A_204, %mul3A_254 : i32
        %add3A_256 = arith.constant 3 : i32
        %add3A_257 = arith.addi %mul3A_255, %add3A_256 : i32
        %add3A_258 = vector.broadcast %add3A_257 : i32 to vector<16xi32>
        %add3A_259 = arith.addi %iota3A, %add3A_258 : vector<16xi32>
        %and3A_260 = arith.constant 63 : i32
        %and3A_261 = vector.broadcast %and3A_260 : i32 to vector<16xi32>
        %and3A_262 = arith.andi %add3A_259, %and3A_261 : vector<16xi32>
        %gather3A_263 = tpu.vector_load_idx %arg9[%add3A_5, %and3A_262] : memref<128x128xf32, #tpu.memory_space<vmem>>[vector<16xi32>, vector<16xi32>], vector<16xf32>,
        tpu.vector_store_idx %arg11[%and3A_262, %add3A_5], %gather3A_263 : memref<64x128xf32, #tpu.memory_space<vmem>>[vector<16xi32>, vector<16xi32>], vector<16xf32>,
        %gather3A_264 = tpu.vector_load_idx %arg9[%add3A_8, %and3A_262] : memref<128x128xf32, #tpu.memory_space<vmem>>[vector<16xi32>, vector<16xi32>], vector<16xf32>,
        tpu.vector_store_idx %arg11[%and3A_262, %add3A_8], %gather3A_264 : memref<64x128xf32, #tpu.memory_space<vmem>>[vector<16xi32>, vector<16xi32>], vector<16xf32>,
        %gather3A_265 = tpu.vector_load_idx %arg9[%add3A_11, %and3A_262] : memref<128x128xf32, #tpu.memory_space<vmem>>[vector<16xi32>, vector<16xi32>], vector<16xf32>,
        tpu.vector_store_idx %arg11[%and3A_262, %add3A_11], %gather3A_265 : memref<64x128xf32, #tpu.memory_space<vmem>>[vector<16xi32>, vector<16xi32>], vector<16xf32>,
        %gather3A_266 = tpu.vector_load_idx %arg9[%add3A_14, %and3A_262] : memref<128x128xf32, #tpu.memory_space<vmem>>[vector<16xi32>, vector<16xi32>], vector<16xf32>,
        tpu.vector_store_idx %arg11[%and3A_262, %add3A_14], %gather3A_266 : memref<64x128xf32, #tpu.memory_space<vmem>>[vector<16xi32>, vector<16xi32>], vector<16xf32>,
        %gather3A_267 = tpu.vector_load_idx %arg9[%add3A_17, %and3A_262] : memref<128x128xf32, #tpu.memory_space<vmem>>[vector<16xi32>, vector<16xi32>], vector<16xf32>,
        tpu.vector_store_idx %arg11[%and3A_262, %add3A_17], %gather3A_267 : memref<64x128xf32, #tpu.memory_space<vmem>>[vector<16xi32>, vector<16xi32>], vector<16xf32>,
        %gather3A_268 = tpu.vector_load_idx %arg9[%add3A_20, %and3A_262] : memref<128x128xf32, #tpu.memory_space<vmem>>[vector<16xi32>, vector<16xi32>], vector<16xf32>,
        tpu.vector_store_idx %arg11[%and3A_262, %add3A_20], %gather3A_268 : memref<64x128xf32, #tpu.memory_space<vmem>>[vector<16xi32>, vector<16xi32>], vector<16xf32>,
        %gather3A_269 = tpu.vector_load_idx %arg9[%add3A_23, %and3A_262] : memref<128x128xf32, #tpu.memory_space<vmem>>[vector<16xi32>, vector<16xi32>], vector<16xf32>,
        tpu.vector_store_idx %arg11[%and3A_262, %add3A_23], %gather3A_269 : memref<64x128xf32, #tpu.memory_space<vmem>>[vector<16xi32>, vector<16xi32>], vector<16xf32>,
        %gather3A_270 = tpu.vector_load_idx %arg9[%add3A_26, %and3A_262] : memref<128x128xf32, #tpu.memory_space<vmem>>[vector<16xi32>, vector<16xi32>], vector<16xf32>,
        tpu.vector_store_idx %arg11[%and3A_262, %add3A_26], %gather3A_270 : memref<64x128xf32, #tpu.memory_space<vmem>>[vector<16xi32>, vector<16xi32>], vector<16xf32>,
      }
      %scan3A_195 = arith.constant 16 : i32
      %add3A_196 = arith.constant 3 : i32
      %add3A_197 = arith.addi %mul3A_67, %add3A_196 : i32
      %dma_start3A_198 = arith.constant 0 : i32
      %dma_start3A_199 = tpu.memref_slice %arg4[%add3A_197, %dma_start3A_198, %multiple_of3A] : memref<200x64x4096xf32, #tpu.memory_space<hbm>> -> memref<1x64x128xf32, #tpu.memory_space<hbm>>
      %dma_start3A_200 = tpu.memref_squeeze %dma_start3A_199 : memref<1x64x128xf32, #tpu.memory_space<hbm>> -> memref<64x128xf32, #tpu.memory_space<hbm>>
      %dma_start3A_201 = arith.constant 0 : i32
      %dma_start3A_202 = tpu.memref_slice %arg4[%add3A_197, %dma_start3A_201, %multiple_of3A] : memref<200x64x4096xf32, #tpu.memory_space<hbm>> -> memref<1x64x128xf32, #tpu.memory_space<hbm>>
      %dma_start3A_203 = tpu.memref_squeeze %dma_start3A_202 : memref<1x64x128xf32, #tpu.memory_space<hbm>> -> memref<64x128xf32, #tpu.memory_space<hbm>>
      tpu.enqueue_dma source(%arg11 : memref<64x128xf32, #tpu.memory_space<vmem>>) target(%dma_start3A_203 : memref<64x128xf32, #tpu.memory_space<hbm>>) target_semaphore(%arg17 : memref<!tpu.dma_semaphore, #tpu.memory_space<semaphore_mem>>)
    }
    %scan3A_51 = arith.constant 50 : i32
    %dma_wait3A = arith.constant 0 : i32
    %dma_wait3A_52 = arith.constant 0 : i32
    %dma_wait3A_53 = tpu.memref_slice %arg4[%dma_wait3A, %dma_wait3A_52, %multiple_of3A] : memref<200x64x4096xf32, #tpu.memory_space<hbm>> -> memref<1x64x128xf32, #tpu.memory_space<hbm>>
    %dma_wait3A_54 = tpu.memref_squeeze %dma_wait3A_53 : memref<1x64x128xf32, #tpu.memory_space<hbm>> -> memref<64x128xf32, #tpu.memory_space<hbm>>
    %dma_wait3A_55 = arith.constant 0 : i32
    %dma_wait3A_56 = tpu.memref_slice %arg4[%dma_wait3A, %dma_wait3A_55, %multiple_of3A] : memref<200x64x4096xf32, #tpu.memory_space<hbm>> -> memref<1x64x128xf32, #tpu.memory_space<hbm>>
    %dma_wait3A_57 = tpu.memref_squeeze %dma_wait3A_56 : memref<1x64x128xf32, #tpu.memory_space<hbm>> -> memref<64x128xf32, #tpu.memory_space<hbm>>
    tpu.wait_dma2 semaphore(%arg16 : memref<!tpu.dma_semaphore, #tpu.memory_space<semaphore_mem>>) src(%arg10 : memref<64x128xf32, #tpu.memory_space<vmem>>) dst(%dma_wait3A_57 : memref<64x128xf32, #tpu.memory_space<hbm>>)
    %dma_wait3A_58 = arith.constant 0 : i32
    %dma_wait3A_59 = arith.constant 0 : i32
    %dma_wait3A_60 = tpu.memref_slice %arg4[%dma_wait3A_58, %dma_wait3A_59, %multiple_of3A] : memref<200x64x4096xf32, #tpu.memory_space<hbm>> -> memref<1x64x128xf32, #tpu.memory_space<hbm>>
    %dma_wait3A_61 = tpu.memref_squeeze %dma_wait3A_60 : memref<1x64x128xf32, #tpu.memory_space<hbm>> -> memref<64x128xf32, #tpu.memory_space<hbm>>
    %dma_wait3A_62 = arith.constant 0 : i32
    %dma_wait3A_63 = tpu.memref_slice %arg4[%dma_wait3A_58, %dma_wait3A_62, %multiple_of3A] : memref<200x64x4096xf32, #tpu.memory_space<hbm>> -> memref<1x64x128xf32, #tpu.memory_space<hbm>>
    %dma_wait3A_64 = tpu.memref_squeeze %dma_wait3A_63 : memref<1x64x128xf32, #tpu.memory_space<hbm>> -> memref<64x128xf32, #tpu.memory_space<hbm>>
    tpu.wait_dma2 semaphore(%arg17 : memref<!tpu.dma_semaphore, #tpu.memory_space<semaphore_mem>>) src(%arg11 : memref<64x128xf32, #tpu.memory_space<vmem>>) dst(%dma_wait3A_64 : memref<64x128xf32, #tpu.memory_space<hbm>>)
    return
  }
}

module attributes {stable_mosaic.version = 14 : i64} {
  func.func @_pad_body(%arg0: i32, %arg1: memref<64x8192xf32, #tpu.memory_space<vmem>>, %arg2: memref<8192x128xf32, #tpu.memory_space<vmem>>) attributes {dimension_semantics = [#tpu.dimension_semantics<arbitrary>], iteration_bounds = array<i64: 123>, scalar_prefetch = 0 : i64, scratch_operands = 0 : i64, tpu.core_type = #tpu.core_type<tc>, window_params = [{transform_indices = @transform_0, window_bounds = array<i64: 64, 8192>}, {transform_indices = @transform_1, window_bounds = array<i64: 8192, 128>}]} {
    %get3A = arith.constant 0 : index
    %get3A_0 = arith.constant 0 : index
    %get3A_1 = vector.load %arg1[%get3A, %get3A_0] : memref<64x8192xf32, #tpu.memory_space<vmem>>, vector<64x8192xf32>
    %transpose3A = tpu.transpose %get3A_1, [1, 0] : vector<64x8192xf32> -> vector<8192x64xf32>
    %mul3A = arith.constant 8.000000e+00 : f32
    %mul3A_2 = vector.broadcast %mul3A : f32 to vector<8192x64xf32>
    %mul3A_3 = arith.mulf %transpose3A, %mul3A_2 : vector<8192x64xf32>
    %broadcast_in_dim3A = arith.constant 0.000000e+00 : f32
    %broadcast_in_dim3A_4 = vector.broadcast %broadcast_in_dim3A : f32 to vector<8192x64xf32>
    %concatenate3A = tpu.concatenate %mul3A_3, %broadcast_in_dim3A_4 in 1 : vector<8192x64xf32>, vector<8192x64xf32> -> vector<8192x128xf32>
    %swap3A = arith.constant 0 : index
    %swap3A_5 = arith.constant 0 : index
    %swap3A_6 = vector.load %arg2[%swap3A, %swap3A_5] : memref<8192x128xf32, #tpu.memory_space<vmem>>, vector<8192x128xf32>
    tpu.vector_store %arg2[%swap3A, %swap3A_5], %concatenate3A {strides = array<i32>} : memref<8192x128xf32, #tpu.memory_space<vmem>>, vector<8192x128xf32>,
    return
  }
  func.func @transform_0(%arg0: i32) -> (i32, i32) {
    %c0_i32 = arith.constant 0 : i32
    %c0_i32_0 = arith.constant 0 : i32
    return %c0_i32, %arg0 : i32, i32
  }
  func.func @transform_1(%arg0: i32) -> (i32, i32) {
    %c0_i32 = arith.constant 0 : i32
    %c0_i32_0 = arith.constant 0 : i32
    return %arg0, %c0_i32 : i32, i32
  }
}

</mosaic_0001>

<sc_bundles>
// kernel: kernel.4.cloned.1.call-start
scs
__scs_entry_jumppad:
0x0: {  	(pc) =	sbr.rel $0x88, $3  }
0x1: {  	(tag) =	ssettag $0x0;
	lr =	simm.s32 $0x1  }
0x2: {  	[smem:$0x3F9F] =	sst lr;
	_ =	strace $0xD0000000  }
0x3: {  	_ = 	snop  }
0x4: {  	_ = 	snop  }
0x5: {  	_ = 	snop  }
0x6: {  	_ = 	snop  }
0x7: {  	_ = 	snop  }
__scs_overlays_trampoline_lowered:
0x8: {  	[smem:$0x3FAE] =	sst s0  }
0x9: {  	[smem:$0x3FAF] =	sst s1  }
0xa: {  	[smem:$0x3FB0] =	sst s2  }
0xb: {  	[smem:$0x3FB1] =	sst s3  }
0xc: {  	[smem:$0x3FB2] =	sst s4  }
0xd: {  	[smem:$0x3FB3] =	sst s5  }
0xe: {  	[smem:$0x3FB4] =	sst s6  }
0xf: {  	[smem:$0x3FB5] =	sst s7  }
0x10: {  	[smem:$0x3FB6] =	sst s8  }
0x11: {  	[smem:$0x3FB7] =	sst s9;
	s0 =	simm.s32 @!p0 $0x0  }
0x12: {  	s1 =	sld [smem:$0x3F9D];
	s0 =	simm.s32 @p0 $0x1  }
0x13: {  	[smem:$0x3FB8] =	sst s0;
	s0 =	simm.s32 @!p1 $0x0  }
0x14: {  	s2 =	sld [smem:$0x3F9C];
	s0 =	simm.s32 @p1 $0x1  }
0x15: {  	[smem:$0x3FB9] =	sst s0;
	s0 =	simm.s32 @!p2 $0x0  }
0x16: {  	s3 =	sld [smem:$0x3FDB];
	s0 =	simm.s32 @p2 $0x1  }
0x17: {  	s4 =	simm.s32 $0x1BF5;
	[smem:$0x3FBB] =	sst s0  }
0x18: {  	s0 =	sld [smem:$0x3F9E];
	_ =	swait.ge [sflag:s4], $0x0  }
0x19: {  	s7 =	sld [smem:$0x3F9F]  }
0x1a: {  	s8 =	sadd.s32 $0xFFFFE003, lr  }
0x1b: {  	s9 =	sadd.s32 $0xFFFFFEF7, lr;
	s5 =	simm.s32 $0xFFFFFFFF;
	p2 =	slt.u32 s8, $0xFFFFF086  }
0x1c: {  	p1 =	slt.u32 s9, $0xF7A;
	s5 =	simm.s32 @!p2 $0x0  }
0x1d: {  	s5 =	simm.s32 @p1 $0x1;
	p0 =	seq.s32 s7, s2  }
0x1e: {  	s7 =	smul.u32 @!p0 $0xF7A, s2;
	p2 =	seq.s32 @!p0 s5, $0x0  }
0x1f: {  	s9 =	smul.u32 $0xF7A, s1;
	s8 =	simm.s32 @!p0 $0x1BF5;
	p2 =	por !p2, p0  }
0x20: {  	[sflag:s8] =	ssyncset.s32 @!p0 $0xFFFFF086;
	s6 =	sadd.s32 @!p0 s3, s7;
	s7 =	simm.s32 @!p0 $0x108  }
0x21: {  	s3 =	sadd.s32 s3, s9;
	s6 =	sadd.s32 @!p0 $0x88, s6;
	s7 =	simm.s32 @p2 $0x1082  }
0x22: {  	[simem:s7], [sflag:s8] =	dma.local @!p0 [hbm:s6], $0xF7A  }
0x23: {  	s9 =	sor.u32 $0xD0000000, s2;
	s6 =	simm.s32 $0x108;
	_ =	swait.ge @!p0 [sflag:s8], $0x0  }
0x24: {  	s3 =	sadd.s32 $0x88, s3;
	s6 =	simm.s32 @!p1 $0x1082;
	[sflag:s4] =	ssyncset.s32 $0xFFFFF086  }
0x25: {  	[simem:s6], [sflag:s4] =	dma.local [hbm:s3], $0xF7A  }
0x26: {  	[smem:$0x3F9F] =	sst s1;
	(tag) =	ssettag s2;
	_ =	strace s9  }
0x27: {  	s1 =	sld [smem:$0x3FAF]  }
0x28: {  	s2 =	sld [smem:$0x3FB0]  }
0x29: {  	s4 =	sld [smem:$0x3FB2]  }
0x2a: {  	p0 =	seq.s32 s5, $0x0;
	s5 =	sld [smem:$0x3FB3]  }
0x2b: {  	s6 =	sld [smem:$0x3FB4]  }
0x2c: {  	s7 =	sld [smem:$0x3FB5]  }
0x2d: {  	s3 =	simm.s32 $0x108;
	s8 =	sld [smem:$0x3FB6]  }
0x2e: {  	s3 =	simm.s32 @!p0 $0x1082;
	s9 =	sld [smem:$0x3FB7]  }
0x2f: {  	lr =	sadd.s32 s0, s3;
	s0 =	sld [smem:$0x3FAE]  }
0x30: {  	s3 =	sld [smem:$0x3FB1]  }
0x31: {  	[smem:$0x3FBA] =	sst s10  }
0x32: {  	s10 =	sld [smem:$0x3FB8];
	_ =	sdelay $0x3  }
0x33: {  	p0 =	seq.s32 s10, $0x1;
	s10 =	sld [smem:$0x3FBA];
	_ =	sdelay $0x3  }
0x34: {  	[smem:$0x3FBA] =	sst s10  }
0x35: {  	s10 =	sld [smem:$0x3FB9];
	_ =	sdelay $0x3  }
0x36: {  	p1 =	seq.s32 s10, $0x1;
	s10 =	sld [smem:$0x3FBA];
	_ =	sdelay $0x3  }
0x37: {  	[smem:$0x3FBA] =	sst s10  }
0x38: {  	s10 =	sld [smem:$0x3FBB]  }
0x39: {  	_ = 	snop;
	(pc) =	sbr.ind lr, $3  }
0x3a: {  	_ = 	snop  }
0x3b: {  	_ = 	snop  }
0x3c: {  	p2 =	seq.s32 s10, $0x1;
	s10 =	sld [smem:$0x3FBA]  }
0x3d: {  	_ =	shalt  }
0x3e: {  	_ =	shalt  }
0x3f: {  	_ =	shalt  }
0x40: {  	_ =	shalt  }
0x41: {  	_ =	shalt  }
0x42: {  	_ =	shalt  }
0x43: {  	_ =	shalt  }
0x44: {  	_ =	shalt  }
0x45: {  	_ =	shalt  }
0x46: {  	_ =	shalt  }
0x47: {  	_ =	shalt  }
0x48: {  	_ =	shalt  }
0x49: {  	_ =	shalt  }
0x4a: {  	_ =	shalt  }
0x4b: {  	_ =	shalt  }
0x4c: {  	_ =	shalt  }
0x4d: {  	_ =	shalt  }
0x4e: {  	_ =	shalt  }
0x4f: {  	_ =	shalt  }
0x50: {  	_ =	shalt  }
0x51: {  	_ =	shalt  }
0x52: {  	_ =	shalt  }
0x53: {  	_ =	shalt  }
0x54: {  	_ =	shalt  }
0x55: {  	_ =	shalt  }
0x56: {  	_ =	shalt  }
0x57: {  	_ =	shalt  }
0x58: {  	_ =	shalt  }
0x59: {  	_ =	shalt  }
0x5a: {  	_ =	shalt  }
0x5b: {  	_ =	shalt  }
0x5c: {  	_ =	shalt  }
0x5d: {  	_ =	shalt  }
0x5e: {  	_ =	shalt  }
0x5f: {  	_ =	shalt  }
0x60: {  	_ =	shalt  }
0x61: {  	_ =	shalt  }
0x62: {  	_ =	shalt  }
0x63: {  	_ =	shalt  }
0x64: {  	_ =	shalt  }
0x65: {  	_ =	shalt  }
0x66: {  	_ =	shalt  }
0x67: {  	_ =	shalt  }
0x68: {  	_ =	shalt  }
0x69: {  	_ =	shalt  }
0x6a: {  	_ =	shalt  }
0x6b: {  	_ =	shalt  }
0x6c: {  	_ =	shalt  }
0x6d: {  	_ =	shalt  }
0x6e: {  	_ =	shalt  }
0x6f: {  	_ =	shalt  }
0x70: {  	_ =	shalt  }
0x71: {  	_ =	shalt  }
0x72: {  	_ =	shalt  }
0x73: {  	_ =	shalt  }
0x74: {  	_ =	shalt  }
0x75: {  	_ =	shalt  }
0x76: {  	_ =	shalt  }
0x77: {  	_ =	shalt  }
0x78: {  	_ =	shalt  }
0x79: {  	_ =	shalt  }
0x7a: {  	_ =	shalt  }
0x7b: {  	_ =	shalt  }
0x7c: {  	_ =	shalt  }
0x7d: {  	_ =	shalt  }
0x7e: {  	_ =	shalt  }
0x7f: {  	_ =	shalt  }
0x80: {  	_ =	shalt  }
0x81: {  	_ =	shalt  }
0x82: {  	_ =	shalt  }
0x83: {  	_ =	shalt  }
0x84: {  	_ =	shalt  }
0x85: {  	_ =	shalt  }
0x86: {  	_ =	shalt  }
0x87: {  	_ =	shalt  }
.Lfunc_end0:
.L_simem_size_0:
called_computation_lowered:
.L_overlay_start_0:
0x88: {  	s2 =	sld [smem:$0x3FD9]  }
0x89: {  	s3 =	sld [smem:$0x3FFE];
	_ =	sdelay $0x1  }
0x8a: {  	s1 =	srdreg.scid  }
0x8b: {  	s0 =	sand.u32 $0x1, s1  }
0x8c: {  	s17 =	sshll.u32 s0, $0xA;
	s2 =	sadd.s32 s3, s2  }
0x8d: {  	s2 =	sadd.s32 s2, s17  }
0x8e: {  	[smem:$0x3FC6] =	sst s2  }
0x8f: {  	_ = 	snop  }
0x90: {  	s2 =	sld [smem:$0x3FC9]  }
0x91: {  	s18 =	sld [smem:$0x3FD0];
	(tm) =	ssettm $0x1  }
0x92: {  	s4 =	sld [smem:$0x3FFB];
	_ =	sdelay $0x3  }
0x93: {  	_ =	strace s4  }
0x94: {  	s4 =	sld [smem:$0x3FFC];
	_ =	sdelay $0x3  }
0x95: {  	_ =	strace s4  }
0x96: {  	s4 =	sld [smem:$0x3FFD];
	_ =	sdelay $0x3  }
0x97: {  	_ =	strace s4  }
0x98: {  	_ =	strace $0x8FFFFFFF  }
0x99: {  	s19 =	sld [smem:$0x3FDB];
	_ =	sdelay $0x1  }
0x9a: {  	s5 =	simm.s32 $_scs_section_size  }
0x9b: {  	s6 =	simm.s32 $_size__tile_overlayer_lowered;
	s7 =	simm.s32 $_tile_overlayer_lowered  }
0x9c: {  	s22 =	simm.s32 $0x1BFF;
	s21 =	sshll.u32 s7, $0x1;
	s4 =	sadd.s32 s5, s19  }
0x9d: {  	s8 =	simm.s32 $0x0;
	s20 =	sshll.u32 s6, $0x1;
	s6 =	sadd.s32 s21, s4  }
0x9e: {  	[timem:s8], [sflag:s22] =	dma.local [hbm:s6], s20  }
0x9f: {  	_ =	swait.ge [sflag:s22], s20  }
0xa0: {  	s5 =	ssub.s32 $0x0, s20;
	[sflag:s22] =	ssyncset.done $0x0  }
0xa1: {  	[sflag:s22] =	ssyncadd.s32 s5;
	_ =	sdelay $0x1  }
0xa2: {  	s23 =	simm.s32 $0x1B8B  }
0xa3: {  	_ =	swait.ge [sflag:s23], $0x1  }
0xa4: {  	[sflag:s23] =	ssyncset.done $0x0  }
0xa5: {  	s25 =	simm.s32 $0x1B8E;
	s24 =	sld [smem:$0x3FFE];
	[sflag:s23] =	ssyncadd.s32 $0xFFFFFFFF  }
0xa6: {  	s26 =	simm.s32 $execute0_lowered;
	[smem:$0x3FD2] =	sst s25  }
0xa7: {  	s6 =	sshll.u32 s26, $0x1;
	_ =	strace $0x80000046;
	[dreg:$0x1] =	wrdreg $0xFFFFFFFF  }
0xa8: {  	s28 =	simm.s32 $_size_execute0_lowered;
	s4 =	sadd.s32 s4, s6;
	[dreg:$0x0] =	wrdreg $0x0  }
0xa9: {  	s6 =	sshll.u32 s28, $0x1;
	[dreg:$0x2] =	wrdreg s4  }
0xaa: {  	[dreg:$0x3] =	wrdreg s6  }
0xab: {  	[dreg:$0x4] =	wrdreg $0xC0  }
0xac: {  	_ =	task [dreg:s8], $0x5FFFF  }
0xad: {  	[dreg:$0x1] =	wrdreg $0xFFFFFFFF  }
0xae: {  	[dreg:$0x0] =	wrdreg $0x60  }
0xaf: {  	[dreg:$0x2] =	wrdreg s2  }
0xb0: {  	[dreg:$0x3] =	wrdreg s24  }
0xb1: {  	[dreg:$0x4] =	wrdreg s18  }
0xb2: {  	[dreg:$0x5] =	wrdreg $0x9  }
0xb3: {  	_ =	task.clear_ibuf [dreg:s8], $0x6FFFF;
	_ =	strace $0x90000046  }
0xb4: {  	s29 =	simm.s32 $0x9;
	_ =	strace $0x80000048  }
0xb5: {  	_ =	swait.ge [sflag:s29], $0x1  }
0xb6: {  	[sflag:s29] =	ssyncadd.s32 $0xFFFFFFFF  }
0xb7: {  	_ =	strace $0x90000048  }
0xb8: {  	_ =	sfence  }
0xb9: {  	s30 =	sld [smem:$0x0];
	_ =	sdelay $0x2  }
0xba: {  	s31 =	sshll.u32 s1, $0xD;
	s1 =	sshrl.u32 s1, $0x2  }
0xbb: {  	s3 =	sand.u32 $0x4000, s31;
	s1 =	sadd.s32 s1, s30  }
0xbc: {  	s0 =	sor.u32 s3, s0;
	s1 =	sshll.u32 s1, $0x11  }
0xbd: {  	s0 =	sor.u32 s1, s0  }
0xbe: {  	s0 =	sadd.s32 $0x8F2B, s0  }
0xbf: {  	[sflag:s0] =	ssyncadd.remote.s32 $0x1  }
0xc0: {  	_ =	sfence.sel $0xFFFF  }
0xc1: {  	[dreg:$0x0] =	wrdreg $0xFFFFFFFF;
	(pc) =	sbr.abs _section_cstart, $3  }
0xc2: {  	[dreg:$0x1] =	wrdreg $0xFFFFFFFF  }
0xc3: {  	_ =	task.clear_ibuf [dreg:s8], $0x2FFFF;
	_ =	strace $0x9FFFFFFF  }
0xc4: {  	(tm) =	ssettm $0x7FFFFFFF  }
0xc5: {  	_ =	shalt  }
tec
execute0_lowered:
.L_overlay_start_1:
0x0: {  	(tag) =	ssettag $0x1  }
0x1: {  	s0 =	rddreg [dreg:$0x0]  }
0x2: {  	s1 =	rddreg [dreg:$0x1]  }
0x3: {  	s2 =	rddreg [dreg:$0x2]  }
0x4: {  	s3 =	srdreg.scid;
	s5 =	stileid.u32;
	s29 =	simm.s32 $0x0  }
0x5: {  	s10 =	simm.s32 $0x400;
	s11 =	simm.s32 $0x8000;
	s12 =	simm.s32 $0x7  }
0x6: {  	s13 =	simm.s32 $0x80;
	s14 =	simm.s32 $0x6400;
	s15 =	simm.s32 $0xA400  }
0x7: {  	s17 =	simm.s32 $0xE400;
	s18 =	simm.s32 $0x12400;
	s19 =	simm.s32 $0x1  }
0x8: {  	s20 =	simm.s32 $0x16400;
	s21 =	simm.s32 $0x2;
	s22 =	simm.s32 $0x18400  }
0x9: {  	s23 =	simm.s32 $0x5;
	s24 =	simm.s32 $0x3;
	s25 =	simm.s32 $0x6  }
0xa: {  	v0 =	vlaneseq.u32;
	s26 =	simm.s32 $0x4;
	s28 =	simm.s32 $0x0;
	s4 =	sand.u32 $0x1, s3  }
0xb: {  	s5 =	sshll.u32 s5, $0xB;
	[smem:$0x7FF] =	sst s29;
	v1 =	vmul.u32 $0x80, v0;
	v3 =	vor.u32 $0x10, v0;
	v5 =	vor.u32 $0x20, v0;
	s6 =	sshll.u32 s4, $0xA  }
0xc: {  	v7 =	vor.u32 $0x30, v0;
	v9 =	vor.u32 $0x40, v0;
	v11 =	vor.u32 $0x50, v0;
	s7 =	ssub.s32 $0x2, s4;
	_ =	strace $0x80000047;
	s4 =	sor.u32 s6, s5  }
0xd: {  	v13 =	vor.u32 $0x60, v0;
	v15 =	vor.u32 $0x70, v0;
	s30 =	sshrl.u32 s7, $0x1;
	s5 =	sadd.s32 $0x400, s1;
	v2 =	vor.u32 $0x800, v1;
	s8 =	sshrl.u32 s4, $0x3  }
0xe: {  	v4 =	vor.u32 $0x1000, v1;
	v6 =	vor.u32 $0x1800, v1;
	v8 =	vor.u32 $0x2000, v1;
	s31 =	ssub.s32 s7, s30;
	s7 =	sadd.s32 $0x8000, s2;
	s0 =	sadd.s32 s0, s8  }
0xf: {  	v10 =	vor.u32 $0x2800, v1;
	v12 =	vor.u32 $0x3000, v1;
	v14 =	vor.u32 $0x3800, v1;
	s8 =	sadd.s32 $0x10000, s2;
	s9 =	smax.u32 s31, $0x1;
	[dreg:$0x4] =	wrdreg s0  }
.LBB2_1:
0x10: {  	s0 =	simm.s32 $0x0;
	s1 =	rddreg [dreg:$0x4]  }
0x11: {  	[tilespmem:s0], [sflag:$0x7] =	stream.strided.gather [hbm4b:s1+s10], $0x6400, s11, s10, $0x38;
	[tilespmem:$0x1A400] =	vst v63  }
0x12: {  	_ =	swait.ge [sflag:s12], $0x6400  }
0x13: {  	[sflag:s12] =	ssyncset.done $0x0  }
0x14: {  	[sflag:s12] =	ssyncadd.s32 $0xFFFF9C00  }
0x15: {  	[tilespmem:s14], [sflag:$0x1] =	stream.indirect.gather [hbm4b:s5+s13], $0x80, s0, s13, $0xb8;
	[tilespmem:$0x1A400] =	vst v63  }
0x16: {  	_ = 	snop  }
0x17: {  	[tilespmem:s15], [sflag:$0x2] =	stream.indirect.gather [hbm4b:s5+s13], $0x80, s13, s13, $0xb8;
	[tilespmem:$0x1A400] =	vst v63  }
0x18: {  	s31 =	simm.s32 $0x100;
	s29 =	simm.s32 $0x0  }
0x19: {  	[tilespmem:s17], [sflag:$0x3] =	stream.indirect.gather [hbm4b:s5+s13], $0x80, s31, s13, $0xb8;
	[tilespmem:$0x1A400] =	vst v63  }
.LBB2_2:
0x1a: {  	s30 =	sshllo.u32 s29, $0x2  }
0x1b: {  	p0 =	seq.s32 s29, $0x0;
	s0 =	sshll.u32 s30, $0x7  }
0x1c: {  	s3 =	simm.s32 $0x0;
	s1 =	simm.s32 @!p0 $0x5;
	s0 =	sand.u32 $0x3FFFFF80, s0  }
0x1d: {  	v16 =	vadd.s32 s3, v0;
	[tilespmem:s18], [sflag:$0x4] =	stream.indirect.gather [hbm4b:s5+s13], $0x80, s0, s13, $0xb8;
	[tilespmem:$0x1A400] =	vst v63  }
0x1e: {  	v16 =	vand.u32 $0x3F, v16;
	_ =	swait.ge @!p0 [sflag:s1], $0x2000  }
0x1f: {  	v17 =	vor.u32 v1, v16;
	[sflag:s1] =	ssyncset.done @!p0 $0x0  }
0x20: {  	[sflag:s1] =	ssyncadd.s32 @!p0 $0xFFFFE000  }
0x21: {  	_ =	swait.ge [sflag:s19], $0x4000  }
0x22: {  	[sflag:s19] =	ssyncset.done $0x0  }
0x23: {  	v18 =	vshll.u32 v16, $0x7;
	[sflag:s19] =	ssyncadd.s32 $0xFFFFC000  }
0x24: {  	v19 =	vor.u32 v0, v18;
	v17 =	vld.idx.msk [tilespmem:v17+s14+$0x0], $0xffff  }
0x25: {  	v20 =	vor.u32 v2, v16;
	_ =	sdelay $0x3  }
0x26: {  	[tilespmem:v19+s20+$0x0] =	vst.idx.msk $0xffff, v17  }
0x27: {  	v19 =	vor.u32 v3, v18;
	v17 =	vld.idx.msk [tilespmem:v20+s14+$0x0], $0xffff  }
0x28: {  	v20 =	vor.u32 v4, v16;
	_ =	sdelay $0x3  }
0x29: {  	[tilespmem:v19+s20+$0x0] =	vst.idx.msk $0xffff, v17  }
0x2a: {  	v19 =	vor.u32 v5, v18;
	v17 =	vld.idx.msk [tilespmem:v20+s14+$0x0], $0xffff  }
0x2b: {  	v20 =	vor.u32 v6, v16;
	_ =	sdelay $0x3  }
0x2c: {  	[tilespmem:v19+s20+$0x0] =	vst.idx.msk $0xffff, v17  }
0x2d: {  	v19 =	vor.u32 v7, v18;
	v17 =	vld.idx.msk [tilespmem:v20+s14+$0x0], $0xffff  }
0x2e: {  	v20 =	vor.u32 v8, v16;
	_ =	sdelay $0x3  }
0x2f: {  	[tilespmem:v19+s20+$0x0] =	vst.idx.msk $0xffff, v17  }
0x30: {  	v19 =	vor.u32 v9, v18;
	v17 =	vld.idx.msk [tilespmem:v20+s14+$0x0], $0xffff  }
0x31: {  	v20 =	vor.u32 v10, v16;
	_ =	sdelay $0x3  }
0x32: {  	[tilespmem:v19+s20+$0x0] =	vst.idx.msk $0xffff, v17  }
0x33: {  	v19 =	vor.u32 v11, v18;
	v17 =	vld.idx.msk [tilespmem:v20+s14+$0x0], $0xffff  }
0x34: {  	v20 =	vor.u32 v12, v16;
	_ =	sdelay $0x3  }
0x35: {  	[tilespmem:v19+s20+$0x0] =	vst.idx.msk $0xffff, v17  }
0x36: {  	v19 =	vor.u32 v13, v18;
	v17 =	vld.idx.msk [tilespmem:v20+s14+$0x0], $0xffff  }
0x37: {  	v16 =	vor.u32 v14, v16;
	_ =	sdelay $0x2  }
0x38: {  	s6 =	simm.s32 $0x1  }
0x39: {  	[tilespmem:v19+s20+$0x0] =	vst.idx.msk $0xffff, v17;
	v17 =	vadd.s32 s6, v0  }
0x3a: {  	v18 =	vor.u32 v15, v18;
	v16 =	vld.idx.msk [tilespmem:v16+s14+$0x0], $0xffff;
	v17 =	vand.u32 $0x3F, v17  }
0x3b: {  	v19 =	vor.u32 v1, v17;
	_ =	sdelay $0x3  }
0x3c: {  	[tilespmem:v18+s20+$0x0] =	vst.idx.msk $0xffff, v16;
	v16 =	vshll.u32 v17, $0x7  }
0x3d: {  	v18 =	vld.idx.msk [tilespmem:v19+s14+$0x0], $0xffff;
	v19 =	vor.u32 v0, v16  }
0x3e: {  	v20 =	vor.u32 v2, v17;
	_ =	sdelay $0x3  }
0x3f: {  	[tilespmem:v19+s20+$0x0] =	vst.idx.msk $0xffff, v18  }
0x40: {  	v19 =	vor.u32 v3, v16;
	v18 =	vld.idx.msk [tilespmem:v20+s14+$0x0], $0xffff  }
0x41: {  	v20 =	vor.u32 v4, v17;
	_ =	sdelay $0x3  }
0x42: {  	[tilespmem:v19+s20+$0x0] =	vst.idx.msk $0xffff, v18  }
0x43: {  	v19 =	vor.u32 v5, v16;
	v18 =	vld.idx.msk [tilespmem:v20+s14+$0x0], $0xffff  }
0x44: {  	v20 =	vor.u32 v6, v17;
	_ =	sdelay $0x3  }
0x45: {  	[tilespmem:v19+s20+$0x0] =	vst.idx.msk $0xffff, v18  }
0x46: {  	v19 =	vor.u32 v7, v16;
	v18 =	vld.idx.msk [tilespmem:v20+s14+$0x0], $0xffff  }
0x47: {  	v20 =	vor.u32 v8, v17;
	_ =	sdelay $0x3  }
0x48: {  	[tilespmem:v19+s20+$0x0] =	vst.idx.msk $0xffff, v18  }
0x49: {  	v19 =	vor.u32 v9, v16;
	v18 =	vld.idx.msk [tilespmem:v20+s14+$0x0], $0xffff  }
0x4a: {  	v20 =	vor.u32 v10, v17;
	_ =	sdelay $0x3  }
0x4b: {  	[tilespmem:v19+s20+$0x0] =	vst.idx.msk $0xffff, v18  }
0x4c: {  	v19 =	vor.u32 v11, v16;
	v18 =	vld.idx.msk [tilespmem:v20+s14+$0x0], $0xffff  }
0x4d: {  	v20 =	vor.u32 v12, v17;
	_ =	sdelay $0x3  }
0x4e: {  	[tilespmem:v19+s20+$0x0] =	vst.idx.msk $0xffff, v18  }
0x4f: {  	v19 =	vor.u32 v13, v16;
	v18 =	vld.idx.msk [tilespmem:v20+s14+$0x0], $0xffff  }
0x50: {  	v17 =	vor.u32 v14, v17;
	_ =	sdelay $0x2  }
0x51: {  	s16 =	simm.s32 $0x2  }
0x52: {  	[tilespmem:v19+s20+$0x0] =	vst.idx.msk $0xffff, v18;
	v18 =	vadd.s32 s16, v0  }
0x53: {  	v16 =	vor.u32 v15, v16;
	v17 =	vld.idx.msk [tilespmem:v17+s14+$0x0], $0xffff;
	v18 =	vand.u32 $0x3F, v18  }
0x54: {  	v19 =	vor.u32 v1, v18;
	_ =	sdelay $0x3  }
0x55: {  	[tilespmem:v16+s20+$0x0] =	vst.idx.msk $0xffff, v17;
	v16 =	vshll.u32 v18, $0x7  }
0x56: {  	v17 =	vld.idx.msk [tilespmem:v19+s14+$0x0], $0xffff;
	v19 =	vor.u32 v0, v16  }
0x57: {  	v20 =	vor.u32 v2, v18;
	_ =	sdelay $0x3  }
0x58: {  	[tilespmem:v19+s20+$0x0] =	vst.idx.msk $0xffff, v17  }
0x59: {  	v19 =	vor.u32 v3, v16;
	v17 =	vld.idx.msk [tilespmem:v20+s14+$0x0], $0xffff  }
0x5a: {  	v20 =	vor.u32 v4, v18;
	_ =	sdelay $0x3  }
0x5b: {  	[tilespmem:v19+s20+$0x0] =	vst.idx.msk $0xffff, v17  }
0x5c: {  	v19 =	vor.u32 v5, v16;
	v17 =	vld.idx.msk [tilespmem:v20+s14+$0x0], $0xffff  }
0x5d: {  	v20 =	vor.u32 v6, v18;
	_ =	sdelay $0x3  }
0x5e: {  	[tilespmem:v19+s20+$0x0] =	vst.idx.msk $0xffff, v17  }
0x5f: {  	v19 =	vor.u32 v7, v16;
	v17 =	vld.idx.msk [tilespmem:v20+s14+$0x0], $0xffff  }
0x60: {  	v20 =	vor.u32 v8, v18;
	_ =	sdelay $0x3  }
0x61: {  	[tilespmem:v19+s20+$0x0] =	vst.idx.msk $0xffff, v17  }
0x62: {  	v19 =	vor.u32 v9, v16;
	v17 =	vld.idx.msk [tilespmem:v20+s14+$0x0], $0xffff  }
0x63: {  	v20 =	vor.u32 v10, v18;
	_ =	sdelay $0x3  }
0x64: {  	[tilespmem:v19+s20+$0x0] =	vst.idx.msk $0xffff, v17  }
0x65: {  	v19 =	vor.u32 v11, v16;
	v17 =	vld.idx.msk [tilespmem:v20+s14+$0x0], $0xffff  }
0x66: {  	v20 =	vor.u32 v12, v18;
	_ =	sdelay $0x3  }
0x67: {  	[tilespmem:v19+s20+$0x0] =	vst.idx.msk $0xffff, v17  }
0x68: {  	v19 =	vor.u32 v13, v16;
	v17 =	vld.idx.msk [tilespmem:v20+s14+$0x0], $0xffff  }
0x69: {  	v18 =	vor.u32 v14, v18;
	_ =	sdelay $0x2  }
0x6a: {  	s31 =	simm.s32 $0x3  }
0x6b: {  	[tilespmem:v19+s20+$0x0] =	vst.idx.msk $0xffff, v17;
	v17 =	vadd.s32 s31, v0  }
0x6c: {  	v16 =	vor.u32 v15, v16;
	v18 =	vld.idx.msk [tilespmem:v18+s14+$0x0], $0xffff;
	v17 =	vand.u32 $0x3F, v17  }
0x6d: {  	v19 =	vor.u32 v1, v17;
	_ =	sdelay $0x3  }
0x6e: {  	[tilespmem:v16+s20+$0x0] =	vst.idx.msk $0xffff, v18;
	v16 =	vshll.u32 v17, $0x7  }
0x6f: {  	v18 =	vld.idx.msk [tilespmem:v19+s14+$0x0], $0xffff;
	v19 =	vor.u32 v0, v16  }
0x70: {  	v20 =	vor.u32 v2, v17;
	_ =	sdelay $0x3  }
0x71: {  	[tilespmem:v19+s20+$0x0] =	vst.idx.msk $0xffff, v18  }
0x72: {  	v19 =	vor.u32 v3, v16;
	v18 =	vld.idx.msk [tilespmem:v20+s14+$0x0], $0xffff  }
0x73: {  	v20 =	vor.u32 v4, v17;
	_ =	sdelay $0x3  }
0x74: {  	[tilespmem:v19+s20+$0x0] =	vst.idx.msk $0xffff, v18  }
0x75: {  	v19 =	vor.u32 v5, v16;
	v18 =	vld.idx.msk [tilespmem:v20+s14+$0x0], $0xffff  }
0x76: {  	v20 =	vor.u32 v6, v17;
	_ =	sdelay $0x3  }
0x77: {  	[tilespmem:v19+s20+$0x0] =	vst.idx.msk $0xffff, v18  }
0x78: {  	v19 =	vor.u32 v7, v16;
	v18 =	vld.idx.msk [tilespmem:v20+s14+$0x0], $0xffff  }
0x79: {  	v20 =	vor.u32 v8, v17;
	_ =	sdelay $0x3  }
0x7a: {  	[tilespmem:v19+s20+$0x0] =	vst.idx.msk $0xffff, v18  }
0x7b: {  	v19 =	vor.u32 v9, v16;
	v18 =	vld.idx.msk [tilespmem:v20+s14+$0x0], $0xffff  }
0x7c: {  	v20 =	vor.u32 v10, v17;
	_ =	sdelay $0x3  }
0x7d: {  	[tilespmem:v19+s20+$0x0] =	vst.idx.msk $0xffff, v18  }
0x7e: {  	v19 =	vor.u32 v11, v16;
	v18 =	vld.idx.msk [tilespmem:v20+s14+$0x0], $0xffff  }
0x7f: {  	v20 =	vor.u32 v12, v17;
	_ =	sdelay $0x3  }
0x80: {  	[tilespmem:v19+s20+$0x0] =	vst.idx.msk $0xffff, v18  }
0x81: {  	v19 =	vor.u32 v13, v16;
	v18 =	vld.idx.msk [tilespmem:v20+s14+$0x0], $0xffff  }
0x82: {  	v17 =	vor.u32 v14, v17;
	_ =	sdelay $0x3  }
0x83: {  	s0 =	simm.s32 $0x4;
	[tilespmem:v19+s20+$0x0] =	vst.idx.msk $0xffff, v18  }
0x84: {  	s1 =	simm.s32 $0x8;
	v18 =	vadd.s32 s0, v0;
	v17 =	vld.idx.msk [tilespmem:v17+s14+$0x0], $0xffff  }
.LBB2_3:
0x85: {  	p0 =	sne.s32 s1, $0x3C;
	v18 =	vand.u32 $0x3F, v18;
	v16 =	vor.u32 v15, v16  }
0x86: {  	v19 =	vor.u32 v1, v18;
	_ =	sdelay $0x3  }
0x87: {  	[tilespmem:v16+s20+$0x0] =	vst.idx.msk $0xffff, v17  }
0x88: {  	v17 =	vshll.u32 v18, $0x7;
	v16 =	vld.idx.msk [tilespmem:v19+s14+$0x0], $0xffff  }
0x89: {  	v19 =	vor.u32 v0, v17  }
0x8a: {  	v20 =	vor.u32 v2, v18;
	_ =	sdelay $0x3  }
0x8b: {  	[tilespmem:v19+s20+$0x0] =	vst.idx.msk $0xffff, v16  }
0x8c: {  	v16 =	vld.idx.msk [tilespmem:v20+s14+$0x0], $0xffff  }
0x8d: {  	v19 =	vor.u32 v3, v17  }
0x8e: {  	v20 =	vor.u32 v4, v18;
	_ =	sdelay $0x3  }
0x8f: {  	[tilespmem:v19+s20+$0x0] =	vst.idx.msk $0xffff, v16  }
0x90: {  	v16 =	vld.idx.msk [tilespmem:v20+s14+$0x0], $0xffff  }
0x91: {  	v19 =	vor.u32 v5, v17  }
0x92: {  	v20 =	vor.u32 v6, v18;
	_ =	sdelay $0x3  }
0x93: {  	[tilespmem:v19+s20+$0x0] =	vst.idx.msk $0xffff, v16  }
0x94: {  	v16 =	vld.idx.msk [tilespmem:v20+s14+$0x0], $0xffff  }
0x95: {  	v19 =	vor.u32 v7, v17  }
0x96: {  	v20 =	vor.u32 v8, v18;
	_ =	sdelay $0x3  }
0x97: {  	[tilespmem:v19+s20+$0x0] =	vst.idx.msk $0xffff, v16  }
0x98: {  	v16 =	vld.idx.msk [tilespmem:v20+s14+$0x0], $0xffff  }
0x99: {  	v19 =	vor.u32 v9, v17  }
0x9a: {  	v20 =	vor.u32 v10, v18;
	_ =	sdelay $0x3  }
0x9b: {  	[tilespmem:v19+s20+$0x0] =	vst.idx.msk $0xffff, v16  }
0x9c: {  	v16 =	vld.idx.msk [tilespmem:v20+s14+$0x0], $0xffff  }
0x9d: {  	v19 =	vor.u32 v11, v17  }
0x9e: {  	v20 =	vor.u32 v12, v18;
	_ =	sdelay $0x3  }
0x9f: {  	[tilespmem:v19+s20+$0x0] =	vst.idx.msk $0xffff, v16  }
0xa0: {  	v16 =	vld.idx.msk [tilespmem:v20+s14+$0x0], $0xffff  }
0xa1: {  	v19 =	vor.u32 v13, v17  }
0xa2: {  	v18 =	vor.u32 v14, v18;
	_ =	sdelay $0x3  }
0xa3: {  	s16 =	sadd.s32 $0x1, s0;
	[tilespmem:v19+s20+$0x0] =	vst.idx.msk $0xffff, v16  }
0xa4: {  	v16 =	vld.idx.msk [tilespmem:v18+s14+$0x0], $0xffff;
	v18 =	vadd.s32 s16, v0  }
0xa5: {  	v17 =	vor.u32 v15, v17;
	v18 =	vand.u32 $0x3F, v18  }
0xa6: {  	v19 =	vor.u32 v1, v18;
	_ =	sdelay $0x3  }
0xa7: {  	[tilespmem:v17+s20+$0x0] =	vst.idx.msk $0xffff, v16  }
0xa8: {  	v17 =	vshll.u32 v18, $0x7;
	v16 =	vld.idx.msk [tilespmem:v19+s14+$0x0], $0xffff  }
0xa9: {  	v19 =	vor.u32 v0, v17  }
0xaa: {  	v20 =	vor.u32 v2, v18;
	_ =	sdelay $0x3  }
0xab: {  	[tilespmem:v19+s20+$0x0] =	vst.idx.msk $0xffff, v16  }
0xac: {  	v16 =	vld.idx.msk [tilespmem:v20+s14+$0x0], $0xffff  }
0xad: {  	v19 =	vor.u32 v3, v17  }
0xae: {  	v20 =	vor.u32 v4, v18;
	_ =	sdelay $0x3  }
0xaf: {  	[tilespmem:v19+s20+$0x0] =	vst.idx.msk $0xffff, v16  }
0xb0: {  	v16 =	vld.idx.msk [tilespmem:v20+s14+$0x0], $0xffff  }
0xb1: {  	v19 =	vor.u32 v5, v17  }
0xb2: {  	v20 =	vor.u32 v6, v18;
	_ =	sdelay $0x3  }
0xb3: {  	[tilespmem:v19+s20+$0x0] =	vst.idx.msk $0xffff, v16  }
0xb4: {  	v16 =	vld.idx.msk [tilespmem:v20+s14+$0x0], $0xffff  }
0xb5: {  	v19 =	vor.u32 v7, v17  }
0xb6: {  	v20 =	vor.u32 v8, v18;
	_ =	sdelay $0x3  }
0xb7: {  	[tilespmem:v19+s20+$0x0] =	vst.idx.msk $0xffff, v16  }
0xb8: {  	v16 =	vld.idx.msk [tilespmem:v20+s14+$0x0], $0xffff  }
0xb9: {  	v19 =	vor.u32 v9, v17  }
0xba: {  	v20 =	vor.u32 v10, v18;
	_ =	sdelay $0x3  }
0xbb: {  	[tilespmem:v19+s20+$0x0] =	vst.idx.msk $0xffff, v16  }
0xbc: {  	v16 =	vld.idx.msk [tilespmem:v20+s14+$0x0], $0xffff  }
0xbd: {  	v19 =	vor.u32 v11, v17  }
0xbe: {  	v20 =	vor.u32 v12, v18;
	_ =	sdelay $0x3  }
0xbf: {  	[tilespmem:v19+s20+$0x0] =	vst.idx.msk $0xffff, v16  }
0xc0: {  	v16 =	vld.idx.msk [tilespmem:v20+s14+$0x0], $0xffff  }
0xc1: {  	v19 =	vor.u32 v13, v17  }
0xc2: {  	v18 =	vor.u32 v14, v18;
	_ =	sdelay $0x3  }
0xc3: {  	s16 =	sadd.s32 $0x2, s0;
	[tilespmem:v19+s20+$0x0] =	vst.idx.msk $0xffff, v16  }
0xc4: {  	v16 =	vld.idx.msk [tilespmem:v18+s14+$0x0], $0xffff;
	v18 =	vadd.s32 s16, v0  }
0xc5: {  	v17 =	vor.u32 v15, v17;
	v18 =	vand.u32 $0x3F, v18  }
0xc6: {  	v19 =	vor.u32 v1, v18;
	_ =	sdelay $0x3  }
0xc7: {  	[tilespmem:v17+s20+$0x0] =	vst.idx.msk $0xffff, v16  }
0xc8: {  	v17 =	vshll.u32 v18, $0x7;
	v16 =	vld.idx.msk [tilespmem:v19+s14+$0x0], $0xffff  }
0xc9: {  	v19 =	vor.u32 v0, v17  }
0xca: {  	v20 =	vor.u32 v2, v18;
	_ =	sdelay $0x3  }
0xcb: {  	[tilespmem:v19+s20+$0x0] =	vst.idx.msk $0xffff, v16  }
0xcc: {  	v16 =	vld.idx.msk [tilespmem:v20+s14+$0x0], $0xffff  }
0xcd: {  	v19 =	vor.u32 v3, v17  }
0xce: {  	v20 =	vor.u32 v4, v18;
	_ =	sdelay $0x3  }
0xcf: {  	[tilespmem:v19+s20+$0x0] =	vst.idx.msk $0xffff, v16  }
0xd0: {  	v16 =	vld.idx.msk [tilespmem:v20+s14+$0x0], $0xffff  }
0xd1: {  	v19 =	vor.u32 v5, v17  }
0xd2: {  	v20 =	vor.u32 v6, v18;
	_ =	sdelay $0x3  }
0xd3: {  	[tilespmem:v19+s20+$0x0] =	vst.idx.msk $0xffff, v16  }
0xd4: {  	v16 =	vld.idx.msk [tilespmem:v20+s14+$0x0], $0xffff  }
0xd5: {  	v19 =	vor.u32 v7, v17  }
0xd6: {  	v20 =	vor.u32 v8, v18;
	_ =	sdelay $0x3  }
0xd7: {  	[tilespmem:v19+s20+$0x0] =	vst.idx.msk $0xffff, v16  }
0xd8: {  	v16 =	vld.idx.msk [tilespmem:v20+s14+$0x0], $0xffff  }
0xd9: {  	v19 =	vor.u32 v9, v17  }
0xda: {  	v20 =	vor.u32 v10, v18;
	_ =	sdelay $0x3  }
0xdb: {  	[tilespmem:v19+s20+$0x0] =	vst.idx.msk $0xffff, v16  }
0xdc: {  	v16 =	vld.idx.msk [tilespmem:v20+s14+$0x0], $0xffff  }
0xdd: {  	v19 =	vor.u32 v11, v17  }
0xde: {  	v20 =	vor.u32 v12, v18;
	_ =	sdelay $0x3  }
0xdf: {  	[tilespmem:v19+s20+$0x0] =	vst.idx.msk $0xffff, v16  }
0xe0: {  	v16 =	vld.idx.msk [tilespmem:v20+s14+$0x0], $0xffff  }
0xe1: {  	v19 =	vor.u32 v13, v17  }
0xe2: {  	v18 =	vor.u32 v14, v18;
	_ =	sdelay $0x3  }
0xe3: {  	s16 =	sadd.s32 $0x3, s0;
	s0 =	smov.u32 s1;
	[tilespmem:v19+s20+$0x0] =	vst.idx.msk $0xffff, v16  }
0xe4: {  	v16 =	vld.idx.msk [tilespmem:v18+s14+$0x0], $0xffff;
	v18 =	vadd.s32 s16, v0  }
0xe5: {  	v17 =	vor.u32 v15, v17;
	v18 =	vand.u32 $0x3F, v18  }
0xe6: {  	v19 =	vor.u32 v1, v18;
	_ =	sdelay $0x3  }
0xe7: {  	[tilespmem:v17+s20+$0x0] =	vst.idx.msk $0xffff, v16  }
0xe8: {  	v16 =	vshll.u32 v18, $0x7;
	v17 =	vld.idx.msk [tilespmem:v19+s14+$0x0], $0xffff  }
0xe9: {  	v19 =	vor.u32 v0, v16  }
0xea: {  	v20 =	vor.u32 v2, v18;
	_ =	sdelay $0x3  }
0xeb: {  	[tilespmem:v19+s20+$0x0] =	vst.idx.msk $0xffff, v17  }
0xec: {  	v17 =	vld.idx.msk [tilespmem:v20+s14+$0x0], $0xffff  }
0xed: {  	v19 =	vor.u32 v3, v16  }
0xee: {  	v20 =	vor.u32 v4, v18;
	_ =	sdelay $0x3  }
0xef: {  	[tilespmem:v19+s20+$0x0] =	vst.idx.msk $0xffff, v17  }
0xf0: {  	v17 =	vld.idx.msk [tilespmem:v20+s14+$0x0], $0xffff  }
0xf1: {  	v19 =	vor.u32 v5, v16  }
0xf2: {  	v20 =	vor.u32 v6, v18;
	_ =	sdelay $0x3  }
0xf3: {  	[tilespmem:v19+s20+$0x0] =	vst.idx.msk $0xffff, v17  }
0xf4: {  	v17 =	vld.idx.msk [tilespmem:v20+s14+$0x0], $0xffff  }
0xf5: {  	v19 =	vor.u32 v7, v16  }
0xf6: {  	v20 =	vor.u32 v8, v18;
	_ =	sdelay $0x3  }
0xf7: {  	[tilespmem:v19+s20+$0x0] =	vst.idx.msk $0xffff, v17  }
0xf8: {  	v17 =	vld.idx.msk [tilespmem:v20+s14+$0x0], $0xffff  }
0xf9: {  	v19 =	vor.u32 v9, v16  }
0xfa: {  	v20 =	vor.u32 v10, v18;
	_ =	sdelay $0x3  }
0xfb: {  	[tilespmem:v19+s20+$0x0] =	vst.idx.msk $0xffff, v17  }
0xfc: {  	v17 =	vld.idx.msk [tilespmem:v20+s14+$0x0], $0xffff  }
0xfd: {  	v19 =	vor.u32 v11, v16  }
0xfe: {  	v20 =	vor.u32 v12, v18;
	_ =	sdelay $0x3  }
0xff: {  	[tilespmem:v19+s20+$0x0] =	vst.idx.msk $0xffff, v17  }
0x100: {  	v17 =	vld.idx.msk [tilespmem:v20+s14+$0x0], $0xffff  }
0x101: {  	v19 =	vor.u32 v13, v16  }
0x102: {  	v20 =	vor.u32 v14, v18  }
.Ltmp0:
0x103: {  	(pc) =	sbr.rel @p0 .LBB2_3-.Ltmp0, $3  }
0x104: {  	_ =	sdelay $0x1  }
0x105: {  	[tilespmem:v19+s20+$0x0] =	vst.idx.msk $0xffff, v17  }
0x106: {  	s1 =	sadd.s32 $0x4, s1;
	v18 =	vadd.s32 s0, v0;
	v17 =	vld.idx.msk [tilespmem:v20+s14+$0x0], $0xffff  }
0x107: {  	v18 =	vand.u32 $0x3F, v18;
	v16 =	vor.u32 v15, v16  }
0x108: {  	v19 =	vor.u32 v1, v18;
	_ =	sdelay $0x3  }
0x109: {  	[tilespmem:v16+s20+$0x0] =	vst.idx.msk $0xffff, v17;
	v16 =	vshll.u32 v18, $0x7  }
0x10a: {  	v17 =	vld.idx.msk [tilespmem:v19+s14+$0x0], $0xffff;
	v19 =	vor.u32 v0, v16  }
0x10b: {  	v20 =	vor.u32 v2, v18;
	_ =	sdelay $0x3  }
0x10c: {  	[tilespmem:v19+s20+$0x0] =	vst.idx.msk $0xffff, v17  }
0x10d: {  	v19 =	vor.u32 v3, v16;
	v17 =	vld.idx.msk [tilespmem:v20+s14+$0x0], $0xffff  }
0x10e: {  	v20 =	vor.u32 v4, v18;
	_ =	sdelay $0x3  }
0x10f: {  	[tilespmem:v19+s20+$0x0] =	vst.idx.msk $0xffff, v17  }
0x110: {  	v19 =	vor.u32 v5, v16;
	v17 =	vld.idx.msk [tilespmem:v20+s14+$0x0], $0xffff  }
0x111: {  	v20 =	vor.u32 v6, v18;
	_ =	sdelay $0x3  }
0x112: {  	[tilespmem:v19+s20+$0x0] =	vst.idx.msk $0xffff, v17  }
0x113: {  	v19 =	vor.u32 v7, v16;
	v17 =	vld.idx.msk [tilespmem:v20+s14+$0x0], $0xffff  }
0x114: {  	v20 =	vor.u32 v8, v18;
	_ =	sdelay $0x3  }
0x115: {  	[tilespmem:v19+s20+$0x0] =	vst.idx.msk $0xffff, v17  }
0x116: {  	v19 =	vor.u32 v9, v16;
	v17 =	vld.idx.msk [tilespmem:v20+s14+$0x0], $0xffff  }
0x117: {  	v20 =	vor.u32 v10, v18;
	_ =	sdelay $0x3  }
0x118: {  	[tilespmem:v19+s20+$0x0] =	vst.idx.msk $0xffff, v17  }
0x119: {  	v19 =	vor.u32 v11, v16;
	v17 =	vld.idx.msk [tilespmem:v20+s14+$0x0], $0xffff  }
0x11a: {  	v20 =	vor.u32 v12, v18;
	_ =	sdelay $0x3  }
0x11b: {  	[tilespmem:v19+s20+$0x0] =	vst.idx.msk $0xffff, v17  }
0x11c: {  	v19 =	vor.u32 v13, v16;
	v17 =	vld.idx.msk [tilespmem:v20+s14+$0x0], $0xffff  }
0x11d: {  	v18 =	vor.u32 v14, v18;
	_ =	sdelay $0x2  }
0x11e: {  	s1 =	sadd.s32 $0x1, s0  }
0x11f: {  	[tilespmem:v19+s20+$0x0] =	vst.idx.msk $0xffff, v17;
	v17 =	vadd.s32 s1, v0  }
0x120: {  	v16 =	vor.u32 v15, v16;
	v18 =	vld.idx.msk [tilespmem:v18+s14+$0x0], $0xffff;
	v17 =	vand.u32 $0x3F, v17  }
0x121: {  	v19 =	vor.u32 v1, v17;
	_ =	sdelay $0x3  }
0x122: {  	[tilespmem:v16+s20+$0x0] =	vst.idx.msk $0xffff, v18;
	v16 =	vshll.u32 v17, $0x7  }
0x123: {  	v18 =	vld.idx.msk [tilespmem:v19+s14+$0x0], $0xffff;
	v19 =	vor.u32 v0, v16  }
0x124: {  	v20 =	vor.u32 v2, v17;
	_ =	sdelay $0x3  }
0x125: {  	[tilespmem:v19+s20+$0x0] =	vst.idx.msk $0xffff, v18  }
0x126: {  	v19 =	vor.u32 v3, v16;
	v18 =	vld.idx.msk [tilespmem:v20+s14+$0x0], $0xffff  }
0x127: {  	v20 =	vor.u32 v4, v17;
	_ =	sdelay $0x3  }
0x128: {  	[tilespmem:v19+s20+$0x0] =	vst.idx.msk $0xffff, v18  }
0x129: {  	v19 =	vor.u32 v5, v16;
	v18 =	vld.idx.msk [tilespmem:v20+s14+$0x0], $0xffff  }
0x12a: {  	v20 =	vor.u32 v6, v17;
	_ =	sdelay $0x3  }
0x12b: {  	[tilespmem:v19+s20+$0x0] =	vst.idx.msk $0xffff, v18  }
0x12c: {  	v19 =	vor.u32 v7, v16;
	v18 =	vld.idx.msk [tilespmem:v20+s14+$0x0], $0xffff  }
0x12d: {  	v20 =	vor.u32 v8, v17;
	_ =	sdelay $0x3  }
0x12e: {  	[tilespmem:v19+s20+$0x0] =	vst.idx.msk $0xffff, v18  }
0x12f: {  	v19 =	vor.u32 v9, v16;
	v18 =	vld.idx.msk [tilespmem:v20+s14+$0x0], $0xffff  }
0x130: {  	v20 =	vor.u32 v10, v17;
	_ =	sdelay $0x3  }
0x131: {  	[tilespmem:v19+s20+$0x0] =	vst.idx.msk $0xffff, v18  }
0x132: {  	v19 =	vor.u32 v11, v16;
	v18 =	vld.idx.msk [tilespmem:v20+s14+$0x0], $0xffff  }
0x133: {  	v20 =	vor.u32 v12, v17;
	_ =	sdelay $0x3  }
0x134: {  	[tilespmem:v19+s20+$0x0] =	vst.idx.msk $0xffff, v18  }
0x135: {  	v19 =	vor.u32 v13, v16;
	v18 =	vld.idx.msk [tilespmem:v20+s14+$0x0], $0xffff  }
0x136: {  	v17 =	vor.u32 v14, v17;
	_ =	sdelay $0x2  }
0x137: {  	s16 =	sadd.s32 $0x2, s0  }
0x138: {  	[tilespmem:v19+s20+$0x0] =	vst.idx.msk $0xffff, v18;
	v18 =	vadd.s32 s16, v0  }
0x139: {  	v16 =	vor.u32 v15, v16;
	v17 =	vld.idx.msk [tilespmem:v17+s14+$0x0], $0xffff;
	v18 =	vand.u32 $0x3F, v18  }
0x13a: {  	v19 =	vor.u32 v1, v18;
	_ =	sdelay $0x3  }
0x13b: {  	[tilespmem:v16+s20+$0x0] =	vst.idx.msk $0xffff, v17;
	v16 =	vshll.u32 v18, $0x7  }
0x13c: {  	v17 =	vld.idx.msk [tilespmem:v19+s14+$0x0], $0xffff;
	v19 =	vor.u32 v0, v16  }
0x13d: {  	v20 =	vor.u32 v2, v18;
	_ =	sdelay $0x3  }
0x13e: {  	[tilespmem:v19+s20+$0x0] =	vst.idx.msk $0xffff, v17  }
0x13f: {  	v19 =	vor.u32 v3, v16;
	v17 =	vld.idx.msk [tilespmem:v20+s14+$0x0], $0xffff  }
0x140: {  	v20 =	vor.u32 v4, v18;
	_ =	sdelay $0x3  }
0x141: {  	[tilespmem:v19+s20+$0x0] =	vst.idx.msk $0xffff, v17  }
0x142: {  	v19 =	vor.u32 v5, v16;
	v17 =	vld.idx.msk [tilespmem:v20+s14+$0x0], $0xffff  }
0x143: {  	v20 =	vor.u32 v6, v18;
	_ =	sdelay $0x3  }
0x144: {  	[tilespmem:v19+s20+$0x0] =	vst.idx.msk $0xffff, v17  }
0x145: {  	v19 =	vor.u32 v7, v16;
	v17 =	vld.idx.msk [tilespmem:v20+s14+$0x0], $0xffff  }
0x146: {  	v20 =	vor.u32 v8, v18;
	_ =	sdelay $0x3  }
0x147: {  	[tilespmem:v19+s20+$0x0] =	vst.idx.msk $0xffff, v17  }
0x148: {  	v19 =	vor.u32 v9, v16;
	v17 =	vld.idx.msk [tilespmem:v20+s14+$0x0], $0xffff  }
0x149: {  	v20 =	vor.u32 v10, v18;
	_ =	sdelay $0x3  }
0x14a: {  	[tilespmem:v19+s20+$0x0] =	vst.idx.msk $0xffff, v17  }
0x14b: {  	v19 =	vor.u32 v11, v16;
	v17 =	vld.idx.msk [tilespmem:v20+s14+$0x0], $0xffff  }
0x14c: {  	v20 =	vor.u32 v12, v18;
	_ =	sdelay $0x3  }
0x14d: {  	[tilespmem:v19+s20+$0x0] =	vst.idx.msk $0xffff, v17  }
0x14e: {  	v19 =	vor.u32 v13, v16;
	v17 =	vld.idx.msk [tilespmem:v20+s14+$0x0], $0xffff  }
0x14f: {  	v18 =	vor.u32 v14, v18;
	_ =	sdelay $0x2  }
0x150: {  	s3 =	sadd.s32 $0x3, s0  }
0x151: {  	[tilespmem:v19+s20+$0x0] =	vst.idx.msk $0xffff, v17;
	v17 =	vadd.s32 s3, v0  }
0x152: {  	v16 =	vor.u32 v15, v16;
	v18 =	vld.idx.msk [tilespmem:v18+s14+$0x0], $0xffff;
	v17 =	vand.u32 $0x3F, v17  }
0x153: {  	v19 =	vor.u32 v1, v17;
	_ =	sdelay $0x3  }
0x154: {  	[tilespmem:v16+s20+$0x0] =	vst.idx.msk $0xffff, v18;
	v16 =	vshll.u32 v17, $0x7  }
0x155: {  	v18 =	vld.idx.msk [tilespmem:v19+s14+$0x0], $0xffff;
	v19 =	vor.u32 v0, v16  }
0x156: {  	v20 =	vor.u32 v2, v17;
	_ =	sdelay $0x3  }
0x157: {  	[tilespmem:v19+s20+$0x0] =	vst.idx.msk $0xffff, v18  }
0x158: {  	v19 =	vor.u32 v3, v16;
	v18 =	vld.idx.msk [tilespmem:v20+s14+$0x0], $0xffff  }
0x159: {  	v20 =	vor.u32 v4, v17;
	_ =	sdelay $0x3  }
0x15a: {  	[tilespmem:v19+s20+$0x0] =	vst.idx.msk $0xffff, v18  }
0x15b: {  	v19 =	vor.u32 v5, v16;
	v18 =	vld.idx.msk [tilespmem:v20+s14+$0x0], $0xffff  }
0x15c: {  	v20 =	vor.u32 v6, v17;
	_ =	sdelay $0x3  }
0x15d: {  	[tilespmem:v19+s20+$0x0] =	vst.idx.msk $0xffff, v18  }
0x15e: {  	v19 =	vor.u32 v7, v16;
	v18 =	vld.idx.msk [tilespmem:v20+s14+$0x0], $0xffff  }
0x15f: {  	v20 =	vor.u32 v8, v17;
	_ =	sdelay $0x3  }
0x160: {  	[tilespmem:v19+s20+$0x0] =	vst.idx.msk $0xffff, v18  }
0x161: {  	v19 =	vor.u32 v9, v16;
	v18 =	vld.idx.msk [tilespmem:v20+s14+$0x0], $0xffff  }
0x162: {  	v20 =	vor.u32 v10, v17;
	_ =	sdelay $0x3  }
0x163: {  	[tilespmem:v19+s20+$0x0] =	vst.idx.msk $0xffff, v18  }
0x164: {  	v19 =	vor.u32 v11, v16;
	v18 =	vld.idx.msk [tilespmem:v20+s14+$0x0], $0xffff  }
0x165: {  	v20 =	vor.u32 v12, v17;
	_ =	sdelay $0x3  }
0x166: {  	[tilespmem:v19+s20+$0x0] =	vst.idx.msk $0xffff, v18  }
0x167: {  	v19 =	vor.u32 v13, v16;
	v18 =	vld.idx.msk [tilespmem:v20+s14+$0x0], $0xffff  }
0x168: {  	v17 =	vor.u32 v14, v17;
	_ =	sdelay $0x3  }
0x169: {  	[tilespmem:v19+s20+$0x0] =	vst.idx.msk $0xffff, v18  }
0x16a: {  	v16 =	vor.u32 v15, v16;
	v17 =	vld.idx.msk [tilespmem:v17+s14+$0x0], $0xffff;
	_ =	sdelay $0x1  }
0x16b: {  	s6 =	sshll.u32 s29, $0x14  }
0x16c: {  	s0 =	sor.u32 s4, s6  }
0x16d: {  	s31 =	sshrl.u32 s0, $0x3  }
0x16e: {  	p0 =	seq.s32 s29, $0x31;
	s0 =	sadd.s32 s2, s31;
	[tilespmem:v16+s20+$0x0] =	vst.idx.msk $0xffff, v17  }
0x16f: {  	[hbm4b:s0+s10] =	stream.strided.scatter [tilespmem:s20], [sflag:$0x5], $0x2000, s11, s10, $0x38;
	[tilespmem:$0x1A400] =	vst v63  }
0x170: {  	s0 =	sshll.u32 @!p0 s29, $0x9  }
0x171: {  	s0 =	sand.u32 @!p0 $0x3FFFFE00, s0  }
0x172: {  	s16 =	simm.s32 @!p0 $0x80;
	s3 =	simm.s32 @!p0 $0x6400;
	s1 =	sadd.s32 @!p0 $0x200, s0  }
0x173: {  	[tilespmem:s3], [sflag:$0x1] =	stream.indirect.gather @!p0 [hbm4b:s5+s16], $0x80, s1, s16, $0xb8;
	[tilespmem:$0x1A400] =	vst v63  }
0x174: {  	p1 =	seq.s32 @!p0 s29, $0x0;
	s16 =	simm.s32 $0x0  }
0x175: {  	p1 =	por p0, !p1;
	v16 =	vadd.s32 s16, v0  }
0x176: {  	_ =	swait.ge @p1 [sflag:s25], $0x2000;
	v16 =	vand.u32 $0x3F, v16  }
0x177: {  	[sflag:s25] =	ssyncset.done @p1 $0x0;
	v17 =	vor.u32 v1, v16  }
0x178: {  	[sflag:s25] =	ssyncadd.s32 @p1 $0xFFFFE000  }
0x179: {  	_ =	swait.ge [sflag:s21], $0x4000  }
0x17a: {  	[sflag:s21] =	ssyncset.done $0x0  }
0x17b: {  	v18 =	vshll.u32 v16, $0x7;
	[sflag:s21] =	ssyncadd.s32 $0xFFFFC000  }
0x17c: {  	v19 =	vor.u32 v0, v18;
	v17 =	vld.idx.msk [tilespmem:v17+s15+$0x0], $0xffff  }
0x17d: {  	v20 =	vor.u32 v2, v16;
	_ =	sdelay $0x3  }
0x17e: {  	[tilespmem:v19+s22+$0x0] =	vst.idx.msk $0xffff, v17  }
0x17f: {  	v19 =	vor.u32 v3, v18;
	v17 =	vld.idx.msk [tilespmem:v20+s15+$0x0], $0xffff  }
0x180: {  	v20 =	vor.u32 v4, v16;
	_ =	sdelay $0x3  }
0x181: {  	[tilespmem:v19+s22+$0x0] =	vst.idx.msk $0xffff, v17  }
0x182: {  	v19 =	vor.u32 v5, v18;
	v17 =	vld.idx.msk [tilespmem:v20+s15+$0x0], $0xffff  }
0x183: {  	v20 =	vor.u32 v6, v16;
	_ =	sdelay $0x3  }
0x184: {  	[tilespmem:v19+s22+$0x0] =	vst.idx.msk $0xffff, v17  }
0x185: {  	v19 =	vor.u32 v7, v18;
	v17 =	vld.idx.msk [tilespmem:v20+s15+$0x0], $0xffff  }
0x186: {  	v20 =	vor.u32 v8, v16;
	_ =	sdelay $0x3  }
0x187: {  	[tilespmem:v19+s22+$0x0] =	vst.idx.msk $0xffff, v17  }
0x188: {  	v19 =	vor.u32 v9, v18;
	v17 =	vld.idx.msk [tilespmem:v20+s15+$0x0], $0xffff  }
0x189: {  	v20 =	vor.u32 v10, v16;
	_ =	sdelay $0x3  }
0x18a: {  	[tilespmem:v19+s22+$0x0] =	vst.idx.msk $0xffff, v17  }
0x18b: {  	v19 =	vor.u32 v11, v18;
	v17 =	vld.idx.msk [tilespmem:v20+s15+$0x0], $0xffff  }
0x18c: {  	v20 =	vor.u32 v12, v16;
	_ =	sdelay $0x3  }
0x18d: {  	[tilespmem:v19+s22+$0x0] =	vst.idx.msk $0xffff, v17  }
0x18e: {  	v19 =	vor.u32 v13, v18;
	v17 =	vld.idx.msk [tilespmem:v20+s15+$0x0], $0xffff  }
0x18f: {  	v16 =	vor.u32 v14, v16;
	_ =	sdelay $0x2  }
0x190: {  	s3 =	simm.s32 $0x1  }
0x191: {  	[tilespmem:v19+s22+$0x0] =	vst.idx.msk $0xffff, v17;
	v17 =	vadd.s32 s3, v0  }
0x192: {  	v18 =	vor.u32 v15, v18;
	v16 =	vld.idx.msk [tilespmem:v16+s15+$0x0], $0xffff;
	v17 =	vand.u32 $0x3F, v17  }
0x193: {  	v19 =	vor.u32 v1, v17;
	_ =	sdelay $0x3  }
0x194: {  	[tilespmem:v18+s22+$0x0] =	vst.idx.msk $0xffff, v16;
	v16 =	vshll.u32 v17, $0x7  }
0x195: {  	v18 =	vld.idx.msk [tilespmem:v19+s15+$0x0], $0xffff;
	v19 =	vor.u32 v0, v16  }
0x196: {  	v20 =	vor.u32 v2, v17;
	_ =	sdelay $0x3  }
0x197: {  	[tilespmem:v19+s22+$0x0] =	vst.idx.msk $0xffff, v18  }
0x198: {  	v19 =	vor.u32 v3, v16;
	v18 =	vld.idx.msk [tilespmem:v20+s15+$0x0], $0xffff  }
0x199: {  	v20 =	vor.u32 v4, v17;
	_ =	sdelay $0x3  }
0x19a: {  	[tilespmem:v19+s22+$0x0] =	vst.idx.msk $0xffff, v18  }
0x19b: {  	v19 =	vor.u32 v5, v16;
	v18 =	vld.idx.msk [tilespmem:v20+s15+$0x0], $0xffff  }
0x19c: {  	v20 =	vor.u32 v6, v17;
	_ =	sdelay $0x3  }
0x19d: {  	[tilespmem:v19+s22+$0x0] =	vst.idx.msk $0xffff, v18  }
0x19e: {  	v19 =	vor.u32 v7, v16;
	v18 =	vld.idx.msk [tilespmem:v20+s15+$0x0], $0xffff  }
0x19f: {  	v20 =	vor.u32 v8, v17;
	_ =	sdelay $0x3  }
0x1a0: {  	[tilespmem:v19+s22+$0x0] =	vst.idx.msk $0xffff, v18  }
0x1a1: {  	v19 =	vor.u32 v9, v16;
	v18 =	vld.idx.msk [tilespmem:v20+s15+$0x0], $0xffff  }
0x1a2: {  	v20 =	vor.u32 v10, v17;
	_ =	sdelay $0x3  }
0x1a3: {  	[tilespmem:v19+s22+$0x0] =	vst.idx.msk $0xffff, v18  }
0x1a4: {  	v19 =	vor.u32 v11, v16;
	v18 =	vld.idx.msk [tilespmem:v20+s15+$0x0], $0xffff  }
0x1a5: {  	v20 =	vor.u32 v12, v17;
	_ =	sdelay $0x3  }
0x1a6: {  	[tilespmem:v19+s22+$0x0] =	vst.idx.msk $0xffff, v18  }
0x1a7: {  	v19 =	vor.u32 v13, v16;
	v18 =	vld.idx.msk [tilespmem:v20+s15+$0x0], $0xffff  }
0x1a8: {  	v17 =	vor.u32 v14, v17;
	_ =	sdelay $0x2  }
0x1a9: {  	s6 =	simm.s32 $0x2  }
0x1aa: {  	[tilespmem:v19+s22+$0x0] =	vst.idx.msk $0xffff, v18;
	v18 =	vadd.s32 s6, v0  }
0x1ab: {  	v16 =	vor.u32 v15, v16;
	v17 =	vld.idx.msk [tilespmem:v17+s15+$0x0], $0xffff;
	v18 =	vand.u32 $0x3F, v18  }
0x1ac: {  	v19 =	vor.u32 v1, v18;
	_ =	sdelay $0x3  }
0x1ad: {  	[tilespmem:v16+s22+$0x0] =	vst.idx.msk $0xffff, v17;
	v16 =	vshll.u32 v18, $0x7  }
0x1ae: {  	v17 =	vld.idx.msk [tilespmem:v19+s15+$0x0], $0xffff;
	v19 =	vor.u32 v0, v16  }
0x1af: {  	v20 =	vor.u32 v2, v18;
	_ =	sdelay $0x3  }
0x1b0: {  	[tilespmem:v19+s22+$0x0] =	vst.idx.msk $0xffff, v17  }
0x1b1: {  	v19 =	vor.u32 v3, v16;
	v17 =	vld.idx.msk [tilespmem:v20+s15+$0x0], $0xffff  }
0x1b2: {  	v20 =	vor.u32 v4, v18;
	_ =	sdelay $0x3  }
0x1b3: {  	[tilespmem:v19+s22+$0x0] =	vst.idx.msk $0xffff, v17  }
0x1b4: {  	v19 =	vor.u32 v5, v16;
	v17 =	vld.idx.msk [tilespmem:v20+s15+$0x0], $0xffff  }
0x1b5: {  	v20 =	vor.u32 v6, v18;
	_ =	sdelay $0x3  }
0x1b6: {  	[tilespmem:v19+s22+$0x0] =	vst.idx.msk $0xffff, v17  }
0x1b7: {  	v19 =	vor.u32 v7, v16;
	v17 =	vld.idx.msk [tilespmem:v20+s15+$0x0], $0xffff  }
0x1b8: {  	v20 =	vor.u32 v8, v18;
	_ =	sdelay $0x3  }
0x1b9: {  	[tilespmem:v19+s22+$0x0] =	vst.idx.msk $0xffff, v17  }
0x1ba: {  	v19 =	vor.u32 v9, v16;
	v17 =	vld.idx.msk [tilespmem:v20+s15+$0x0], $0xffff  }
0x1bb: {  	v20 =	vor.u32 v10, v18;
	_ =	sdelay $0x3  }
0x1bc: {  	[tilespmem:v19+s22+$0x0] =	vst.idx.msk $0xffff, v17  }
0x1bd: {  	v19 =	vor.u32 v11, v16;
	v17 =	vld.idx.msk [tilespmem:v20+s15+$0x0], $0xffff  }
0x1be: {  	v20 =	vor.u32 v12, v18;
	_ =	sdelay $0x3  }
0x1bf: {  	[tilespmem:v19+s22+$0x0] =	vst.idx.msk $0xffff, v17  }
0x1c0: {  	v19 =	vor.u32 v13, v16;
	v17 =	vld.idx.msk [tilespmem:v20+s15+$0x0], $0xffff  }
0x1c1: {  	v18 =	vor.u32 v14, v18;
	_ =	sdelay $0x2  }
0x1c2: {  	s16 =	simm.s32 $0x3  }
0x1c3: {  	[tilespmem:v19+s22+$0x0] =	vst.idx.msk $0xffff, v17;
	v17 =	vadd.s32 s16, v0  }
0x1c4: {  	v16 =	vor.u32 v15, v16;
	v18 =	vld.idx.msk [tilespmem:v18+s15+$0x0], $0xffff;
	v17 =	vand.u32 $0x3F, v17  }
0x1c5: {  	v19 =	vor.u32 v1, v17;
	_ =	sdelay $0x3  }
0x1c6: {  	[tilespmem:v16+s22+$0x0] =	vst.idx.msk $0xffff, v18;
	v16 =	vshll.u32 v17, $0x7  }
0x1c7: {  	v18 =	vld.idx.msk [tilespmem:v19+s15+$0x0], $0xffff;
	v19 =	vor.u32 v0, v16  }
0x1c8: {  	v20 =	vor.u32 v2, v17;
	_ =	sdelay $0x3  }
0x1c9: {  	[tilespmem:v19+s22+$0x0] =	vst.idx.msk $0xffff, v18  }
0x1ca: {  	v19 =	vor.u32 v3, v16;
	v18 =	vld.idx.msk [tilespmem:v20+s15+$0x0], $0xffff  }
0x1cb: {  	v20 =	vor.u32 v4, v17;
	_ =	sdelay $0x3  }
0x1cc: {  	[tilespmem:v19+s22+$0x0] =	vst.idx.msk $0xffff, v18  }
0x1cd: {  	v19 =	vor.u32 v5, v16;
	v18 =	vld.idx.msk [tilespmem:v20+s15+$0x0], $0xffff  }
0x1ce: {  	v20 =	vor.u32 v6, v17;
	_ =	sdelay $0x3  }
0x1cf: {  	[tilespmem:v19+s22+$0x0] =	vst.idx.msk $0xffff, v18  }
0x1d0: {  	v19 =	vor.u32 v7, v16;
	v18 =	vld.idx.msk [tilespmem:v20+s15+$0x0], $0xffff  }
0x1d1: {  	v20 =	vor.u32 v8, v17;
	_ =	sdelay $0x3  }
0x1d2: {  	[tilespmem:v19+s22+$0x0] =	vst.idx.msk $0xffff, v18  }
0x1d3: {  	v19 =	vor.u32 v9, v16;
	v18 =	vld.idx.msk [tilespmem:v20+s15+$0x0], $0xffff  }
0x1d4: {  	v20 =	vor.u32 v10, v17;
	_ =	sdelay $0x3  }
0x1d5: {  	[tilespmem:v19+s22+$0x0] =	vst.idx.msk $0xffff, v18  }
0x1d6: {  	v19 =	vor.u32 v11, v16;
	v18 =	vld.idx.msk [tilespmem:v20+s15+$0x0], $0xffff  }
0x1d7: {  	v20 =	vor.u32 v12, v17;
	_ =	sdelay $0x3  }
0x1d8: {  	[tilespmem:v19+s22+$0x0] =	vst.idx.msk $0xffff, v18  }
0x1d9: {  	v19 =	vor.u32 v13, v16;
	v18 =	vld.idx.msk [tilespmem:v20+s15+$0x0], $0xffff  }
0x1da: {  	v17 =	vor.u32 v14, v17;
	_ =	sdelay $0x3  }
0x1db: {  	s1 =	simm.s32 $0x4;
	[tilespmem:v19+s22+$0x0] =	vst.idx.msk $0xffff, v18  }
0x1dc: {  	s16 =	simm.s32 $0x8;
	v18 =	vadd.s32 s1, v0;
	v17 =	vld.idx.msk [tilespmem:v17+s15+$0x0], $0xffff  }
.LBB2_5:
0x1dd: {  	p1 =	sne.s32 s16, $0x3C;
	v18 =	vand.u32 $0x3F, v18;
	v16 =	vor.u32 v15, v16  }
0x1de: {  	v19 =	vor.u32 v1, v18;
	_ =	sdelay $0x3  }
0x1df: {  	[tilespmem:v16+s22+$0x0] =	vst.idx.msk $0xffff, v17  }
0x1e0: {  	v17 =	vshll.u32 v18, $0x7;
	v16 =	vld.idx.msk [tilespmem:v19+s15+$0x0], $0xffff  }
0x1e1: {  	v19 =	vor.u32 v0, v17  }
0x1e2: {  	v20 =	vor.u32 v2, v18;
	_ =	sdelay $0x3  }
0x1e3: {  	[tilespmem:v19+s22+$0x0] =	vst.idx.msk $0xffff, v16  }
0x1e4: {  	v16 =	vld.idx.msk [tilespmem:v20+s15+$0x0], $0xffff  }
0x1e5: {  	v19 =	vor.u32 v3, v17  }
0x1e6: {  	v20 =	vor.u32 v4, v18;
	_ =	sdelay $0x3  }
0x1e7: {  	[tilespmem:v19+s22+$0x0] =	vst.idx.msk $0xffff, v16  }
0x1e8: {  	v16 =	vld.idx.msk [tilespmem:v20+s15+$0x0], $0xffff  }
0x1e9: {  	v19 =	vor.u32 v5, v17  }
0x1ea: {  	v20 =	vor.u32 v6, v18;
	_ =	sdelay $0x3  }
0x1eb: {  	[tilespmem:v19+s22+$0x0] =	vst.idx.msk $0xffff, v16  }
0x1ec: {  	v16 =	vld.idx.msk [tilespmem:v20+s15+$0x0], $0xffff  }
0x1ed: {  	v19 =	vor.u32 v7, v17  }
0x1ee: {  	v20 =	vor.u32 v8, v18;
	_ =	sdelay $0x3  }
0x1ef: {  	[tilespmem:v19+s22+$0x0] =	vst.idx.msk $0xffff, v16  }
0x1f0: {  	v16 =	vld.idx.msk [tilespmem:v20+s15+$0x0], $0xffff  }
0x1f1: {  	v19 =	vor.u32 v9, v17  }
0x1f2: {  	v20 =	vor.u32 v10, v18;
	_ =	sdelay $0x3  }
0x1f3: {  	[tilespmem:v19+s22+$0x0] =	vst.idx.msk $0xffff, v16  }
0x1f4: {  	v16 =	vld.idx.msk [tilespmem:v20+s15+$0x0], $0xffff  }
0x1f5: {  	v19 =	vor.u32 v11, v17  }
0x1f6: {  	v20 =	vor.u32 v12, v18;
	_ =	sdelay $0x3  }
0x1f7: {  	[tilespmem:v19+s22+$0x0] =	vst.idx.msk $0xffff, v16  }
0x1f8: {  	v16 =	vld.idx.msk [tilespmem:v20+s15+$0x0], $0xffff  }
0x1f9: {  	v19 =	vor.u32 v13, v17  }
0x1fa: {  	v18 =	vor.u32 v14, v18;
	_ =	sdelay $0x3  }
0x1fb: {  	s3 =	sadd.s32 $0x1, s1;
	[tilespmem:v19+s22+$0x0] =	vst.idx.msk $0xffff, v16  }
0x1fc: {  	v16 =	vld.idx.msk [tilespmem:v18+s15+$0x0], $0xffff;
	v18 =	vadd.s32 s3, v0  }
0x1fd: {  	v17 =	vor.u32 v15, v17;
	v18 =	vand.u32 $0x3F, v18  }
0x1fe: {  	v19 =	vor.u32 v1, v18;
	_ =	sdelay $0x3  }
0x1ff: {  	[tilespmem:v17+s22+$0x0] =	vst.idx.msk $0xffff, v16  }
0x200: {  	v17 =	vshll.u32 v18, $0x7;
	v16 =	vld.idx.msk [tilespmem:v19+s15+$0x0], $0xffff  }
0x201: {  	v19 =	vor.u32 v0, v17  }
0x202: {  	v20 =	vor.u32 v2, v18;
	_ =	sdelay $0x3  }
0x203: {  	[tilespmem:v19+s22+$0x0] =	vst.idx.msk $0xffff, v16  }
0x204: {  	v16 =	vld.idx.msk [tilespmem:v20+s15+$0x0], $0xffff  }
0x205: {  	v19 =	vor.u32 v3, v17  }
0x206: {  	v20 =	vor.u32 v4, v18;
	_ =	sdelay $0x3  }
0x207: {  	[tilespmem:v19+s22+$0x0] =	vst.idx.msk $0xffff, v16  }
0x208: {  	v16 =	vld.idx.msk [tilespmem:v20+s15+$0x0], $0xffff  }
0x209: {  	v19 =	vor.u32 v5, v17  }
0x20a: {  	v20 =	vor.u32 v6, v18;
	_ =	sdelay $0x3  }
0x20b: {  	[tilespmem:v19+s22+$0x0] =	vst.idx.msk $0xffff, v16  }
0x20c: {  	v16 =	vld.idx.msk [tilespmem:v20+s15+$0x0], $0xffff  }
0x20d: {  	v19 =	vor.u32 v7, v17  }
0x20e: {  	v20 =	vor.u32 v8, v18;
	_ =	sdelay $0x3  }
0x20f: {  	[tilespmem:v19+s22+$0x0] =	vst.idx.msk $0xffff, v16  }
0x210: {  	v16 =	vld.idx.msk [tilespmem:v20+s15+$0x0], $0xffff  }
0x211: {  	v19 =	vor.u32 v9, v17  }
0x212: {  	v20 =	vor.u32 v10, v18;
	_ =	sdelay $0x3  }
0x213: {  	[tilespmem:v19+s22+$0x0] =	vst.idx.msk $0xffff, v16  }
0x214: {  	v16 =	vld.idx.msk [tilespmem:v20+s15+$0x0], $0xffff  }
0x215: {  	v19 =	vor.u32 v11, v17  }
0x216: {  	v20 =	vor.u32 v12, v18;
	_ =	sdelay $0x3  }
0x217: {  	[tilespmem:v19+s22+$0x0] =	vst.idx.msk $0xffff, v16  }
0x218: {  	v16 =	vld.idx.msk [tilespmem:v20+s15+$0x0], $0xffff  }
0x219: {  	v19 =	vor.u32 v13, v17  }
0x21a: {  	v18 =	vor.u32 v14, v18;
	_ =	sdelay $0x3  }
0x21b: {  	s3 =	sadd.s32 $0x2, s1;
	[tilespmem:v19+s22+$0x0] =	vst.idx.msk $0xffff, v16  }
0x21c: {  	v16 =	vld.idx.msk [tilespmem:v18+s15+$0x0], $0xffff;
	v18 =	vadd.s32 s3, v0  }
0x21d: {  	v17 =	vor.u32 v15, v17;
	v18 =	vand.u32 $0x3F, v18  }
0x21e: {  	v19 =	vor.u32 v1, v18;
	_ =	sdelay $0x3  }
0x21f: {  	[tilespmem:v17+s22+$0x0] =	vst.idx.msk $0xffff, v16  }
0x220: {  	v17 =	vshll.u32 v18, $0x7;
	v16 =	vld.idx.msk [tilespmem:v19+s15+$0x0], $0xffff  }
0x221: {  	v19 =	vor.u32 v0, v17  }
0x222: {  	v20 =	vor.u32 v2, v18;
	_ =	sdelay $0x3  }
0x223: {  	[tilespmem:v19+s22+$0x0] =	vst.idx.msk $0xffff, v16  }
0x224: {  	v16 =	vld.idx.msk [tilespmem:v20+s15+$0x0], $0xffff  }
0x225: {  	v19 =	vor.u32 v3, v17  }
0x226: {  	v20 =	vor.u32 v4, v18;
	_ =	sdelay $0x3  }
0x227: {  	[tilespmem:v19+s22+$0x0] =	vst.idx.msk $0xffff, v16  }
0x228: {  	v16 =	vld.idx.msk [tilespmem:v20+s15+$0x0], $0xffff  }
0x229: {  	v19 =	vor.u32 v5, v17  }
0x22a: {  	v20 =	vor.u32 v6, v18;
	_ =	sdelay $0x3  }
0x22b: {  	[tilespmem:v19+s22+$0x0] =	vst.idx.msk $0xffff, v16  }
0x22c: {  	v16 =	vld.idx.msk [tilespmem:v20+s15+$0x0], $0xffff  }
0x22d: {  	v19 =	vor.u32 v7, v17  }
0x22e: {  	v20 =	vor.u32 v8, v18;
	_ =	sdelay $0x3  }
0x22f: {  	[tilespmem:v19+s22+$0x0] =	vst.idx.msk $0xffff, v16  }
0x230: {  	v16 =	vld.idx.msk [tilespmem:v20+s15+$0x0], $0xffff  }
0x231: {  	v19 =	vor.u32 v9, v17  }
0x232: {  	v20 =	vor.u32 v10, v18;
	_ =	sdelay $0x3  }
0x233: {  	[tilespmem:v19+s22+$0x0] =	vst.idx.msk $0xffff, v16  }
0x234: {  	v16 =	vld.idx.msk [tilespmem:v20+s15+$0x0], $0xffff  }
0x235: {  	v19 =	vor.u32 v11, v17  }
0x236: {  	v20 =	vor.u32 v12, v18;
	_ =	sdelay $0x3  }
0x237: {  	[tilespmem:v19+s22+$0x0] =	vst.idx.msk $0xffff, v16  }
0x238: {  	v16 =	vld.idx.msk [tilespmem:v20+s15+$0x0], $0xffff  }
0x239: {  	v19 =	vor.u32 v13, v17  }
0x23a: {  	v18 =	vor.u32 v14, v18;
	_ =	sdelay $0x3  }
0x23b: {  	s3 =	sadd.s32 $0x3, s1;
	s1 =	smov.u32 s16;
	[tilespmem:v19+s22+$0x0] =	vst.idx.msk $0xffff, v16  }
0x23c: {  	v16 =	vld.idx.msk [tilespmem:v18+s15+$0x0], $0xffff;
	v18 =	vadd.s32 s3, v0  }
0x23d: {  	v17 =	vor.u32 v15, v17;
	v18 =	vand.u32 $0x3F, v18  }
0x23e: {  	v19 =	vor.u32 v1, v18;
	_ =	sdelay $0x3  }
0x23f: {  	[tilespmem:v17+s22+$0x0] =	vst.idx.msk $0xffff, v16  }
0x240: {  	v16 =	vshll.u32 v18, $0x7;
	v17 =	vld.idx.msk [tilespmem:v19+s15+$0x0], $0xffff  }
0x241: {  	v19 =	vor.u32 v0, v16  }
0x242: {  	v20 =	vor.u32 v2, v18;
	_ =	sdelay $0x3  }
0x243: {  	[tilespmem:v19+s22+$0x0] =	vst.idx.msk $0xffff, v17  }
0x244: {  	v17 =	vld.idx.msk [tilespmem:v20+s15+$0x0], $0xffff  }
0x245: {  	v19 =	vor.u32 v3, v16  }
0x246: {  	v20 =	vor.u32 v4, v18;
	_ =	sdelay $0x3  }
0x247: {  	[tilespmem:v19+s22+$0x0] =	vst.idx.msk $0xffff, v17  }
0x248: {  	v17 =	vld.idx.msk [tilespmem:v20+s15+$0x0], $0xffff  }
0x249: {  	v19 =	vor.u32 v5, v16  }
0x24a: {  	v20 =	vor.u32 v6, v18;
	_ =	sdelay $0x3  }
0x24b: {  	[tilespmem:v19+s22+$0x0] =	vst.idx.msk $0xffff, v17  }
0x24c: {  	v17 =	vld.idx.msk [tilespmem:v20+s15+$0x0], $0xffff  }
0x24d: {  	v19 =	vor.u32 v7, v16  }
0x24e: {  	v20 =	vor.u32 v8, v18;
	_ =	sdelay $0x3  }
0x24f: {  	[tilespmem:v19+s22+$0x0] =	vst.idx.msk $0xffff, v17  }
0x250: {  	v17 =	vld.idx.msk [tilespmem:v20+s15+$0x0], $0xffff  }
0x251: {  	v19 =	vor.u32 v9, v16  }
0x252: {  	v20 =	vor.u32 v10, v18;
	_ =	sdelay $0x3  }
0x253: {  	[tilespmem:v19+s22+$0x0] =	vst.idx.msk $0xffff, v17  }
0x254: {  	v17 =	vld.idx.msk [tilespmem:v20+s15+$0x0], $0xffff  }
0x255: {  	v19 =	vor.u32 v11, v16  }
0x256: {  	v20 =	vor.u32 v12, v18;
	_ =	sdelay $0x3  }
0x257: {  	[tilespmem:v19+s22+$0x0] =	vst.idx.msk $0xffff, v17  }
0x258: {  	v17 =	vld.idx.msk [tilespmem:v20+s15+$0x0], $0xffff  }
0x259: {  	v19 =	vor.u32 v13, v16  }
0x25a: {  	v20 =	vor.u32 v14, v18  }
.Ltmp1:
0x25b: {  	(pc) =	sbr.rel @p1 .LBB2_5-.Ltmp1, $3  }
0x25c: {  	_ =	sdelay $0x1  }
0x25d: {  	[tilespmem:v19+s22+$0x0] =	vst.idx.msk $0xffff, v17  }
0x25e: {  	s16 =	sadd.s32 $0x4, s16;
	v18 =	vadd.s32 s1, v0;
	v17 =	vld.idx.msk [tilespmem:v20+s15+$0x0], $0xffff  }
0x25f: {  	v18 =	vand.u32 $0x3F, v18;
	v16 =	vor.u32 v15, v16  }
0x260: {  	v19 =	vor.u32 v1, v18;
	_ =	sdelay $0x3  }
0x261: {  	[tilespmem:v16+s22+$0x0] =	vst.idx.msk $0xffff, v17;
	v16 =	vshll.u32 v18, $0x7  }
0x262: {  	v17 =	vld.idx.msk [tilespmem:v19+s15+$0x0], $0xffff;
	v19 =	vor.u32 v0, v16  }
0x263: {  	v20 =	vor.u32 v2, v18;
	_ =	sdelay $0x3  }
0x264: {  	[tilespmem:v19+s22+$0x0] =	vst.idx.msk $0xffff, v17  }
0x265: {  	v19 =	vor.u32 v3, v16;
	v17 =	vld.idx.msk [tilespmem:v20+s15+$0x0], $0xffff  }
0x266: {  	v20 =	vor.u32 v4, v18;
	_ =	sdelay $0x3  }
0x267: {  	[tilespmem:v19+s22+$0x0] =	vst.idx.msk $0xffff, v17  }
0x268: {  	v19 =	vor.u32 v5, v16;
	v17 =	vld.idx.msk [tilespmem:v20+s15+$0x0], $0xffff  }
0x269: {  	v20 =	vor.u32 v6, v18;
	_ =	sdelay $0x3  }
0x26a: {  	[tilespmem:v19+s22+$0x0] =	vst.idx.msk $0xffff, v17  }
0x26b: {  	v19 =	vor.u32 v7, v16;
	v17 =	vld.idx.msk [tilespmem:v20+s15+$0x0], $0xffff  }
0x26c: {  	v20 =	vor.u32 v8, v18;
	_ =	sdelay $0x3  }
0x26d: {  	[tilespmem:v19+s22+$0x0] =	vst.idx.msk $0xffff, v17  }
0x26e: {  	v19 =	vor.u32 v9, v16;
	v17 =	vld.idx.msk [tilespmem:v20+s15+$0x0], $0xffff  }
0x26f: {  	v20 =	vor.u32 v10, v18;
	_ =	sdelay $0x3  }
0x270: {  	[tilespmem:v19+s22+$0x0] =	vst.idx.msk $0xffff, v17  }
0x271: {  	v19 =	vor.u32 v11, v16;
	v17 =	vld.idx.msk [tilespmem:v20+s15+$0x0], $0xffff  }
0x272: {  	v20 =	vor.u32 v12, v18;
	_ =	sdelay $0x3  }
0x273: {  	[tilespmem:v19+s22+$0x0] =	vst.idx.msk $0xffff, v17  }
0x274: {  	v19 =	vor.u32 v13, v16;
	v17 =	vld.idx.msk [tilespmem:v20+s15+$0x0], $0xffff  }
0x275: {  	v18 =	vor.u32 v14, v18;
	_ =	sdelay $0x2  }
0x276: {  	s3 =	sadd.s32 $0x1, s1  }
0x277: {  	[tilespmem:v19+s22+$0x0] =	vst.idx.msk $0xffff, v17;
	v17 =	vadd.s32 s3, v0  }
0x278: {  	v16 =	vor.u32 v15, v16;
	v18 =	vld.idx.msk [tilespmem:v18+s15+$0x0], $0xffff;
	v17 =	vand.u32 $0x3F, v17  }
0x279: {  	v19 =	vor.u32 v1, v17;
	_ =	sdelay $0x3  }
0x27a: {  	[tilespmem:v16+s22+$0x0] =	vst.idx.msk $0xffff, v18;
	v16 =	vshll.u32 v17, $0x7  }
0x27b: {  	v18 =	vld.idx.msk [tilespmem:v19+s15+$0x0], $0xffff;
	v19 =	vor.u32 v0, v16  }
0x27c: {  	v20 =	vor.u32 v2, v17;
	_ =	sdelay $0x3  }
0x27d: {  	[tilespmem:v19+s22+$0x0] =	vst.idx.msk $0xffff, v18  }
0x27e: {  	v19 =	vor.u32 v3, v16;
	v18 =	vld.idx.msk [tilespmem:v20+s15+$0x0], $0xffff  }
0x27f: {  	v20 =	vor.u32 v4, v17;
	_ =	sdelay $0x3  }
0x280: {  	[tilespmem:v19+s22+$0x0] =	vst.idx.msk $0xffff, v18  }
0x281: {  	v19 =	vor.u32 v5, v16;
	v18 =	vld.idx.msk [tilespmem:v20+s15+$0x0], $0xffff  }
0x282: {  	v20 =	vor.u32 v6, v17;
	_ =	sdelay $0x3  }
0x283: {  	[tilespmem:v19+s22+$0x0] =	vst.idx.msk $0xffff, v18  }
0x284: {  	v19 =	vor.u32 v7, v16;
	v18 =	vld.idx.msk [tilespmem:v20+s15+$0x0], $0xffff  }
0x285: {  	v20 =	vor.u32 v8, v17;
	_ =	sdelay $0x3  }
0x286: {  	[tilespmem:v19+s22+$0x0] =	vst.idx.msk $0xffff, v18  }
0x287: {  	v19 =	vor.u32 v9, v16;
	v18 =	vld.idx.msk [tilespmem:v20+s15+$0x0], $0xffff  }
0x288: {  	v20 =	vor.u32 v10, v17;
	_ =	sdelay $0x3  }
0x289: {  	[tilespmem:v19+s22+$0x0] =	vst.idx.msk $0xffff, v18  }
0x28a: {  	v19 =	vor.u32 v11, v16;
	v18 =	vld.idx.msk [tilespmem:v20+s15+$0x0], $0xffff  }
0x28b: {  	v20 =	vor.u32 v12, v17;
	_ =	sdelay $0x3  }
0x28c: {  	[tilespmem:v19+s22+$0x0] =	vst.idx.msk $0xffff, v18  }
0x28d: {  	v19 =	vor.u32 v13, v16;
	v18 =	vld.idx.msk [tilespmem:v20+s15+$0x0], $0xffff  }
0x28e: {  	v17 =	vor.u32 v14, v17;
	_ =	sdelay $0x2  }
0x28f: {  	s16 =	sadd.s32 $0x2, s1  }
0x290: {  	[tilespmem:v19+s22+$0x0] =	vst.idx.msk $0xffff, v18;
	v18 =	vadd.s32 s16, v0  }
0x291: {  	v16 =	vor.u32 v15, v16;
	v17 =	vld.idx.msk [tilespmem:v17+s15+$0x0], $0xffff;
	v18 =	vand.u32 $0x3F, v18  }
0x292: {  	v19 =	vor.u32 v1, v18;
	_ =	sdelay $0x3  }
0x293: {  	[tilespmem:v16+s22+$0x0] =	vst.idx.msk $0xffff, v17;
	v16 =	vshll.u32 v18, $0x7  }
0x294: {  	v17 =	vld.idx.msk [tilespmem:v19+s15+$0x0], $0xffff;
	v19 =	vor.u32 v0, v16  }
0x295: {  	v20 =	vor.u32 v2, v18;
	_ =	sdelay $0x3  }
0x296: {  	[tilespmem:v19+s22+$0x0] =	vst.idx.msk $0xffff, v17  }
0x297: {  	v19 =	vor.u32 v3, v16;
	v17 =	vld.idx.msk [tilespmem:v20+s15+$0x0], $0xffff  }
0x298: {  	v20 =	vor.u32 v4, v18;
	_ =	sdelay $0x3  }
0x299: {  	[tilespmem:v19+s22+$0x0] =	vst.idx.msk $0xffff, v17  }
0x29a: {  	v19 =	vor.u32 v5, v16;
	v17 =	vld.idx.msk [tilespmem:v20+s15+$0x0], $0xffff  }
0x29b: {  	v20 =	vor.u32 v6, v18;
	_ =	sdelay $0x3  }
0x29c: {  	[tilespmem:v19+s22+$0x0] =	vst.idx.msk $0xffff, v17  }
0x29d: {  	v19 =	vor.u32 v7, v16;
	v17 =	vld.idx.msk [tilespmem:v20+s15+$0x0], $0xffff  }
0x29e: {  	v20 =	vor.u32 v8, v18;
	_ =	sdelay $0x3  }
0x29f: {  	[tilespmem:v19+s22+$0x0] =	vst.idx.msk $0xffff, v17  }
0x2a0: {  	v19 =	vor.u32 v9, v16;
	v17 =	vld.idx.msk [tilespmem:v20+s15+$0x0], $0xffff  }
0x2a1: {  	v20 =	vor.u32 v10, v18;
	_ =	sdelay $0x3  }
0x2a2: {  	[tilespmem:v19+s22+$0x0] =	vst.idx.msk $0xffff, v17  }
0x2a3: {  	v19 =	vor.u32 v11, v16;
	v17 =	vld.idx.msk [tilespmem:v20+s15+$0x0], $0xffff  }
0x2a4: {  	v20 =	vor.u32 v12, v18;
	_ =	sdelay $0x3  }
0x2a5: {  	[tilespmem:v19+s22+$0x0] =	vst.idx.msk $0xffff, v17  }
0x2a6: {  	v19 =	vor.u32 v13, v16;
	v17 =	vld.idx.msk [tilespmem:v20+s15+$0x0], $0xffff  }
0x2a7: {  	v18 =	vor.u32 v14, v18;
	_ =	sdelay $0x2  }
0x2a8: {  	s6 =	sadd.s32 $0x3, s1  }
0x2a9: {  	[tilespmem:v19+s22+$0x0] =	vst.idx.msk $0xffff, v17;
	v17 =	vadd.s32 s6, v0  }
0x2aa: {  	v16 =	vor.u32 v15, v16;
	v18 =	vld.idx.msk [tilespmem:v18+s15+$0x0], $0xffff;
	v17 =	vand.u32 $0x3F, v17  }
0x2ab: {  	v19 =	vor.u32 v1, v17;
	_ =	sdelay $0x3  }
0x2ac: {  	[tilespmem:v16+s22+$0x0] =	vst.idx.msk $0xffff, v18;
	v16 =	vshll.u32 v17, $0x7  }
0x2ad: {  	v18 =	vld.idx.msk [tilespmem:v19+s15+$0x0], $0xffff;
	v19 =	vor.u32 v0, v16  }
0x2ae: {  	v20 =	vor.u32 v2, v17;
	_ =	sdelay $0x3  }
0x2af: {  	[tilespmem:v19+s22+$0x0] =	vst.idx.msk $0xffff, v18  }
0x2b0: {  	v19 =	vor.u32 v3, v16;
	v18 =	vld.idx.msk [tilespmem:v20+s15+$0x0], $0xffff  }
0x2b1: {  	v20 =	vor.u32 v4, v17;
	_ =	sdelay $0x3  }
0x2b2: {  	[tilespmem:v19+s22+$0x0] =	vst.idx.msk $0xffff, v18  }
0x2b3: {  	v19 =	vor.u32 v5, v16;
	v18 =	vld.idx.msk [tilespmem:v20+s15+$0x0], $0xffff  }
0x2b4: {  	v20 =	vor.u32 v6, v17;
	_ =	sdelay $0x3  }
0x2b5: {  	[tilespmem:v19+s22+$0x0] =	vst.idx.msk $0xffff, v18  }
0x2b6: {  	v19 =	vor.u32 v7, v16;
	v18 =	vld.idx.msk [tilespmem:v20+s15+$0x0], $0xffff  }
0x2b7: {  	v20 =	vor.u32 v8, v17;
	_ =	sdelay $0x3  }
0x2b8: {  	[tilespmem:v19+s22+$0x0] =	vst.idx.msk $0xffff, v18  }
0x2b9: {  	v19 =	vor.u32 v9, v16;
	v18 =	vld.idx.msk [tilespmem:v20+s15+$0x0], $0xffff  }
0x2ba: {  	v20 =	vor.u32 v10, v17;
	_ =	sdelay $0x3  }
0x2bb: {  	[tilespmem:v19+s22+$0x0] =	vst.idx.msk $0xffff, v18  }
0x2bc: {  	v19 =	vor.u32 v11, v16;
	v18 =	vld.idx.msk [tilespmem:v20+s15+$0x0], $0xffff  }
0x2bd: {  	v20 =	vor.u32 v12, v17;
	_ =	sdelay $0x3  }
0x2be: {  	[tilespmem:v19+s22+$0x0] =	vst.idx.msk $0xffff, v18  }
0x2bf: {  	v19 =	vor.u32 v13, v16;
	v18 =	vld.idx.msk [tilespmem:v20+s15+$0x0], $0xffff  }
0x2c0: {  	v17 =	vor.u32 v14, v17;
	_ =	sdelay $0x3  }
0x2c1: {  	[tilespmem:v19+s22+$0x0] =	vst.idx.msk $0xffff, v18  }
0x2c2: {  	v16 =	vor.u32 v15, v16;
	v17 =	vld.idx.msk [tilespmem:v17+s15+$0x0], $0xffff;
	_ =	sdelay $0x4  }
0x2c3: {  	s1 =	sadd.s32 @!p0 $0x280, s0;
	s16 =	sadd.s32 s31, s7;
	[tilespmem:v16+s22+$0x0] =	vst.idx.msk $0xffff, v17  }
0x2c4: {  	[hbm4b:s16+s10] =	stream.strided.scatter [tilespmem:s22], [sflag:$0x6], $0x2000, s11, s10, $0x38;
	[tilespmem:$0x1A400] =	vst v63  }
0x2c5: {  	s3 =	simm.s32 @!p0 $0x80;
	s6 =	simm.s32 $0x0;
	s16 =	simm.s32 @!p0 $0xA400  }
0x2c6: {  	v16 =	vadd.s32 s6, v0;
	[tilespmem:s16], [sflag:$0x2] =	stream.indirect.gather @!p0 [hbm4b:s5+s3], $0x80, s1, s3, $0xb8;
	[tilespmem:$0x1A400] =	vst v63  }
0x2c7: {  	v16 =	vand.u32 $0x3F, v16;
	_ =	swait.ge [sflag:s23], $0x2000  }
0x2c8: {  	v17 =	vor.u32 v1, v16;
	[sflag:s23] =	ssyncset.done $0x0  }
0x2c9: {  	[sflag:s23] =	ssyncadd.s32 $0xFFFFE000  }
0x2ca: {  	_ =	swait.ge [sflag:s24], $0x4000  }
0x2cb: {  	[sflag:s24] =	ssyncset.done $0x0  }
0x2cc: {  	v18 =	vshll.u32 v16, $0x7;
	[sflag:s24] =	ssyncadd.s32 $0xFFFFC000  }
0x2cd: {  	v19 =	vor.u32 v0, v18;
	v17 =	vld.idx.msk [tilespmem:v17+s17+$0x0], $0xffff  }
0x2ce: {  	v20 =	vor.u32 v2, v16;
	_ =	sdelay $0x3  }
0x2cf: {  	[tilespmem:v19+s20+$0x0] =	vst.idx.msk $0xffff, v17  }
0x2d0: {  	v19 =	vor.u32 v3, v18;
	v17 =	vld.idx.msk [tilespmem:v20+s17+$0x0], $0xffff  }
0x2d1: {  	v20 =	vor.u32 v4, v16;
	_ =	sdelay $0x3  }
0x2d2: {  	[tilespmem:v19+s20+$0x0] =	vst.idx.msk $0xffff, v17  }
0x2d3: {  	v19 =	vor.u32 v5, v18;
	v17 =	vld.idx.msk [tilespmem:v20+s17+$0x0], $0xffff  }
0x2d4: {  	v20 =	vor.u32 v6, v16;
	_ =	sdelay $0x3  }
0x2d5: {  	[tilespmem:v19+s20+$0x0] =	vst.idx.msk $0xffff, v17  }
0x2d6: {  	v19 =	vor.u32 v7, v18;
	v17 =	vld.idx.msk [tilespmem:v20+s17+$0x0], $0xffff  }
0x2d7: {  	v20 =	vor.u32 v8, v16;
	_ =	sdelay $0x3  }
0x2d8: {  	[tilespmem:v19+s20+$0x0] =	vst.idx.msk $0xffff, v17  }
0x2d9: {  	v19 =	vor.u32 v9, v18;
	v17 =	vld.idx.msk [tilespmem:v20+s17+$0x0], $0xffff  }
0x2da: {  	v20 =	vor.u32 v10, v16;
	_ =	sdelay $0x3  }
0x2db: {  	[tilespmem:v19+s20+$0x0] =	vst.idx.msk $0xffff, v17  }
0x2dc: {  	v19 =	vor.u32 v11, v18;
	v17 =	vld.idx.msk [tilespmem:v20+s17+$0x0], $0xffff  }
0x2dd: {  	v20 =	vor.u32 v12, v16;
	_ =	sdelay $0x3  }
0x2de: {  	[tilespmem:v19+s20+$0x0] =	vst.idx.msk $0xffff, v17  }
0x2df: {  	v19 =	vor.u32 v13, v18;
	v17 =	vld.idx.msk [tilespmem:v20+s17+$0x0], $0xffff  }
0x2e0: {  	v16 =	vor.u32 v14, v16;
	_ =	sdelay $0x2  }
0x2e1: {  	s3 =	simm.s32 $0x1  }
0x2e2: {  	[tilespmem:v19+s20+$0x0] =	vst.idx.msk $0xffff, v17;
	v17 =	vadd.s32 s3, v0  }
0x2e3: {  	v18 =	vor.u32 v15, v18;
	v16 =	vld.idx.msk [tilespmem:v16+s17+$0x0], $0xffff;
	v17 =	vand.u32 $0x3F, v17  }
0x2e4: {  	v19 =	vor.u32 v1, v17;
	_ =	sdelay $0x3  }
0x2e5: {  	[tilespmem:v18+s20+$0x0] =	vst.idx.msk $0xffff, v16;
	v16 =	vshll.u32 v17, $0x7  }
0x2e6: {  	v18 =	vld.idx.msk [tilespmem:v19+s17+$0x0], $0xffff;
	v19 =	vor.u32 v0, v16  }
0x2e7: {  	v20 =	vor.u32 v2, v17;
	_ =	sdelay $0x3  }
0x2e8: {  	[tilespmem:v19+s20+$0x0] =	vst.idx.msk $0xffff, v18  }
0x2e9: {  	v19 =	vor.u32 v3, v16;
	v18 =	vld.idx.msk [tilespmem:v20+s17+$0x0], $0xffff  }
0x2ea: {  	v20 =	vor.u32 v4, v17;
	_ =	sdelay $0x3  }
0x2eb: {  	[tilespmem:v19+s20+$0x0] =	vst.idx.msk $0xffff, v18  }
0x2ec: {  	v19 =	vor.u32 v5, v16;
	v18 =	vld.idx.msk [tilespmem:v20+s17+$0x0], $0xffff  }
0x2ed: {  	v20 =	vor.u32 v6, v17;
	_ =	sdelay $0x3  }
0x2ee: {  	[tilespmem:v19+s20+$0x0] =	vst.idx.msk $0xffff, v18  }
0x2ef: {  	v19 =	vor.u32 v7, v16;
	v18 =	vld.idx.msk [tilespmem:v20+s17+$0x0], $0xffff  }
0x2f0: {  	v20 =	vor.u32 v8, v17;
	_ =	sdelay $0x3  }
0x2f1: {  	[tilespmem:v19+s20+$0x0] =	vst.idx.msk $0xffff, v18  }
0x2f2: {  	v19 =	vor.u32 v9, v16;
	v18 =	vld.idx.msk [tilespmem:v20+s17+$0x0], $0xffff  }
0x2f3: {  	v20 =	vor.u32 v10, v17;
	_ =	sdelay $0x3  }
0x2f4: {  	[tilespmem:v19+s20+$0x0] =	vst.idx.msk $0xffff, v18  }
0x2f5: {  	v19 =	vor.u32 v11, v16;
	v18 =	vld.idx.msk [tilespmem:v20+s17+$0x0], $0xffff  }
0x2f6: {  	v20 =	vor.u32 v12, v17;
	_ =	sdelay $0x3  }
0x2f7: {  	[tilespmem:v19+s20+$0x0] =	vst.idx.msk $0xffff, v18  }
0x2f8: {  	v19 =	vor.u32 v13, v16;
	v18 =	vld.idx.msk [tilespmem:v20+s17+$0x0], $0xffff  }
0x2f9: {  	v17 =	vor.u32 v14, v17;
	_ =	sdelay $0x2  }
0x2fa: {  	s6 =	simm.s32 $0x2  }
0x2fb: {  	[tilespmem:v19+s20+$0x0] =	vst.idx.msk $0xffff, v18;
	v18 =	vadd.s32 s6, v0  }
0x2fc: {  	v16 =	vor.u32 v15, v16;
	v17 =	vld.idx.msk [tilespmem:v17+s17+$0x0], $0xffff;
	v18 =	vand.u32 $0x3F, v18  }
0x2fd: {  	v19 =	vor.u32 v1, v18;
	_ =	sdelay $0x3  }
0x2fe: {  	[tilespmem:v16+s20+$0x0] =	vst.idx.msk $0xffff, v17;
	v16 =	vshll.u32 v18, $0x7  }
0x2ff: {  	v17 =	vld.idx.msk [tilespmem:v19+s17+$0x0], $0xffff;
	v19 =	vor.u32 v0, v16  }
0x300: {  	v20 =	vor.u32 v2, v18;
	_ =	sdelay $0x3  }
0x301: {  	[tilespmem:v19+s20+$0x0] =	vst.idx.msk $0xffff, v17  }
0x302: {  	v19 =	vor.u32 v3, v16;
	v17 =	vld.idx.msk [tilespmem:v20+s17+$0x0], $0xffff  }
0x303: {  	v20 =	vor.u32 v4, v18;
	_ =	sdelay $0x3  }
0x304: {  	[tilespmem:v19+s20+$0x0] =	vst.idx.msk $0xffff, v17  }
0x305: {  	v19 =	vor.u32 v5, v16;
	v17 =	vld.idx.msk [tilespmem:v20+s17+$0x0], $0xffff  }
0x306: {  	v20 =	vor.u32 v6, v18;
	_ =	sdelay $0x3  }
0x307: {  	[tilespmem:v19+s20+$0x0] =	vst.idx.msk $0xffff, v17  }
0x308: {  	v19 =	vor.u32 v7, v16;
	v17 =	vld.idx.msk [tilespmem:v20+s17+$0x0], $0xffff  }
0x309: {  	v20 =	vor.u32 v8, v18;
	_ =	sdelay $0x3  }
0x30a: {  	[tilespmem:v19+s20+$0x0] =	vst.idx.msk $0xffff, v17  }
0x30b: {  	v19 =	vor.u32 v9, v16;
	v17 =	vld.idx.msk [tilespmem:v20+s17+$0x0], $0xffff  }
0x30c: {  	v20 =	vor.u32 v10, v18;
	_ =	sdelay $0x3  }
0x30d: {  	[tilespmem:v19+s20+$0x0] =	vst.idx.msk $0xffff, v17  }
0x30e: {  	v19 =	vor.u32 v11, v16;
	v17 =	vld.idx.msk [tilespmem:v20+s17+$0x0], $0xffff  }
0x30f: {  	v20 =	vor.u32 v12, v18;
	_ =	sdelay $0x3  }
0x310: {  	[tilespmem:v19+s20+$0x0] =	vst.idx.msk $0xffff, v17  }
0x311: {  	v19 =	vor.u32 v13, v16;
	v17 =	vld.idx.msk [tilespmem:v20+s17+$0x0], $0xffff  }
0x312: {  	v18 =	vor.u32 v14, v18;
	_ =	sdelay $0x2  }
0x313: {  	s16 =	simm.s32 $0x3  }
0x314: {  	[tilespmem:v19+s20+$0x0] =	vst.idx.msk $0xffff, v17;
	v17 =	vadd.s32 s16, v0  }
0x315: {  	v16 =	vor.u32 v15, v16;
	v18 =	vld.idx.msk [tilespmem:v18+s17+$0x0], $0xffff;
	v17 =	vand.u32 $0x3F, v17  }
0x316: {  	v19 =	vor.u32 v1, v17;
	_ =	sdelay $0x3  }
0x317: {  	[tilespmem:v16+s20+$0x0] =	vst.idx.msk $0xffff, v18;
	v16 =	vshll.u32 v17, $0x7  }
0x318: {  	v18 =	vld.idx.msk [tilespmem:v19+s17+$0x0], $0xffff;
	v19 =	vor.u32 v0, v16  }
0x319: {  	v20 =	vor.u32 v2, v17;
	_ =	sdelay $0x3  }
0x31a: {  	[tilespmem:v19+s20+$0x0] =	vst.idx.msk $0xffff, v18  }
0x31b: {  	v19 =	vor.u32 v3, v16;
	v18 =	vld.idx.msk [tilespmem:v20+s17+$0x0], $0xffff  }
0x31c: {  	v20 =	vor.u32 v4, v17;
	_ =	sdelay $0x3  }
0x31d: {  	[tilespmem:v19+s20+$0x0] =	vst.idx.msk $0xffff, v18  }
0x31e: {  	v19 =	vor.u32 v5, v16;
	v18 =	vld.idx.msk [tilespmem:v20+s17+$0x0], $0xffff  }
0x31f: {  	v20 =	vor.u32 v6, v17;
	_ =	sdelay $0x3  }
0x320: {  	[tilespmem:v19+s20+$0x0] =	vst.idx.msk $0xffff, v18  }
0x321: {  	v19 =	vor.u32 v7, v16;
	v18 =	vld.idx.msk [tilespmem:v20+s17+$0x0], $0xffff  }
0x322: {  	v20 =	vor.u32 v8, v17;
	_ =	sdelay $0x3  }
0x323: {  	[tilespmem:v19+s20+$0x0] =	vst.idx.msk $0xffff, v18  }
0x324: {  	v19 =	vor.u32 v9, v16;
	v18 =	vld.idx.msk [tilespmem:v20+s17+$0x0], $0xffff  }
0x325: {  	v20 =	vor.u32 v10, v17;
	_ =	sdelay $0x3  }
0x326: {  	[tilespmem:v19+s20+$0x0] =	vst.idx.msk $0xffff, v18  }
0x327: {  	v19 =	vor.u32 v11, v16;
	v18 =	vld.idx.msk [tilespmem:v20+s17+$0x0], $0xffff  }
0x328: {  	v20 =	vor.u32 v12, v17;
	_ =	sdelay $0x3  }
0x329: {  	[tilespmem:v19+s20+$0x0] =	vst.idx.msk $0xffff, v18  }
0x32a: {  	v19 =	vor.u32 v13, v16;
	v18 =	vld.idx.msk [tilespmem:v20+s17+$0x0], $0xffff  }
0x32b: {  	v17 =	vor.u32 v14, v17;
	_ =	sdelay $0x3  }
0x32c: {  	s1 =	simm.s32 $0x4;
	[tilespmem:v19+s20+$0x0] =	vst.idx.msk $0xffff, v18  }
0x32d: {  	s16 =	simm.s32 $0x8;
	v18 =	vadd.s32 s1, v0;
	v17 =	vld.idx.msk [tilespmem:v17+s17+$0x0], $0xffff  }
.LBB2_7:
0x32e: {  	p1 =	sne.s32 s16, $0x3C;
	v18 =	vand.u32 $0x3F, v18;
	v16 =	vor.u32 v15, v16  }
0x32f: {  	v19 =	vor.u32 v1, v18;
	_ =	sdelay $0x3  }
0x330: {  	[tilespmem:v16+s20+$0x0] =	vst.idx.msk $0xffff, v17  }
0x331: {  	v17 =	vshll.u32 v18, $0x7;
	v16 =	vld.idx.msk [tilespmem:v19+s17+$0x0], $0xffff  }
0x332: {  	v19 =	vor.u32 v0, v17  }
0x333: {  	v20 =	vor.u32 v2, v18;
	_ =	sdelay $0x3  }
0x334: {  	[tilespmem:v19+s20+$0x0] =	vst.idx.msk $0xffff, v16  }
0x335: {  	v16 =	vld.idx.msk [tilespmem:v20+s17+$0x0], $0xffff  }
0x336: {  	v19 =	vor.u32 v3, v17  }
0x337: {  	v20 =	vor.u32 v4, v18;
	_ =	sdelay $0x3  }
0x338: {  	[tilespmem:v19+s20+$0x0] =	vst.idx.msk $0xffff, v16  }
0x339: {  	v16 =	vld.idx.msk [tilespmem:v20+s17+$0x0], $0xffff  }
0x33a: {  	v19 =	vor.u32 v5, v17  }
0x33b: {  	v20 =	vor.u32 v6, v18;
	_ =	sdelay $0x3  }
0x33c: {  	[tilespmem:v19+s20+$0x0] =	vst.idx.msk $0xffff, v16  }
0x33d: {  	v16 =	vld.idx.msk [tilespmem:v20+s17+$0x0], $0xffff  }
0x33e: {  	v19 =	vor.u32 v7, v17  }
0x33f: {  	v20 =	vor.u32 v8, v18;
	_ =	sdelay $0x3  }
0x340: {  	[tilespmem:v19+s20+$0x0] =	vst.idx.msk $0xffff, v16  }
0x341: {  	v16 =	vld.idx.msk [tilespmem:v20+s17+$0x0], $0xffff  }
0x342: {  	v19 =	vor.u32 v9, v17  }
0x343: {  	v20 =	vor.u32 v10, v18;
	_ =	sdelay $0x3  }
0x344: {  	[tilespmem:v19+s20+$0x0] =	vst.idx.msk $0xffff, v16  }
0x345: {  	v16 =	vld.idx.msk [tilespmem:v20+s17+$0x0], $0xffff  }
0x346: {  	v19 =	vor.u32 v11, v17  }
0x347: {  	v20 =	vor.u32 v12, v18;
	_ =	sdelay $0x3  }
0x348: {  	[tilespmem:v19+s20+$0x0] =	vst.idx.msk $0xffff, v16  }
0x349: {  	v16 =	vld.idx.msk [tilespmem:v20+s17+$0x0], $0xffff  }
0x34a: {  	v19 =	vor.u32 v13, v17  }
0x34b: {  	v18 =	vor.u32 v14, v18;
	_ =	sdelay $0x3  }
0x34c: {  	s3 =	sadd.s32 $0x1, s1;
	[tilespmem:v19+s20+$0x0] =	vst.idx.msk $0xffff, v16  }
0x34d: {  	v16 =	vld.idx.msk [tilespmem:v18+s17+$0x0], $0xffff;
	v18 =	vadd.s32 s3, v0  }
0x34e: {  	v17 =	vor.u32 v15, v17;
	v18 =	vand.u32 $0x3F, v18  }
0x34f: {  	v19 =	vor.u32 v1, v18;
	_ =	sdelay $0x3  }
0x350: {  	[tilespmem:v17+s20+$0x0] =	vst.idx.msk $0xffff, v16  }
0x351: {  	v17 =	vshll.u32 v18, $0x7;
	v16 =	vld.idx.msk [tilespmem:v19+s17+$0x0], $0xffff  }
0x352: {  	v19 =	vor.u32 v0, v17  }
0x353: {  	v20 =	vor.u32 v2, v18;
	_ =	sdelay $0x3  }
0x354: {  	[tilespmem:v19+s20+$0x0] =	vst.idx.msk $0xffff, v16  }
0x355: {  	v16 =	vld.idx.msk [tilespmem:v20+s17+$0x0], $0xffff  }
0x356: {  	v19 =	vor.u32 v3, v17  }
0x357: {  	v20 =	vor.u32 v4, v18;
	_ =	sdelay $0x3  }
0x358: {  	[tilespmem:v19+s20+$0x0] =	vst.idx.msk $0xffff, v16  }
0x359: {  	v16 =	vld.idx.msk [tilespmem:v20+s17+$0x0], $0xffff  }
0x35a: {  	v19 =	vor.u32 v5, v17  }
0x35b: {  	v20 =	vor.u32 v6, v18;
	_ =	sdelay $0x3  }
0x35c: {  	[tilespmem:v19+s20+$0x0] =	vst.idx.msk $0xffff, v16  }
0x35d: {  	v16 =	vld.idx.msk [tilespmem:v20+s17+$0x0], $0xffff  }
0x35e: {  	v19 =	vor.u32 v7, v17  }
0x35f: {  	v20 =	vor.u32 v8, v18;
	_ =	sdelay $0x3  }
0x360: {  	[tilespmem:v19+s20+$0x0] =	vst.idx.msk $0xffff, v16  }
0x361: {  	v16 =	vld.idx.msk [tilespmem:v20+s17+$0x0], $0xffff  }
0x362: {  	v19 =	vor.u32 v9, v17  }
0x363: {  	v20 =	vor.u32 v10, v18;
	_ =	sdelay $0x3  }
0x364: {  	[tilespmem:v19+s20+$0x0] =	vst.idx.msk $0xffff, v16  }
0x365: {  	v16 =	vld.idx.msk [tilespmem:v20+s17+$0x0], $0xffff  }
0x366: {  	v19 =	vor.u32 v11, v17  }
0x367: {  	v20 =	vor.u32 v12, v18;
	_ =	sdelay $0x3  }
0x368: {  	[tilespmem:v19+s20+$0x0] =	vst.idx.msk $0xffff, v16  }
0x369: {  	v16 =	vld.idx.msk [tilespmem:v20+s17+$0x0], $0xffff  }
0x36a: {  	v19 =	vor.u32 v13, v17  }
0x36b: {  	v18 =	vor.u32 v14, v18;
	_ =	sdelay $0x3  }
0x36c: {  	s3 =	sadd.s32 $0x2, s1;
	[tilespmem:v19+s20+$0x0] =	vst.idx.msk $0xffff, v16  }
0x36d: {  	v16 =	vld.idx.msk [tilespmem:v18+s17+$0x0], $0xffff;
	v18 =	vadd.s32 s3, v0  }
0x36e: {  	v17 =	vor.u32 v15, v17;
	v18 =	vand.u32 $0x3F, v18  }
0x36f: {  	v19 =	vor.u32 v1, v18;
	_ =	sdelay $0x3  }
0x370: {  	[tilespmem:v17+s20+$0x0] =	vst.idx.msk $0xffff, v16  }
0x371: {  	v17 =	vshll.u32 v18, $0x7;
	v16 =	vld.idx.msk [tilespmem:v19+s17+$0x0], $0xffff  }
0x372: {  	v19 =	vor.u32 v0, v17  }
0x373: {  	v20 =	vor.u32 v2, v18;
	_ =	sdelay $0x3  }
0x374: {  	[tilespmem:v19+s20+$0x0] =	vst.idx.msk $0xffff, v16  }
0x375: {  	v16 =	vld.idx.msk [tilespmem:v20+s17+$0x0], $0xffff  }
0x376: {  	v19 =	vor.u32 v3, v17  }
0x377: {  	v20 =	vor.u32 v4, v18;
	_ =	sdelay $0x3  }
0x378: {  	[tilespmem:v19+s20+$0x0] =	vst.idx.msk $0xffff, v16  }
0x379: {  	v16 =	vld.idx.msk [tilespmem:v20+s17+$0x0], $0xffff  }
0x37a: {  	v19 =	vor.u32 v5, v17  }
0x37b: {  	v20 =	vor.u32 v6, v18;
	_ =	sdelay $0x3  }
0x37c: {  	[tilespmem:v19+s20+$0x0] =	vst.idx.msk $0xffff, v16  }
0x37d: {  	v16 =	vld.idx.msk [tilespmem:v20+s17+$0x0], $0xffff  }
0x37e: {  	v19 =	vor.u32 v7, v17  }
0x37f: {  	v20 =	vor.u32 v8, v18;
	_ =	sdelay $0x3  }
0x380: {  	[tilespmem:v19+s20+$0x0] =	vst.idx.msk $0xffff, v16  }
0x381: {  	v16 =	vld.idx.msk [tilespmem:v20+s17+$0x0], $0xffff  }
0x382: {  	v19 =	vor.u32 v9, v17  }
0x383: {  	v20 =	vor.u32 v10, v18;
	_ =	sdelay $0x3  }
0x384: {  	[tilespmem:v19+s20+$0x0] =	vst.idx.msk $0xffff, v16  }
0x385: {  	v16 =	vld.idx.msk [tilespmem:v20+s17+$0x0], $0xffff  }
0x386: {  	v19 =	vor.u32 v11, v17  }
0x387: {  	v20 =	vor.u32 v12, v18;
	_ =	sdelay $0x3  }
0x388: {  	[tilespmem:v19+s20+$0x0] =	vst.idx.msk $0xffff, v16  }
0x389: {  	v16 =	vld.idx.msk [tilespmem:v20+s17+$0x0], $0xffff  }
0x38a: {  	v19 =	vor.u32 v13, v17  }
0x38b: {  	v18 =	vor.u32 v14, v18;
	_ =	sdelay $0x3  }
0x38c: {  	s3 =	sadd.s32 $0x3, s1;
	s1 =	smov.u32 s16;
	[tilespmem:v19+s20+$0x0] =	vst.idx.msk $0xffff, v16  }
0x38d: {  	v16 =	vld.idx.msk [tilespmem:v18+s17+$0x0], $0xffff;
	v18 =	vadd.s32 s3, v0  }
0x38e: {  	v17 =	vor.u32 v15, v17;
	v18 =	vand.u32 $0x3F, v18  }
0x38f: {  	v19 =	vor.u32 v1, v18;
	_ =	sdelay $0x3  }
0x390: {  	[tilespmem:v17+s20+$0x0] =	vst.idx.msk $0xffff, v16  }
0x391: {  	v16 =	vshll.u32 v18, $0x7;
	v17 =	vld.idx.msk [tilespmem:v19+s17+$0x0], $0xffff  }
0x392: {  	v19 =	vor.u32 v0, v16  }
0x393: {  	v20 =	vor.u32 v2, v18;
	_ =	sdelay $0x3  }
0x394: {  	[tilespmem:v19+s20+$0x0] =	vst.idx.msk $0xffff, v17  }
0x395: {  	v17 =	vld.idx.msk [tilespmem:v20+s17+$0x0], $0xffff  }
0x396: {  	v19 =	vor.u32 v3, v16  }
0x397: {  	v20 =	vor.u32 v4, v18;
	_ =	sdelay $0x3  }
0x398: {  	[tilespmem:v19+s20+$0x0] =	vst.idx.msk $0xffff, v17  }
0x399: {  	v17 =	vld.idx.msk [tilespmem:v20+s17+$0x0], $0xffff  }
0x39a: {  	v19 =	vor.u32 v5, v16  }
0x39b: {  	v20 =	vor.u32 v6, v18;
	_ =	sdelay $0x3  }
0x39c: {  	[tilespmem:v19+s20+$0x0] =	vst.idx.msk $0xffff, v17  }
0x39d: {  	v17 =	vld.idx.msk [tilespmem:v20+s17+$0x0], $0xffff  }
0x39e: {  	v19 =	vor.u32 v7, v16  }
0x39f: {  	v20 =	vor.u32 v8, v18;
	_ =	sdelay $0x3  }
0x3a0: {  	[tilespmem:v19+s20+$0x0] =	vst.idx.msk $0xffff, v17  }
0x3a1: {  	v17 =	vld.idx.msk [tilespmem:v20+s17+$0x0], $0xffff  }
0x3a2: {  	v19 =	vor.u32 v9, v16  }
0x3a3: {  	v20 =	vor.u32 v10, v18;
	_ =	sdelay $0x3  }
0x3a4: {  	[tilespmem:v19+s20+$0x0] =	vst.idx.msk $0xffff, v17  }
0x3a5: {  	v17 =	vld.idx.msk [tilespmem:v20+s17+$0x0], $0xffff  }
0x3a6: {  	v19 =	vor.u32 v11, v16  }
0x3a7: {  	v20 =	vor.u32 v12, v18;
	_ =	sdelay $0x3  }
0x3a8: {  	[tilespmem:v19+s20+$0x0] =	vst.idx.msk $0xffff, v17  }
0x3a9: {  	v17 =	vld.idx.msk [tilespmem:v20+s17+$0x0], $0xffff  }
0x3aa: {  	v19 =	vor.u32 v13, v16  }
0x3ab: {  	v20 =	vor.u32 v14, v18  }
.Ltmp2:
0x3ac: {  	(pc) =	sbr.rel @p1 .LBB2_7-.Ltmp2, $3  }
0x3ad: {  	_ =	sdelay $0x1  }
0x3ae: {  	[tilespmem:v19+s20+$0x0] =	vst.idx.msk $0xffff, v17  }
0x3af: {  	s16 =	sadd.s32 $0x4, s16;
	v18 =	vadd.s32 s1, v0;
	v17 =	vld.idx.msk [tilespmem:v20+s17+$0x0], $0xffff  }
0x3b0: {  	v18 =	vand.u32 $0x3F, v18;
	v16 =	vor.u32 v15, v16  }
0x3b1: {  	v19 =	vor.u32 v1, v18;
	_ =	sdelay $0x3  }
0x3b2: {  	[tilespmem:v16+s20+$0x0] =	vst.idx.msk $0xffff, v17;
	v16 =	vshll.u32 v18, $0x7  }
0x3b3: {  	v17 =	vld.idx.msk [tilespmem:v19+s17+$0x0], $0xffff;
	v19 =	vor.u32 v0, v16  }
0x3b4: {  	v20 =	vor.u32 v2, v18;
	_ =	sdelay $0x3  }
0x3b5: {  	[tilespmem:v19+s20+$0x0] =	vst.idx.msk $0xffff, v17  }
0x3b6: {  	v19 =	vor.u32 v3, v16;
	v17 =	vld.idx.msk [tilespmem:v20+s17+$0x0], $0xffff  }
0x3b7: {  	v20 =	vor.u32 v4, v18;
	_ =	sdelay $0x3  }
0x3b8: {  	[tilespmem:v19+s20+$0x0] =	vst.idx.msk $0xffff, v17  }
0x3b9: {  	v19 =	vor.u32 v5, v16;
	v17 =	vld.idx.msk [tilespmem:v20+s17+$0x0], $0xffff  }
0x3ba: {  	v20 =	vor.u32 v6, v18;
	_ =	sdelay $0x3  }
0x3bb: {  	[tilespmem:v19+s20+$0x0] =	vst.idx.msk $0xffff, v17  }
0x3bc: {  	v19 =	vor.u32 v7, v16;
	v17 =	vld.idx.msk [tilespmem:v20+s17+$0x0], $0xffff  }
0x3bd: {  	v20 =	vor.u32 v8, v18;
	_ =	sdelay $0x3  }
0x3be: {  	[tilespmem:v19+s20+$0x0] =	vst.idx.msk $0xffff, v17  }
0x3bf: {  	v19 =	vor.u32 v9, v16;
	v17 =	vld.idx.msk [tilespmem:v20+s17+$0x0], $0xffff  }
0x3c0: {  	v20 =	vor.u32 v10, v18;
	_ =	sdelay $0x3  }
0x3c1: {  	[tilespmem:v19+s20+$0x0] =	vst.idx.msk $0xffff, v17  }
0x3c2: {  	v19 =	vor.u32 v11, v16;
	v17 =	vld.idx.msk [tilespmem:v20+s17+$0x0], $0xffff  }
0x3c3: {  	v20 =	vor.u32 v12, v18;
	_ =	sdelay $0x3  }
0x3c4: {  	[tilespmem:v19+s20+$0x0] =	vst.idx.msk $0xffff, v17  }
0x3c5: {  	v19 =	vor.u32 v13, v16;
	v17 =	vld.idx.msk [tilespmem:v20+s17+$0x0], $0xffff  }
0x3c6: {  	v18 =	vor.u32 v14, v18;
	_ =	sdelay $0x2  }
0x3c7: {  	s3 =	sadd.s32 $0x1, s1  }
0x3c8: {  	[tilespmem:v19+s20+$0x0] =	vst.idx.msk $0xffff, v17;
	v17 =	vadd.s32 s3, v0  }
0x3c9: {  	v16 =	vor.u32 v15, v16;
	v18 =	vld.idx.msk [tilespmem:v18+s17+$0x0], $0xffff;
	v17 =	vand.u32 $0x3F, v17  }
0x3ca: {  	v19 =	vor.u32 v1, v17;
	_ =	sdelay $0x3  }
0x3cb: {  	[tilespmem:v16+s20+$0x0] =	vst.idx.msk $0xffff, v18;
	v16 =	vshll.u32 v17, $0x7  }
0x3cc: {  	v18 =	vld.idx.msk [tilespmem:v19+s17+$0x0], $0xffff;
	v19 =	vor.u32 v0, v16  }
0x3cd: {  	v20 =	vor.u32 v2, v17;
	_ =	sdelay $0x3  }
0x3ce: {  	[tilespmem:v19+s20+$0x0] =	vst.idx.msk $0xffff, v18  }
0x3cf: {  	v19 =	vor.u32 v3, v16;
	v18 =	vld.idx.msk [tilespmem:v20+s17+$0x0], $0xffff  }
0x3d0: {  	v20 =	vor.u32 v4, v17;
	_ =	sdelay $0x3  }
0x3d1: {  	[tilespmem:v19+s20+$0x0] =	vst.idx.msk $0xffff, v18  }
0x3d2: {  	v19 =	vor.u32 v5, v16;
	v18 =	vld.idx.msk [tilespmem:v20+s17+$0x0], $0xffff  }
0x3d3: {  	v20 =	vor.u32 v6, v17;
	_ =	sdelay $0x3  }
0x3d4: {  	[tilespmem:v19+s20+$0x0] =	vst.idx.msk $0xffff, v18  }
0x3d5: {  	v19 =	vor.u32 v7, v16;
	v18 =	vld.idx.msk [tilespmem:v20+s17+$0x0], $0xffff  }
0x3d6: {  	v20 =	vor.u32 v8, v17;
	_ =	sdelay $0x3  }
0x3d7: {  	[tilespmem:v19+s20+$0x0] =	vst.idx.msk $0xffff, v18  }
0x3d8: {  	v19 =	vor.u32 v9, v16;
	v18 =	vld.idx.msk [tilespmem:v20+s17+$0x0], $0xffff  }
0x3d9: {  	v20 =	vor.u32 v10, v17;
	_ =	sdelay $0x3  }
0x3da: {  	[tilespmem:v19+s20+$0x0] =	vst.idx.msk $0xffff, v18  }
0x3db: {  	v19 =	vor.u32 v11, v16;
	v18 =	vld.idx.msk [tilespmem:v20+s17+$0x0], $0xffff  }
0x3dc: {  	v20 =	vor.u32 v12, v17;
	_ =	sdelay $0x3  }
0x3dd: {  	[tilespmem:v19+s20+$0x0] =	vst.idx.msk $0xffff, v18  }
0x3de: {  	v19 =	vor.u32 v13, v16;
	v18 =	vld.idx.msk [tilespmem:v20+s17+$0x0], $0xffff  }
0x3df: {  	v17 =	vor.u32 v14, v17;
	_ =	sdelay $0x2  }
0x3e0: {  	s6 =	sadd.s32 $0x2, s1  }
0x3e1: {  	[tilespmem:v19+s20+$0x0] =	vst.idx.msk $0xffff, v18;
	v18 =	vadd.s32 s6, v0  }
0x3e2: {  	v16 =	vor.u32 v15, v16;
	v17 =	vld.idx.msk [tilespmem:v17+s17+$0x0], $0xffff;
	v18 =	vand.u32 $0x3F, v18  }
0x3e3: {  	v19 =	vor.u32 v1, v18;
	_ =	sdelay $0x3  }
0x3e4: {  	[tilespmem:v16+s20+$0x0] =	vst.idx.msk $0xffff, v17;
	v16 =	vshll.u32 v18, $0x7  }
0x3e5: {  	v17 =	vld.idx.msk [tilespmem:v19+s17+$0x0], $0xffff;
	v19 =	vor.u32 v0, v16  }
0x3e6: {  	v20 =	vor.u32 v2, v18;
	_ =	sdelay $0x3  }
0x3e7: {  	[tilespmem:v19+s20+$0x0] =	vst.idx.msk $0xffff, v17  }
0x3e8: {  	v19 =	vor.u32 v3, v16;
	v17 =	vld.idx.msk [tilespmem:v20+s17+$0x0], $0xffff  }
0x3e9: {  	v20 =	vor.u32 v4, v18;
	_ =	sdelay $0x3  }
0x3ea: {  	[tilespmem:v19+s20+$0x0] =	vst.idx.msk $0xffff, v17  }
0x3eb: {  	v19 =	vor.u32 v5, v16;
	v17 =	vld.idx.msk [tilespmem:v20+s17+$0x0], $0xffff  }
0x3ec: {  	v20 =	vor.u32 v6, v18;
	_ =	sdelay $0x3  }
0x3ed: {  	[tilespmem:v19+s20+$0x0] =	vst.idx.msk $0xffff, v17  }
0x3ee: {  	v19 =	vor.u32 v7, v16;
	v17 =	vld.idx.msk [tilespmem:v20+s17+$0x0], $0xffff  }
0x3ef: {  	v20 =	vor.u32 v8, v18;
	_ =	sdelay $0x3  }
0x3f0: {  	[tilespmem:v19+s20+$0x0] =	vst.idx.msk $0xffff, v17  }
0x3f1: {  	v19 =	vor.u32 v9, v16;
	v17 =	vld.idx.msk [tilespmem:v20+s17+$0x0], $0xffff  }
0x3f2: {  	v20 =	vor.u32 v10, v18;
	_ =	sdelay $0x3  }
0x3f3: {  	[tilespmem:v19+s20+$0x0] =	vst.idx.msk $0xffff, v17  }
0x3f4: {  	v19 =	vor.u32 v11, v16;
	v17 =	vld.idx.msk [tilespmem:v20+s17+$0x0], $0xffff  }
0x3f5: {  	v20 =	vor.u32 v12, v18;
	_ =	sdelay $0x3  }
0x3f6: {  	[tilespmem:v19+s20+$0x0] =	vst.idx.msk $0xffff, v17  }
0x3f7: {  	v19 =	vor.u32 v13, v16;
	v17 =	vld.idx.msk [tilespmem:v20+s17+$0x0], $0xffff  }
0x3f8: {  	v18 =	vor.u32 v14, v18;
	_ =	sdelay $0x2  }
0x3f9: {  	s16 =	sadd.s32 $0x3, s1  }
0x3fa: {  	[tilespmem:v19+s20+$0x0] =	vst.idx.msk $0xffff, v17;
	v17 =	vadd.s32 s16, v0  }
0x3fb: {  	v16 =	vor.u32 v15, v16;
	v18 =	vld.idx.msk [tilespmem:v18+s17+$0x0], $0xffff;
	v17 =	vand.u32 $0x3F, v17  }
0x3fc: {  	v19 =	vor.u32 v1, v17;
	_ =	sdelay $0x3  }
0x3fd: {  	[tilespmem:v16+s20+$0x0] =	vst.idx.msk $0xffff, v18;
	v16 =	vshll.u32 v17, $0x7  }
0x3fe: {  	v18 =	vld.idx.msk [tilespmem:v19+s17+$0x0], $0xffff;
	v19 =	vor.u32 v0, v16  }
0x3ff: {  	v20 =	vor.u32 v2, v17;
	_ =	sdelay $0x3  }
0x400: {  	[tilespmem:v19+s20+$0x0] =	vst.idx.msk $0xffff, v18  }
0x401: {  	v19 =	vor.u32 v3, v16;
	v18 =	vld.idx.msk [tilespmem:v20+s17+$0x0], $0xffff  }
0x402: {  	v20 =	vor.u32 v4, v17;
	_ =	sdelay $0x3  }
0x403: {  	[tilespmem:v19+s20+$0x0] =	vst.idx.msk $0xffff, v18  }
0x404: {  	v19 =	vor.u32 v5, v16;
	v18 =	vld.idx.msk [tilespmem:v20+s17+$0x0], $0xffff  }
0x405: {  	v20 =	vor.u32 v6, v17;
	_ =	sdelay $0x3  }
0x406: {  	[tilespmem:v19+s20+$0x0] =	vst.idx.msk $0xffff, v18  }
0x407: {  	v19 =	vor.u32 v7, v16;
	v18 =	vld.idx.msk [tilespmem:v20+s17+$0x0], $0xffff  }
0x408: {  	v20 =	vor.u32 v8, v17;
	_ =	sdelay $0x3  }
0x409: {  	[tilespmem:v19+s20+$0x0] =	vst.idx.msk $0xffff, v18  }
0x40a: {  	v19 =	vor.u32 v9, v16;
	v18 =	vld.idx.msk [tilespmem:v20+s17+$0x0], $0xffff  }
0x40b: {  	v20 =	vor.u32 v10, v17;
	_ =	sdelay $0x3  }
0x40c: {  	[tilespmem:v19+s20+$0x0] =	vst.idx.msk $0xffff, v18  }
0x40d: {  	v19 =	vor.u32 v11, v16;
	v18 =	vld.idx.msk [tilespmem:v20+s17+$0x0], $0xffff  }
0x40e: {  	v20 =	vor.u32 v12, v17;
	_ =	sdelay $0x3  }
0x40f: {  	[tilespmem:v19+s20+$0x0] =	vst.idx.msk $0xffff, v18  }
0x410: {  	v19 =	vor.u32 v13, v16;
	v18 =	vld.idx.msk [tilespmem:v20+s17+$0x0], $0xffff  }
0x411: {  	v17 =	vor.u32 v14, v17;
	_ =	sdelay $0x3  }
0x412: {  	[tilespmem:v19+s20+$0x0] =	vst.idx.msk $0xffff, v18  }
0x413: {  	v16 =	vor.u32 v15, v16;
	v17 =	vld.idx.msk [tilespmem:v17+s17+$0x0], $0xffff;
	_ =	sdelay $0x4  }
0x414: {  	s0 =	sadd.s32 @!p0 $0x300, s0;
	s3 =	sadd.s32 s31, s8;
	[tilespmem:v16+s20+$0x0] =	vst.idx.msk $0xffff, v17  }
0x415: {  	[hbm4b:s3+s10] =	stream.strided.scatter [tilespmem:s20], [sflag:$0x5], $0x2000, s11, s10, $0x38;
	[tilespmem:$0x1A400] =	vst v63  }
0x416: {  	s1 =	simm.s32 @!p0 $0x80;
	s6 =	simm.s32 $0x0;
	s3 =	simm.s32 @!p0 $0xE400  }
0x417: {  	v16 =	vadd.s32 s6, v0;
	[tilespmem:s3], [sflag:$0x3] =	stream.indirect.gather @!p0 [hbm4b:s5+s1], $0x80, s0, s1, $0xb8;
	[tilespmem:$0x1A400] =	vst v63  }
0x418: {  	v16 =	vand.u32 $0x3F, v16;
	_ =	swait.ge [sflag:s25], $0x2000  }
0x419: {  	v17 =	vor.u32 v1, v16;
	[sflag:s25] =	ssyncset.done $0x0  }
0x41a: {  	[sflag:s25] =	ssyncadd.s32 $0xFFFFE000  }
0x41b: {  	_ =	swait.ge [sflag:s26], $0x4000  }
0x41c: {  	[sflag:s26] =	ssyncset.done $0x0  }
0x41d: {  	v18 =	vshll.u32 v16, $0x7;
	[sflag:s26] =	ssyncadd.s32 $0xFFFFC000  }
0x41e: {  	v19 =	vor.u32 v0, v18;
	v17 =	vld.idx.msk [tilespmem:v17+s18+$0x0], $0xffff  }
0x41f: {  	v20 =	vor.u32 v2, v16;
	_ =	sdelay $0x3  }
0x420: {  	[tilespmem:v19+s22+$0x0] =	vst.idx.msk $0xffff, v17  }
0x421: {  	v19 =	vor.u32 v3, v18;
	v17 =	vld.idx.msk [tilespmem:v20+s18+$0x0], $0xffff  }
0x422: {  	v20 =	vor.u32 v4, v16;
	_ =	sdelay $0x3  }
0x423: {  	[tilespmem:v19+s22+$0x0] =	vst.idx.msk $0xffff, v17  }
0x424: {  	v19 =	vor.u32 v5, v18;
	v17 =	vld.idx.msk [tilespmem:v20+s18+$0x0], $0xffff  }
0x425: {  	v20 =	vor.u32 v6, v16;
	_ =	sdelay $0x3  }
0x426: {  	[tilespmem:v19+s22+$0x0] =	vst.idx.msk $0xffff, v17  }
0x427: {  	v19 =	vor.u32 v7, v18;
	v17 =	vld.idx.msk [tilespmem:v20+s18+$0x0], $0xffff  }
0x428: {  	v20 =	vor.u32 v8, v16;
	_ =	sdelay $0x3  }
0x429: {  	[tilespmem:v19+s22+$0x0] =	vst.idx.msk $0xffff, v17  }
0x42a: {  	v19 =	vor.u32 v9, v18;
	v17 =	vld.idx.msk [tilespmem:v20+s18+$0x0], $0xffff  }
0x42b: {  	v20 =	vor.u32 v10, v16;
	_ =	sdelay $0x3  }
0x42c: {  	[tilespmem:v19+s22+$0x0] =	vst.idx.msk $0xffff, v17  }
0x42d: {  	v19 =	vor.u32 v11, v18;
	v17 =	vld.idx.msk [tilespmem:v20+s18+$0x0], $0xffff  }
0x42e: {  	v20 =	vor.u32 v12, v16;
	_ =	sdelay $0x3  }
0x42f: {  	[tilespmem:v19+s22+$0x0] =	vst.idx.msk $0xffff, v17  }
0x430: {  	v19 =	vor.u32 v13, v18;
	v17 =	vld.idx.msk [tilespmem:v20+s18+$0x0], $0xffff  }
0x431: {  	v16 =	vor.u32 v14, v16;
	_ =	sdelay $0x2  }
0x432: {  	s6 =	simm.s32 $0x1  }
0x433: {  	[tilespmem:v19+s22+$0x0] =	vst.idx.msk $0xffff, v17;
	v17 =	vadd.s32 s6, v0  }
0x434: {  	v18 =	vor.u32 v15, v18;
	v16 =	vld.idx.msk [tilespmem:v16+s18+$0x0], $0xffff;
	v17 =	vand.u32 $0x3F, v17  }
0x435: {  	v19 =	vor.u32 v1, v17;
	_ =	sdelay $0x3  }
0x436: {  	[tilespmem:v18+s22+$0x0] =	vst.idx.msk $0xffff, v16;
	v16 =	vshll.u32 v17, $0x7  }
0x437: {  	v18 =	vld.idx.msk [tilespmem:v19+s18+$0x0], $0xffff;
	v19 =	vor.u32 v0, v16  }
0x438: {  	v20 =	vor.u32 v2, v17;
	_ =	sdelay $0x3  }
0x439: {  	[tilespmem:v19+s22+$0x0] =	vst.idx.msk $0xffff, v18  }
0x43a: {  	v19 =	vor.u32 v3, v16;
	v18 =	vld.idx.msk [tilespmem:v20+s18+$0x0], $0xffff  }
0x43b: {  	v20 =	vor.u32 v4, v17;
	_ =	sdelay $0x3  }
0x43c: {  	[tilespmem:v19+s22+$0x0] =	vst.idx.msk $0xffff, v18  }
0x43d: {  	v19 =	vor.u32 v5, v16;
	v18 =	vld.idx.msk [tilespmem:v20+s18+$0x0], $0xffff  }
0x43e: {  	v20 =	vor.u32 v6, v17;
	_ =	sdelay $0x3  }
0x43f: {  	[tilespmem:v19+s22+$0x0] =	vst.idx.msk $0xffff, v18  }
0x440: {  	v19 =	vor.u32 v7, v16;
	v18 =	vld.idx.msk [tilespmem:v20+s18+$0x0], $0xffff  }
0x441: {  	v20 =	vor.u32 v8, v17;
	_ =	sdelay $0x3  }
0x442: {  	[tilespmem:v19+s22+$0x0] =	vst.idx.msk $0xffff, v18  }
0x443: {  	v19 =	vor.u32 v9, v16;
	v18 =	vld.idx.msk [tilespmem:v20+s18+$0x0], $0xffff  }
0x444: {  	v20 =	vor.u32 v10, v17;
	_ =	sdelay $0x3  }
0x445: {  	[tilespmem:v19+s22+$0x0] =	vst.idx.msk $0xffff, v18  }
0x446: {  	v19 =	vor.u32 v11, v16;
	v18 =	vld.idx.msk [tilespmem:v20+s18+$0x0], $0xffff  }
0x447: {  	v20 =	vor.u32 v12, v17;
	_ =	sdelay $0x3  }
0x448: {  	[tilespmem:v19+s22+$0x0] =	vst.idx.msk $0xffff, v18  }
0x449: {  	v19 =	vor.u32 v13, v16;
	v18 =	vld.idx.msk [tilespmem:v20+s18+$0x0], $0xffff  }
0x44a: {  	v17 =	vor.u32 v14, v17;
	_ =	sdelay $0x2  }
0x44b: {  	s16 =	simm.s32 $0x2  }
0x44c: {  	[tilespmem:v19+s22+$0x0] =	vst.idx.msk $0xffff, v18;
	v18 =	vadd.s32 s16, v0  }
0x44d: {  	v16 =	vor.u32 v15, v16;
	v17 =	vld.idx.msk [tilespmem:v17+s18+$0x0], $0xffff;
	v18 =	vand.u32 $0x3F, v18  }
0x44e: {  	v19 =	vor.u32 v1, v18;
	_ =	sdelay $0x3  }
0x44f: {  	[tilespmem:v16+s22+$0x0] =	vst.idx.msk $0xffff, v17;
	v16 =	vshll.u32 v18, $0x7  }
0x450: {  	v17 =	vld.idx.msk [tilespmem:v19+s18+$0x0], $0xffff;
	v19 =	vor.u32 v0, v16  }
0x451: {  	v20 =	vor.u32 v2, v18;
	_ =	sdelay $0x3  }
0x452: {  	[tilespmem:v19+s22+$0x0] =	vst.idx.msk $0xffff, v17  }
0x453: {  	v19 =	vor.u32 v3, v16;
	v17 =	vld.idx.msk [tilespmem:v20+s18+$0x0], $0xffff  }
0x454: {  	v20 =	vor.u32 v4, v18;
	_ =	sdelay $0x3  }
0x455: {  	[tilespmem:v19+s22+$0x0] =	vst.idx.msk $0xffff, v17  }
0x456: {  	v19 =	vor.u32 v5, v16;
	v17 =	vld.idx.msk [tilespmem:v20+s18+$0x0], $0xffff  }
0x457: {  	v20 =	vor.u32 v6, v18;
	_ =	sdelay $0x3  }
0x458: {  	[tilespmem:v19+s22+$0x0] =	vst.idx.msk $0xffff, v17  }
0x459: {  	v19 =	vor.u32 v7, v16;
	v17 =	vld.idx.msk [tilespmem:v20+s18+$0x0], $0xffff  }
0x45a: {  	v20 =	vor.u32 v8, v18;
	_ =	sdelay $0x3  }
0x45b: {  	[tilespmem:v19+s22+$0x0] =	vst.idx.msk $0xffff, v17  }
0x45c: {  	v19 =	vor.u32 v9, v16;
	v17 =	vld.idx.msk [tilespmem:v20+s18+$0x0], $0xffff  }
0x45d: {  	v20 =	vor.u32 v10, v18;
	_ =	sdelay $0x3  }
0x45e: {  	[tilespmem:v19+s22+$0x0] =	vst.idx.msk $0xffff, v17  }
0x45f: {  	v19 =	vor.u32 v11, v16;
	v17 =	vld.idx.msk [tilespmem:v20+s18+$0x0], $0xffff  }
0x460: {  	v20 =	vor.u32 v12, v18;
	_ =	sdelay $0x3  }
0x461: {  	[tilespmem:v19+s22+$0x0] =	vst.idx.msk $0xffff, v17  }
0x462: {  	v19 =	vor.u32 v13, v16;
	v17 =	vld.idx.msk [tilespmem:v20+s18+$0x0], $0xffff  }
0x463: {  	v18 =	vor.u32 v14, v18;
	_ =	sdelay $0x2  }
0x464: {  	s31 =	simm.s32 $0x3  }
0x465: {  	[tilespmem:v19+s22+$0x0] =	vst.idx.msk $0xffff, v17;
	v17 =	vadd.s32 s31, v0  }
0x466: {  	v16 =	vor.u32 v15, v16;
	v18 =	vld.idx.msk [tilespmem:v18+s18+$0x0], $0xffff;
	v17 =	vand.u32 $0x3F, v17  }
0x467: {  	v19 =	vor.u32 v1, v17;
	_ =	sdelay $0x3  }
0x468: {  	[tilespmem:v16+s22+$0x0] =	vst.idx.msk $0xffff, v18;
	v16 =	vshll.u32 v17, $0x7  }
0x469: {  	v18 =	vld.idx.msk [tilespmem:v19+s18+$0x0], $0xffff;
	v19 =	vor.u32 v0, v16  }
0x46a: {  	v20 =	vor.u32 v2, v17;
	_ =	sdelay $0x3  }
0x46b: {  	[tilespmem:v19+s22+$0x0] =	vst.idx.msk $0xffff, v18  }
0x46c: {  	v19 =	vor.u32 v3, v16;
	v18 =	vld.idx.msk [tilespmem:v20+s18+$0x0], $0xffff  }
0x46d: {  	v20 =	vor.u32 v4, v17;
	_ =	sdelay $0x3  }
0x46e: {  	[tilespmem:v19+s22+$0x0] =	vst.idx.msk $0xffff, v18  }
0x46f: {  	v19 =	vor.u32 v5, v16;
	v18 =	vld.idx.msk [tilespmem:v20+s18+$0x0], $0xffff  }
0x470: {  	v20 =	vor.u32 v6, v17;
	_ =	sdelay $0x3  }
0x471: {  	[tilespmem:v19+s22+$0x0] =	vst.idx.msk $0xffff, v18  }
0x472: {  	v19 =	vor.u32 v7, v16;
	v18 =	vld.idx.msk [tilespmem:v20+s18+$0x0], $0xffff  }
0x473: {  	v20 =	vor.u32 v8, v17;
	_ =	sdelay $0x3  }
0x474: {  	[tilespmem:v19+s22+$0x0] =	vst.idx.msk $0xffff, v18  }
0x475: {  	v19 =	vor.u32 v9, v16;
	v18 =	vld.idx.msk [tilespmem:v20+s18+$0x0], $0xffff  }
0x476: {  	v20 =	vor.u32 v10, v17;
	_ =	sdelay $0x3  }
0x477: {  	[tilespmem:v19+s22+$0x0] =	vst.idx.msk $0xffff, v18  }
0x478: {  	v19 =	vor.u32 v11, v16;
	v18 =	vld.idx.msk [tilespmem:v20+s18+$0x0], $0xffff  }
0x479: {  	v20 =	vor.u32 v12, v17;
	_ =	sdelay $0x3  }
0x47a: {  	[tilespmem:v19+s22+$0x0] =	vst.idx.msk $0xffff, v18  }
0x47b: {  	v19 =	vor.u32 v13, v16;
	v18 =	vld.idx.msk [tilespmem:v20+s18+$0x0], $0xffff  }
0x47c: {  	v17 =	vor.u32 v14, v17;
	_ =	sdelay $0x3  }
0x47d: {  	s0 =	simm.s32 $0x4;
	[tilespmem:v19+s22+$0x0] =	vst.idx.msk $0xffff, v18  }
0x47e: {  	s1 =	simm.s32 $0x8;
	v18 =	vadd.s32 s0, v0;
	v17 =	vld.idx.msk [tilespmem:v17+s18+$0x0], $0xffff  }
.LBB2_9:
0x47f: {  	p0 =	sne.s32 s1, $0x3C;
	v18 =	vand.u32 $0x3F, v18;
	v16 =	vor.u32 v15, v16  }
0x480: {  	v19 =	vor.u32 v1, v18;
	_ =	sdelay $0x3  }
0x481: {  	[tilespmem:v16+s22+$0x0] =	vst.idx.msk $0xffff, v17  }
0x482: {  	v17 =	vshll.u32 v18, $0x7;
	v16 =	vld.idx.msk [tilespmem:v19+s18+$0x0], $0xffff  }
0x483: {  	v19 =	vor.u32 v0, v17  }
0x484: {  	v20 =	vor.u32 v2, v18;
	_ =	sdelay $0x3  }
0x485: {  	[tilespmem:v19+s22+$0x0] =	vst.idx.msk $0xffff, v16  }
0x486: {  	v16 =	vld.idx.msk [tilespmem:v20+s18+$0x0], $0xffff  }
0x487: {  	v19 =	vor.u32 v3, v17  }
0x488: {  	v20 =	vor.u32 v4, v18;
	_ =	sdelay $0x3  }
0x489: {  	[tilespmem:v19+s22+$0x0] =	vst.idx.msk $0xffff, v16  }
0x48a: {  	v16 =	vld.idx.msk [tilespmem:v20+s18+$0x0], $0xffff  }
0x48b: {  	v19 =	vor.u32 v5, v17  }
0x48c: {  	v20 =	vor.u32 v6, v18;
	_ =	sdelay $0x3  }
0x48d: {  	[tilespmem:v19+s22+$0x0] =	vst.idx.msk $0xffff, v16  }
0x48e: {  	v16 =	vld.idx.msk [tilespmem:v20+s18+$0x0], $0xffff  }
0x48f: {  	v19 =	vor.u32 v7, v17  }
0x490: {  	v20 =	vor.u32 v8, v18;
	_ =	sdelay $0x3  }
0x491: {  	[tilespmem:v19+s22+$0x0] =	vst.idx.msk $0xffff, v16  }
0x492: {  	v16 =	vld.idx.msk [tilespmem:v20+s18+$0x0], $0xffff  }
0x493: {  	v19 =	vor.u32 v9, v17  }
0x494: {  	v20 =	vor.u32 v10, v18;
	_ =	sdelay $0x3  }
0x495: {  	[tilespmem:v19+s22+$0x0] =	vst.idx.msk $0xffff, v16  }
0x496: {  	v16 =	vld.idx.msk [tilespmem:v20+s18+$0x0], $0xffff  }
0x497: {  	v19 =	vor.u32 v11, v17  }
0x498: {  	v20 =	vor.u32 v12, v18;
	_ =	sdelay $0x3  }
0x499: {  	[tilespmem:v19+s22+$0x0] =	vst.idx.msk $0xffff, v16  }
0x49a: {  	v16 =	vld.idx.msk [tilespmem:v20+s18+$0x0], $0xffff  }
0x49b: {  	v19 =	vor.u32 v13, v17  }
0x49c: {  	v18 =	vor.u32 v14, v18;
	_ =	sdelay $0x3  }
0x49d: {  	s3 =	sadd.s32 $0x1, s0;
	[tilespmem:v19+s22+$0x0] =	vst.idx.msk $0xffff, v16  }
0x49e: {  	v16 =	vld.idx.msk [tilespmem:v18+s18+$0x0], $0xffff;
	v18 =	vadd.s32 s3, v0  }
0x49f: {  	v17 =	vor.u32 v15, v17;
	v18 =	vand.u32 $0x3F, v18  }
0x4a0: {  	v19 =	vor.u32 v1, v18;
	_ =	sdelay $0x3  }
0x4a1: {  	[tilespmem:v17+s22+$0x0] =	vst.idx.msk $0xffff, v16  }
0x4a2: {  	v17 =	vshll.u32 v18, $0x7;
	v16 =	vld.idx.msk [tilespmem:v19+s18+$0x0], $0xffff  }
0x4a3: {  	v19 =	vor.u32 v0, v17  }
0x4a4: {  	v20 =	vor.u32 v2, v18;
	_ =	sdelay $0x3  }
0x4a5: {  	[tilespmem:v19+s22+$0x0] =	vst.idx.msk $0xffff, v16  }
0x4a6: {  	v16 =	vld.idx.msk [tilespmem:v20+s18+$0x0], $0xffff  }
0x4a7: {  	v19 =	vor.u32 v3, v17  }
0x4a8: {  	v20 =	vor.u32 v4, v18;
	_ =	sdelay $0x3  }
0x4a9: {  	[tilespmem:v19+s22+$0x0] =	vst.idx.msk $0xffff, v16  }
0x4aa: {  	v16 =	vld.idx.msk [tilespmem:v20+s18+$0x0], $0xffff  }
0x4ab: {  	v19 =	vor.u32 v5, v17  }
0x4ac: {  	v20 =	vor.u32 v6, v18;
	_ =	sdelay $0x3  }
0x4ad: {  	[tilespmem:v19+s22+$0x0] =	vst.idx.msk $0xffff, v16  }
0x4ae: {  	v16 =	vld.idx.msk [tilespmem:v20+s18+$0x0], $0xffff  }
0x4af: {  	v19 =	vor.u32 v7, v17  }
0x4b0: {  	v20 =	vor.u32 v8, v18;
	_ =	sdelay $0x3  }
0x4b1: {  	[tilespmem:v19+s22+$0x0] =	vst.idx.msk $0xffff, v16  }
0x4b2: {  	v16 =	vld.idx.msk [tilespmem:v20+s18+$0x0], $0xffff  }
0x4b3: {  	v19 =	vor.u32 v9, v17  }
0x4b4: {  	v20 =	vor.u32 v10, v18;
	_ =	sdelay $0x3  }
0x4b5: {  	[tilespmem:v19+s22+$0x0] =	vst.idx.msk $0xffff, v16  }
0x4b6: {  	v16 =	vld.idx.msk [tilespmem:v20+s18+$0x0], $0xffff  }
0x4b7: {  	v19 =	vor.u32 v11, v17  }
0x4b8: {  	v20 =	vor.u32 v12, v18;
	_ =	sdelay $0x3  }
0x4b9: {  	[tilespmem:v19+s22+$0x0] =	vst.idx.msk $0xffff, v16  }
0x4ba: {  	v16 =	vld.idx.msk [tilespmem:v20+s18+$0x0], $0xffff  }
0x4bb: {  	v19 =	vor.u32 v13, v17  }
0x4bc: {  	v18 =	vor.u32 v14, v18;
	_ =	sdelay $0x3  }
0x4bd: {  	s3 =	sadd.s32 $0x2, s0;
	[tilespmem:v19+s22+$0x0] =	vst.idx.msk $0xffff, v16  }
0x4be: {  	v16 =	vld.idx.msk [tilespmem:v18+s18+$0x0], $0xffff;
	v18 =	vadd.s32 s3, v0  }
0x4bf: {  	v17 =	vor.u32 v15, v17;
	v18 =	vand.u32 $0x3F, v18  }
0x4c0: {  	v19 =	vor.u32 v1, v18;
	_ =	sdelay $0x3  }
0x4c1: {  	[tilespmem:v17+s22+$0x0] =	vst.idx.msk $0xffff, v16  }
0x4c2: {  	v17 =	vshll.u32 v18, $0x7;
	v16 =	vld.idx.msk [tilespmem:v19+s18+$0x0], $0xffff  }
0x4c3: {  	v19 =	vor.u32 v0, v17  }
0x4c4: {  	v20 =	vor.u32 v2, v18;
	_ =	sdelay $0x3  }
0x4c5: {  	[tilespmem:v19+s22+$0x0] =	vst.idx.msk $0xffff, v16  }
0x4c6: {  	v16 =	vld.idx.msk [tilespmem:v20+s18+$0x0], $0xffff  }
0x4c7: {  	v19 =	vor.u32 v3, v17  }
0x4c8: {  	v20 =	vor.u32 v4, v18;
	_ =	sdelay $0x3  }
0x4c9: {  	[tilespmem:v19+s22+$0x0] =	vst.idx.msk $0xffff, v16  }
0x4ca: {  	v16 =	vld.idx.msk [tilespmem:v20+s18+$0x0], $0xffff  }
0x4cb: {  	v19 =	vor.u32 v5, v17  }
0x4cc: {  	v20 =	vor.u32 v6, v18;
	_ =	sdelay $0x3  }
0x4cd: {  	[tilespmem:v19+s22+$0x0] =	vst.idx.msk $0xffff, v16  }
0x4ce: {  	v16 =	vld.idx.msk [tilespmem:v20+s18+$0x0], $0xffff  }
0x4cf: {  	v19 =	vor.u32 v7, v17  }
0x4d0: {  	v20 =	vor.u32 v8, v18;
	_ =	sdelay $0x3  }
0x4d1: {  	[tilespmem:v19+s22+$0x0] =	vst.idx.msk $0xffff, v16  }
0x4d2: {  	v16 =	vld.idx.msk [tilespmem:v20+s18+$0x0], $0xffff  }
0x4d3: {  	v19 =	vor.u32 v9, v17  }
0x4d4: {  	v20 =	vor.u32 v10, v18;
	_ =	sdelay $0x3  }
0x4d5: {  	[tilespmem:v19+s22+$0x0] =	vst.idx.msk $0xffff, v16  }
0x4d6: {  	v16 =	vld.idx.msk [tilespmem:v20+s18+$0x0], $0xffff  }
0x4d7: {  	v19 =	vor.u32 v11, v17  }
0x4d8: {  	v20 =	vor.u32 v12, v18;
	_ =	sdelay $0x3  }
0x4d9: {  	[tilespmem:v19+s22+$0x0] =	vst.idx.msk $0xffff, v16  }
0x4da: {  	v16 =	vld.idx.msk [tilespmem:v20+s18+$0x0], $0xffff  }
0x4db: {  	v19 =	vor.u32 v13, v17  }
0x4dc: {  	v18 =	vor.u32 v14, v18;
	_ =	sdelay $0x3  }
0x4dd: {  	s3 =	sadd.s32 $0x3, s0;
	s0 =	smov.u32 s1;
	[tilespmem:v19+s22+$0x0] =	vst.idx.msk $0xffff, v16  }
0x4de: {  	v16 =	vld.idx.msk [tilespmem:v18+s18+$0x0], $0xffff;
	v18 =	vadd.s32 s3, v0  }
0x4df: {  	v17 =	vor.u32 v15, v17;
	v18 =	vand.u32 $0x3F, v18  }
0x4e0: {  	v19 =	vor.u32 v1, v18;
	_ =	sdelay $0x3  }
0x4e1: {  	[tilespmem:v17+s22+$0x0] =	vst.idx.msk $0xffff, v16  }
0x4e2: {  	v16 =	vshll.u32 v18, $0x7;
	v17 =	vld.idx.msk [tilespmem:v19+s18+$0x0], $0xffff  }
0x4e3: {  	v19 =	vor.u32 v0, v16  }
0x4e4: {  	v20 =	vor.u32 v2, v18;
	_ =	sdelay $0x3  }
0x4e5: {  	[tilespmem:v19+s22+$0x0] =	vst.idx.msk $0xffff, v17  }
0x4e6: {  	v17 =	vld.idx.msk [tilespmem:v20+s18+$0x0], $0xffff  }
0x4e7: {  	v19 =	vor.u32 v3, v16  }
0x4e8: {  	v20 =	vor.u32 v4, v18;
	_ =	sdelay $0x3  }
0x4e9: {  	[tilespmem:v19+s22+$0x0] =	vst.idx.msk $0xffff, v17  }
0x4ea: {  	v17 =	vld.idx.msk [tilespmem:v20+s18+$0x0], $0xffff  }
0x4eb: {  	v19 =	vor.u32 v5, v16  }
0x4ec: {  	v20 =	vor.u32 v6, v18;
	_ =	sdelay $0x3  }
0x4ed: {  	[tilespmem:v19+s22+$0x0] =	vst.idx.msk $0xffff, v17  }
0x4ee: {  	v17 =	vld.idx.msk [tilespmem:v20+s18+$0x0], $0xffff  }
0x4ef: {  	v19 =	vor.u32 v7, v16  }
0x4f0: {  	v20 =	vor.u32 v8, v18;
	_ =	sdelay $0x3  }
0x4f1: {  	[tilespmem:v19+s22+$0x0] =	vst.idx.msk $0xffff, v17  }
0x4f2: {  	v17 =	vld.idx.msk [tilespmem:v20+s18+$0x0], $0xffff  }
0x4f3: {  	v19 =	vor.u32 v9, v16  }
0x4f4: {  	v20 =	vor.u32 v10, v18;
	_ =	sdelay $0x3  }
0x4f5: {  	[tilespmem:v19+s22+$0x0] =	vst.idx.msk $0xffff, v17  }
0x4f6: {  	v17 =	vld.idx.msk [tilespmem:v20+s18+$0x0], $0xffff  }
0x4f7: {  	v19 =	vor.u32 v11, v16  }
0x4f8: {  	v20 =	vor.u32 v12, v18;
	_ =	sdelay $0x3  }
0x4f9: {  	[tilespmem:v19+s22+$0x0] =	vst.idx.msk $0xffff, v17  }
0x4fa: {  	v17 =	vld.idx.msk [tilespmem:v20+s18+$0x0], $0xffff  }
0x4fb: {  	v19 =	vor.u32 v13, v16  }
0x4fc: {  	v20 =	vor.u32 v14, v18  }
.Ltmp3:
0x4fd: {  	(pc) =	sbr.rel @p0 .LBB2_9-.Ltmp3, $3  }
0x4fe: {  	_ =	sdelay $0x1  }
0x4ff: {  	[tilespmem:v19+s22+$0x0] =	vst.idx.msk $0xffff, v17  }
0x500: {  	s1 =	sadd.s32 $0x4, s1;
	v18 =	vadd.s32 s0, v0;
	v17 =	vld.idx.msk [tilespmem:v20+s18+$0x0], $0xffff  }
0x501: {  	v18 =	vand.u32 $0x3F, v18;
	v16 =	vor.u32 v15, v16  }
0x502: {  	v19 =	vor.u32 v1, v18;
	_ =	sdelay $0x3  }
0x503: {  	[tilespmem:v16+s22+$0x0] =	vst.idx.msk $0xffff, v17;
	v16 =	vshll.u32 v18, $0x7  }
0x504: {  	v17 =	vld.idx.msk [tilespmem:v19+s18+$0x0], $0xffff;
	v49 =	vor.u32 v0, v16  }
0x505: {  	v20 =	vor.u32 v2, v18;
	_ =	sdelay $0x3  }
0x506: {  	[tilespmem:v49+s22+$0x0] =	vst.idx.msk $0xffff, v17  }
0x507: {  	v50 =	vor.u32 v3, v16;
	v17 =	vld.idx.msk [tilespmem:v20+s18+$0x0], $0xffff  }
0x508: {  	v51 =	vor.u32 v4, v18;
	_ =	sdelay $0x3  }
0x509: {  	[tilespmem:v50+s22+$0x0] =	vst.idx.msk $0xffff, v17  }
0x50a: {  	v52 =	vor.u32 v5, v16;
	v17 =	vld.idx.msk [tilespmem:v51+s18+$0x0], $0xffff  }
0x50b: {  	v53 =	vor.u32 v6, v18;
	_ =	sdelay $0x3  }
0x50c: {  	[tilespmem:v52+s22+$0x0] =	vst.idx.msk $0xffff, v17  }
0x50d: {  	v54 =	vor.u32 v7, v16;
	v17 =	vld.idx.msk [tilespmem:v53+s18+$0x0], $0xffff  }
0x50e: {  	v55 =	vor.u32 v8, v18;
	_ =	sdelay $0x3  }
0x50f: {  	[tilespmem:v54+s22+$0x0] =	vst.idx.msk $0xffff, v17  }
0x510: {  	v56 =	vor.u32 v9, v16;
	v17 =	vld.idx.msk [tilespmem:v55+s18+$0x0], $0xffff  }
0x511: {  	v57 =	vor.u32 v10, v18;
	_ =	sdelay $0x3  }
0x512: {  	[tilespmem:v56+s22+$0x0] =	vst.idx.msk $0xffff, v17  }
0x513: {  	v58 =	vor.u32 v11, v16;
	v17 =	vld.idx.msk [tilespmem:v57+s18+$0x0], $0xffff  }
0x514: {  	v59 =	vor.u32 v12, v18;
	_ =	sdelay $0x3  }
0x515: {  	[tilespmem:v58+s22+$0x0] =	vst.idx.msk $0xffff, v17  }
0x516: {  	v60 =	vor.u32 v13, v16;
	v17 =	vld.idx.msk [tilespmem:v59+s18+$0x0], $0xffff  }
0x517: {  	v18 =	vor.u32 v14, v18;
	_ =	sdelay $0x2  }
0x518: {  	s1 =	sadd.s32 $0x1, s0  }
0x519: {  	[tilespmem:v60+s22+$0x0] =	vst.idx.msk $0xffff, v17;
	v17 =	vadd.s32 s1, v0  }
0x51a: {  	v16 =	vor.u32 v15, v16;
	v18 =	vld.idx.msk [tilespmem:v18+s18+$0x0], $0xffff;
	v17 =	vand.u32 $0x3F, v17  }
0x51b: {  	v61 =	vor.u32 v1, v17;
	_ =	sdelay $0x3  }
0x51c: {  	[tilespmem:v16+s22+$0x0] =	vst.idx.msk $0xffff, v18;
	v16 =	vshll.u32 v17, $0x7  }
0x51d: {  	v18 =	vld.idx.msk [tilespmem:v61+s18+$0x0], $0xffff;
	v62 =	vor.u32 v0, v16  }
0x51e: {  	v63 =	vor.u32 v2, v17;
	_ =	sdelay $0x3  }
0x51f: {  	[tilespmem:v62+s22+$0x0] =	vst.idx.msk $0xffff, v18  }
0x520: {  	v24 =	vor.u32 v3, v16;
	v18 =	vld.idx.msk [tilespmem:v63+s18+$0x0], $0xffff  }
0x521: {  	v25 =	vor.u32 v4, v17;
	_ =	sdelay $0x3  }
0x522: {  	[tilespmem:v24+s22+$0x0] =	vst.idx.msk $0xffff, v18  }
0x523: {  	v26 =	vor.u32 v5, v16;
	v18 =	vld.idx.msk [tilespmem:v25+s18+$0x0], $0xffff  }
0x524: {  	v27 =	vor.u32 v6, v17;
	_ =	sdelay $0x3  }
0x525: {  	[tilespmem:v26+s22+$0x0] =	vst.idx.msk $0xffff, v18  }
0x526: {  	v28 =	vor.u32 v7, v16;
	v18 =	vld.idx.msk [tilespmem:v27+s18+$0x0], $0xffff  }
0x527: {  	v29 =	vor.u32 v8, v17;
	_ =	sdelay $0x3  }
0x528: {  	[tilespmem:v28+s22+$0x0] =	vst.idx.msk $0xffff, v18  }
0x529: {  	v30 =	vor.u32 v9, v16;
	v18 =	vld.idx.msk [tilespmem:v29+s18+$0x0], $0xffff  }
0x52a: {  	v31 =	vor.u32 v10, v17;
	_ =	sdelay $0x3  }
0x52b: {  	[tilespmem:v30+s22+$0x0] =	vst.idx.msk $0xffff, v18  }
0x52c: {  	v32 =	vor.u32 v11, v16;
	v18 =	vld.idx.msk [tilespmem:v31+s18+$0x0], $0xffff  }
0x52d: {  	v33 =	vor.u32 v12, v17;
	_ =	sdelay $0x3  }
0x52e: {  	[tilespmem:v32+s22+$0x0] =	vst.idx.msk $0xffff, v18  }
0x52f: {  	v34 =	vor.u32 v13, v16;
	v18 =	vld.idx.msk [tilespmem:v33+s18+$0x0], $0xffff  }
0x530: {  	v17 =	vor.u32 v14, v17;
	_ =	sdelay $0x2  }
0x531: {  	s6 =	sadd.s32 $0x2, s0  }
0x532: {  	v35 =	vadd.s32 s6, v0;
	[tilespmem:v34+s22+$0x0] =	vst.idx.msk $0xffff, v18  }
0x533: {  	v16 =	vor.u32 v15, v16;
	v18 =	vand.u32 $0x3F, v35;
	v17 =	vld.idx.msk [tilespmem:v17+s18+$0x0], $0xffff  }
0x534: {  	v36 =	vor.u32 v1, v18;
	_ =	sdelay $0x3  }
0x535: {  	[tilespmem:v16+s22+$0x0] =	vst.idx.msk $0xffff, v17;
	v16 =	vshll.u32 v18, $0x7  }
0x536: {  	v17 =	vld.idx.msk [tilespmem:v36+s18+$0x0], $0xffff;
	v37 =	vor.u32 v0, v16  }
0x537: {  	v38 =	vor.u32 v2, v18;
	_ =	sdelay $0x3  }
0x538: {  	[tilespmem:v37+s22+$0x0] =	vst.idx.msk $0xffff, v17  }
0x539: {  	v39 =	vor.u32 v3, v16;
	v17 =	vld.idx.msk [tilespmem:v38+s18+$0x0], $0xffff  }
0x53a: {  	v40 =	vor.u32 v4, v18;
	_ =	sdelay $0x3  }
0x53b: {  	[tilespmem:v39+s22+$0x0] =	vst.idx.msk $0xffff, v17  }
0x53c: {  	v41 =	vor.u32 v5, v16;
	v17 =	vld.idx.msk [tilespmem:v40+s18+$0x0], $0xffff  }
0x53d: {  	v42 =	vor.u32 v6, v18;
	_ =	sdelay $0x3  }
0x53e: {  	[tilespmem:v41+s22+$0x0] =	vst.idx.msk $0xffff, v17  }
0x53f: {  	v43 =	vor.u32 v7, v16;
	v17 =	vld.idx.msk [tilespmem:v42+s18+$0x0], $0xffff  }
0x540: {  	v44 =	vor.u32 v8, v18;
	_ =	sdelay $0x3  }
0x541: {  	[tilespmem:v43+s22+$0x0] =	vst.idx.msk $0xffff, v17  }
0x542: {  	v45 =	vor.u32 v9, v16;
	v17 =	vld.idx.msk [tilespmem:v44+s18+$0x0], $0xffff  }
0x543: {  	v46 =	vor.u32 v10, v18;
	_ =	sdelay $0x3  }
0x544: {  	[tilespmem:v45+s22+$0x0] =	vst.idx.msk $0xffff, v17  }
0x545: {  	v47 =	vor.u32 v11, v16;
	v17 =	vld.idx.msk [tilespmem:v46+s18+$0x0], $0xffff  }
0x546: {  	v48 =	vor.u32 v12, v18;
	_ =	sdelay $0x3  }
0x547: {  	[tilespmem:v47+s22+$0x0] =	vst.idx.msk $0xffff, v17  }
0x548: {  	v49 =	vor.u32 v13, v16;
	v17 =	vld.idx.msk [tilespmem:v48+s18+$0x0], $0xffff  }
0x549: {  	v18 =	vor.u32 v14, v18;
	_ =	sdelay $0x2  }
0x54a: {  	s16 =	sadd.s32 $0x3, s0  }
0x54b: {  	[tilespmem:v49+s22+$0x0] =	vst.idx.msk $0xffff, v17;
	v17 =	vadd.s32 s16, v0  }
0x54c: {  	v16 =	vor.u32 v15, v16;
	v18 =	vld.idx.msk [tilespmem:v18+s18+$0x0], $0xffff;
	v17 =	vand.u32 $0x3F, v17  }
0x54d: {  	v50 =	vor.u32 v1, v17;
	_ =	sdelay $0x3  }
0x54e: {  	[tilespmem:v16+s22+$0x0] =	vst.idx.msk $0xffff, v18;
	v16 =	vshll.u32 v17, $0x7  }
0x54f: {  	v18 =	vld.idx.msk [tilespmem:v50+s18+$0x0], $0xffff;
	v51 =	vor.u32 v0, v16  }
0x550: {  	v52 =	vor.u32 v2, v17;
	_ =	sdelay $0x3  }
0x551: {  	[tilespmem:v51+s22+$0x0] =	vst.idx.msk $0xffff, v18  }
0x552: {  	v53 =	vor.u32 v3, v16;
	v18 =	vld.idx.msk [tilespmem:v52+s18+$0x0], $0xffff  }
0x553: {  	v54 =	vor.u32 v4, v17;
	_ =	sdelay $0x3  }
0x554: {  	[tilespmem:v53+s22+$0x0] =	vst.idx.msk $0xffff, v18  }
0x555: {  	v55 =	vor.u32 v5, v16;
	v18 =	vld.idx.msk [tilespmem:v54+s18+$0x0], $0xffff  }
0x556: {  	v56 =	vor.u32 v6, v17;
	_ =	sdelay $0x3  }
0x557: {  	[tilespmem:v55+s22+$0x0] =	vst.idx.msk $0xffff, v18  }
0x558: {  	v57 =	vor.u32 v7, v16;
	v18 =	vld.idx.msk [tilespmem:v56+s18+$0x0], $0xffff  }
0x559: {  	v58 =	vor.u32 v8, v17;
	_ =	sdelay $0x3  }
0x55a: {  	[tilespmem:v57+s22+$0x0] =	vst.idx.msk $0xffff, v18  }
0x55b: {  	v59 =	vor.u32 v9, v16;
	v18 =	vld.idx.msk [tilespmem:v58+s18+$0x0], $0xffff  }
0x55c: {  	v60 =	vor.u32 v10, v17;
	_ =	sdelay $0x3  }
0x55d: {  	[tilespmem:v59+s22+$0x0] =	vst.idx.msk $0xffff, v18  }
0x55e: {  	v61 =	vor.u32 v11, v16;
	v18 =	vld.idx.msk [tilespmem:v60+s18+$0x0], $0xffff  }
0x55f: {  	v62 =	vor.u32 v12, v17;
	_ =	sdelay $0x3  }
0x560: {  	[tilespmem:v61+s22+$0x0] =	vst.idx.msk $0xffff, v18  }
0x561: {  	v63 =	vor.u32 v13, v16;
	v18 =	vld.idx.msk [tilespmem:v62+s18+$0x0], $0xffff  }
0x562: {  	v17 =	vor.u32 v14, v17;
	_ =	sdelay $0x3  }
0x563: {  	[tilespmem:v63+s22+$0x0] =	vst.idx.msk $0xffff, v18  }
0x564: {  	s29 =	sadd.s32 $0x1, s29;
	v16 =	vor.u32 v15, v16;
	v17 =	vld.idx.msk [tilespmem:v17+s18+$0x0], $0xffff  }
0x565: {  	p0 =	sne.s32 s29, $0x32  }
.Ltmp4:
0x566: {  	s31 =	sshll.u32 s30, $0x12;
	(pc) =	sbr.rel @p0 .LBB2_2-.Ltmp4, $4  }
0x567: {  	s0 =	sor.u32 s4, s31  }
0x568: {  	s0 =	sshrl.u32 s0, $0x3  }
0x569: {  	s0 =	sadd.s32 s2, s0;
	[tilespmem:v16+s22+$0x0] =	vst.idx.msk $0xffff, v17  }
0x56a: {  	[hbm4b:s0+s10] =	stream.strided.scatter [tilespmem:s22], [sflag:$0x6], $0x2000, s11, s10, $0x38;
	[tilespmem:$0x1A400] =	vst v63  }
0x56b: {  	s28 =	sadd.s32 $0x1, s28  }
0x56c: {  	_ =	swait.ge [sflag:s23], $0x2000;
	p0 =	sne.s32 s28, s9  }
.Ltmp5:
0x56d: {  	[sflag:s23] =	ssyncset.done $0x0;
	(pc) =	sbr.rel @p0 .LBB2_1-.Ltmp5, $4  }
0x56e: {  	[sflag:s23] =	ssyncadd.s32 $0xFFFFE000  }
0x56f: {  	_ =	swait.ge [sflag:s25], $0x2000  }
0x570: {  	[sflag:s25] =	ssyncset.done $0x0  }
0x571: {  	[sflag:s25] =	ssyncadd.s32 $0xFFFFE000  }
0x572: {  	_ =	sfence.sel $0x180000  }
0x573: {  	[bflag:$0x0] =	sbarrier.arrive $0xFFFF  }
0x574: {  	_ =	strace $0x90000047  }
0x575: {  	s0 =	stileid.u32;
	[bflag:$0x2] =	sbarrier.arrive $0xFFFF  }
0x576: {  	p0 =	sne.s32 s0, $0x0;
	s0 =	rddreg [dreg:$0x3]  }
0x577: {  	s0 =	sadd.s32 @!p0 $0x100000, s0  }
0x578: {  	[sflag:s0] =	ssyncadd.tile.s32 @!p0 $0x1;
	_ =	shalt  }
.Lfunc_end2:
_tile_overlayer_lowered:
.L_overlay_start_2:
0x579: {  	(tag) =	ssettag $0x2  }
0x57a: {  	s0 =	rddreg [dreg:$0x0];
	s2 =	stileid.u32  }
0x57b: {  	s1 =	rddreg [dreg:$0x1];
	p0 =	sne.s32 s2, $0x0  }
0x57c: {  	s3 =	rddreg [dreg:$0x2];
	[bflag:$0x3] =	sbarrier.arrive $0xFFFF;
	s2 =	simm.s32 @!p0 $0x1C07  }
0x57d: {  	[timem:s3], [sflag:s2] =	dma.local @!p0 [hbm:s0], s1  }
0x57e: {  	s0 =	simm.s32 @!p0 $0x7  }
0x57f: {  	_ =	swait.ge @!p0 [sflag:s0], s1  }
0x580: {  	s1 =	ssub.s32 @!p0 $0x0, s1;
	[sflag:s0] =	ssyncset.done @!p0 $0x0  }
0x581: {  	[sflag:s0] =	ssyncadd.s32 @!p0 s1  }
0x582: {  	[bflag:$0x3] =	sbarrier.arrive $0xFFFF  }
0x583: {  	_ =	shalt  }

</sc_bundles>
